<compile_context>
chip_gen: v7x
topology: tpu7x:2x2x1
jax: 0.10.2.dev20260603
libtpu: 0.0.44.dev20260713+nightly
codegen_flags: <defaults>
</compile_context>

<pallas_src>
import functools

import jax
import jax.numpy as jnp
from jax import lax
from jax.experimental import pallas as pl
from jax.experimental.pallas import tpu as pltpu
from jax.experimental.pallas import tpu_sc as plsc

_B, _C, _H, _W = 16, 3, 512, 512
_PLANE = _H * _W
_NTOT = 16 ** 3
_ROWS = 8
_NCHUNK = (_H // 2) // _ROWS
_L = 16
_UNROLL = 8


_mesh = plsc.VectorSubcoreMesh(core_axis_name="c", subcore_axis_name="s")


@functools.partial(
    pl.kernel,
    out_type=jax.ShapeDtypeStruct((2, _B, _NTOT), jnp.float32),
    mesh=_mesh,
    scratch_types=[
        pltpu.VMEM((_ROWS, _W), jnp.float32),
        pltpu.VMEM((_ROWS, _W), jnp.float32),
        pltpu.VMEM((_ROWS, _W), jnp.float32),
        pltpu.VMEM((_ROWS, _W), jnp.float32),
        pltpu.VMEM((_ROWS, _W), jnp.float32),
        pltpu.VMEM((_ROWS, _W), jnp.float32),
        pltpu.VMEM((_NTOT,), jnp.float32),
        pltpu.SemaphoreType.DMA,
        pltpu.SemaphoreType.DMA,
    ],
    compiler_params=pltpu.CompilerParams(needs_layout_passes=False),
)
def _hist_sc(img_hbm, out_hbm, b00, b01, b02, b10, b11, b12, hist, sem0, sem1):
    bufs = ((b00, b01, b02), (b10, b11, b12))
    nc = _mesh.num_cores
    wid = lax.axis_index("s") * nc + lax.axis_index("c")
    img = wid // 2
    half = wid % 2
    row_base = half * (_H // 2)
    sems = (sem0, sem1)

    def start(k, slot):
        kc = jnp.minimum(k, _NCHUNK - 1)
        r0 = row_base + kc * _ROWS
        for c in range(_C):
            pltpu.async_copy(
                img_hbm.at[img, c, pl.ds(r0, _ROWS), :],
                bufs[slot][c],
                sems[slot],
            )

    def wait(slot):
        for c in range(_C):
            pltpu.make_async_copy(
                img_hbm.at[img, c, pl.ds(row_base, _ROWS), :],
                bufs[slot][c],
                sems[slot],
            ).wait()

    ones = jnp.ones((_L,), jnp.float32)

    vregs_per_row = _W // (_L * _UNROLL)

    def process(slot):
        @plsc.parallel_loop(0, _ROWS * vregs_per_row, unroll=2)
        def body(v):
            row = v // vregs_per_row
            base_col = (v % vregs_per_row) * (_L * _UNROLL)
            vals = [
                bufs[slot][c][row, pl.ds(base_col + u * _L, _L)]
                for c in range(_C)
                for u in range(_UNROLL)
            ]
            t = [x * 8.0 for x in vals]
            t = [x + 23.5 for x in t]
            t = [jnp.maximum(x, 16.0) for x in t]
            t = [jnp.minimum(x, 31.0) for x in t]
            t = [x + 8388608.0 for x in t]
            t = [plsc.bitcast(x, jnp.int32) for x in t]
            binvs = [
                t[u] + (t[_UNROLL + u] << 4) + (t[2 * _UNROLL + u] << 8)
                + jnp.int32(0x04FFEEF0)
                for u in range(_UNROLL)
            ]
            for u in range(_UNROLL):
                plsc.addupdate_scatter(hist, [binvs[u]], ones)

    start(jnp.int32(0), 0)
    start(jnp.int32(1), 1)

    def zero_body(i, carry):
        hist[pl.ds(i * _L, _L)] = jnp.zeros((_L,), jnp.float32)
        return carry

    lax.fori_loop(0, _NTOT // _L, zero_body, 0)

    def ring_body(j, carry):
        k = j * 2
        wait(0)
        process(0)
        start(k + 2, 0)
        wait(1)
        process(1)
        start(k + 3, 1)
        return carry

    lax.fori_loop(0, _NCHUNK // 2, ring_body, 0)

    wait(0)
    wait(1)

    pltpu.sync_copy(hist, out_hbm.at[half, img])


def _loss_body(p_ref, t_ref, o_ref):
    h = (p_ref[0] + p_ref[1]) * (1.0 / _PLANE)
    diff = jnp.abs(h - t_ref[...])
    o_ref[...] = jnp.sum(diff).reshape(1, 1) * (1.0 / (_B * _NTOT))


_loss_tc = pl.pallas_call(
    _loss_body,
    out_shape=jax.ShapeDtypeStruct((1, 1), jnp.float32),
)


@jax.jit
def kernel(input, color_bins, bin_scale, target):
    partials = _hist_sc(input)
    loss = _loss_tc(partials, target.reshape(1, _NTOT))
    return loss[0, 0]

# --- scband reference (transcript-rebuilt; emitter-appended) ---
"""Pipeline reference for scband-color-loss-7112465842712 (READ-ONLY COPY).

The authoritative reference and input builder live on the scoring server;
editing this copy changes nothing except your own understanding.
"""

import jax, jax.numpy as jnp
import numpy as np

N_BINS = 16
N_TOT = N_BINS ** 3


def _make_color_bins():
    ranging = 2.0 / N_BINS
    arr = np.array([i * ranging for i in range(1, N_BINS)], dtype=np.float32) - 1.0
    return jnp.asarray(arr)


def color_bin(x, color_bins, bin_scale):
    # x: [B, C, H, W]; faithful port of the torch color_bin helper
    B, C, H, W = x.shape

    def per_image(img):
        # torch.bucketize(v, boundaries, right=False) == searchsorted side='left'
        bucketed = jnp.searchsorted(color_bins, img, side='left')  # [C,H,W] int
        bins = jnp.einsum('bcd,b->cd', bucketed, bin_scale)  # [H,W] int, values in [0, N_TOT-1]
        bins_f = bins.astype(jnp.float32)
        # torch.histc(bins, N_TOT, min=0, max=N_TOT-1) over exact integer values == bincount
        vals = bins_f.astype(jnp.int32).reshape(-1)
        vals = jnp.clip(vals, 0, N_TOT - 1)
        hist = jnp.bincount(vals, length=N_TOT).astype(jnp.float32) / float(H * W)
        return hist

    return jax.vmap(per_image)(x)


def setup_inputs(seed: int = 0) -> dict:
    key = jax.random.key(seed)
    k1, k2 = jax.random.split(key)
    inp = jax.random.normal(k1, (16, 3, 512, 512), dtype=jnp.float32)
    style_image = jax.random.normal(k2, (1, 3, 512, 512), dtype=jnp.float32)
    color_bins = _make_color_bins()
    bin_scale = jnp.array([1, N_BINS, N_BINS ** 2], dtype=jnp.int32)
    # init-time precomputed target histogram (detached constant in the module)
    target = color_bin(style_image, color_bins, bin_scale)[0]  # squeeze -> [N_TOT]
    return {"input": inp, "color_bins": color_bins, "bin_scale": bin_scale, "target": target}


def reference(input, color_bins, bin_scale, target):
    cols = color_bin(input, color_bins, bin_scale)  # [B, N_TOT]
    batch_size = cols.shape[0]
    tgt = jnp.tile(target[None, :], (batch_size, 1))  # target.repeat(B, 1)
    loss = jnp.mean(jnp.abs(cols - tgt))  # F.l1_loss
    return loss

if __name__ == "__main__":
    import jax
    _d = setup_inputs()
    print(jax.jit(kernel)(*tuple(_d.values())))

</pallas_src>

<mosaic_0001>
#map = affine_map<(d0, d1) -> (0, 0, 0, 0)>
#map1 = affine_map<(d0, d1) -> (0, 0, 0)>
module attributes {stable_mosaic.version = 14 : i64} {
  func.func @_hist_sc(%arg0: i32, %arg1: i32, %arg2: memref<16x3x512x512xf32, #tpu.memory_space<hbm>>, %arg3: memref<2x16x4096xf32, #tpu.memory_space<hbm>>, %arg4: memref<8x512xf32, #tpu.memory_space<vmem>>, %arg5: memref<8x512xf32, #tpu.memory_space<vmem>>, %arg6: memref<8x512xf32, #tpu.memory_space<vmem>>, %arg7: memref<8x512xf32, #tpu.memory_space<vmem>>, %arg8: memref<8x512xf32, #tpu.memory_space<vmem>>, %arg9: memref<8x512xf32, #tpu.memory_space<vmem>>, %arg10: memref<4096xf32, #tpu.memory_space<vmem>>, %arg11: memref<!tpu.dma_semaphore, #tpu.memory_space<semaphore_mem>>, %arg12: memref<!tpu.dma_semaphore, #tpu.memory_space<semaphore_mem>>) attributes {dimension_semantics = [#tpu.dimension_semantics<core_parallel>, #tpu.dimension_semantics<subcore_parallel>], iteration_bounds = array<i64: 2, 16>, scalar_prefetch = 0 : i64, scratch_operands = 9 : i64, tpu.core_type = #tpu.core_type<sc_vector_subcore>, window_params = [{transform_indices = #map}, {transform_indices = #map1}]} {
    %mul3A = arith.constant 2 : i32
    %mul3A_0 = arith.muli %arg1, %mul3A : i32
    %add3A = arith.addi %mul3A_0, %arg0 : i32
    %jit3A = arith.constant 2 : i32
    %div3A = arith.divsi %add3A, %jit3A : i32
    %sign3A = arith.constant 0 : i32
    %sign3A_1 = arith.cmpi sgt, %add3A, %sign3A : i32
    %sign3A_2 = arith.extui %sign3A_1 : i1 to i32
    %sign3A_3 = arith.constant 0 : i32
    %sign3A_4 = arith.cmpi slt, %add3A, %sign3A_3 : i32
    %sign3A_5 = arith.extui %sign3A_4 : i1 to i32
    %sign3A_6 = arith.subi %sign3A_2, %sign3A_5 : i32
    %sign3A_7 = arith.constant 0 : i32
    %sign3A_8 = arith.cmpi sgt, %jit3A, %sign3A_7 : i32
    %sign3A_9 = arith.extui %sign3A_8 : i1 to i32
    %sign3A_10 = arith.constant 0 : i32
    %sign3A_11 = arith.cmpi slt, %jit3A, %sign3A_10 : i32
    %sign3A_12 = arith.extui %sign3A_11 : i1 to i32
    %sign3A_13 = arith.subi %sign3A_9, %sign3A_12 : i32
    %ne3A = arith.cmpi ne, %sign3A_6, %sign3A_13 : i32
    %rem3A = arith.remsi %add3A, %jit3A : i32
    %ne3A_14 = arith.constant 0 : i32
    %ne3A_15 = arith.cmpi ne, %rem3A, %ne3A_14 : i32
    %and3A = arith.andi %ne3A, %ne3A_15 : i1
    %sub3A = arith.constant 1 : i32
    %sub3A_16 = arith.subi %div3A, %sub3A : i32
    %select_n3A = arith.select %and3A, %sub3A_16, %div3A : i32
    %jit3A_17 = arith.constant 2 : i32
    %eq3A = arith.constant 0 : i32
    %eq3A_18 = arith.cmpi eq, %jit3A_17, %eq3A : i32
    %jit3A_19 = arith.constant 1 : i32
    %select_n3A_20 = arith.select %eq3A_18, %jit3A_19, %jit3A_17 : i32
    %rem3A_21 = arith.remsi %add3A, %select_n3A_20 : i32
    %ne3A_22 = arith.constant 0 : i32
    %ne3A_23 = arith.cmpi ne, %rem3A_21, %ne3A_22 : i32
    %lt3A = arith.constant 0 : i32
    %lt3A_24 = arith.cmpi slt, %rem3A_21, %lt3A : i32
    %lt3A_25 = arith.constant 0 : i32
    %lt3A_26 = arith.cmpi slt, %select_n3A_20, %lt3A_25 : i32
    %ne3A_27 = arith.xori %lt3A_24, %lt3A_26 : i1
    %and3A_28 = arith.andi %ne3A_27, %ne3A_23 : i1
    %add3A_29 = arith.addi %rem3A_21, %select_n3A_20 : i32
    %select_n3A_30 = arith.select %and3A_28, %add3A_29, %rem3A_21 : i32
    %mul3A_31 = arith.constant 256 : i32
    %mul3A_32 = arith.muli %select_n3A_30, %mul3A_31 : i32
    %broadcast_in_dim3A = arith.constant 1.000000e+00 : f32
    %broadcast_in_dim3A_33 = vector.broadcast %broadcast_in_dim3A : f32 to vector<16xf32>
    %min3A = arith.constant 0 : i32
    %min3A_34 = arith.constant 31 : i32
    %min3A_35 = arith.minsi %min3A, %min3A_34 : i32
    %mul3A_36 = arith.constant 8 : i32
    %mul3A_37 = arith.muli %min3A_35, %mul3A_36 : i32
    %add3A_38 = arith.addi %mul3A_32, %mul3A_37 : i32
    %dma_start3A = arith.constant 0 : i32
    %dma_start3A_39 = arith.constant 0 : i32
    %dma_start3A_40 = tpu.memref_slice %arg2[%select_n3A, %dma_start3A, %add3A_38, %dma_start3A_39] : memref<16x3x512x512xf32, #tpu.memory_space<hbm>> -> memref<1x1x8x512xf32, #tpu.memory_space<hbm>>
    %dma_start3A_41 = tpu.memref_squeeze %dma_start3A_40 : memref<1x1x8x512xf32, #tpu.memory_space<hbm>> -> memref<8x512xf32, #tpu.memory_space<hbm>>
    %dma_start3A_42 = arith.constant 0 : i32
    %dma_start3A_43 = tpu.memref_slice %arg2[%select_n3A, %dma_start3A, %add3A_38, %dma_start3A_42] : memref<16x3x512x512xf32, #tpu.memory_space<hbm>> -> memref<1x1x8x512xf32, #tpu.memory_space<hbm>>
    %dma_start3A_44 = tpu.memref_squeeze %dma_start3A_43 : memref<1x1x8x512xf32, #tpu.memory_space<hbm>> -> memref<8x512xf32, #tpu.memory_space<hbm>>
    tpu.enqueue_dma source(%dma_start3A_44 : memref<8x512xf32, #tpu.memory_space<hbm>>) target(%arg4 : memref<8x512xf32, #tpu.memory_space<vmem>>) target_semaphore(%arg11 : memref<!tpu.dma_semaphore, #tpu.memory_space<semaphore_mem>>)
    %dma_start3A_45 = arith.constant 1 : i32
    %dma_start3A_46 = arith.constant 0 : i32
    %dma_start3A_47 = tpu.memref_slice %arg2[%select_n3A, %dma_start3A_45, %add3A_38, %dma_start3A_46] : memref<16x3x512x512xf32, #tpu.memory_space<hbm>> -> memref<1x1x8x512xf32, #tpu.memory_space<hbm>>
    %dma_start3A_48 = tpu.memref_squeeze %dma_start3A_47 : memref<1x1x8x512xf32, #tpu.memory_space<hbm>> -> memref<8x512xf32, #tpu.memory_space<hbm>>
    %dma_start3A_49 = arith.constant 0 : i32
    %dma_start3A_50 = tpu.memref_slice %arg2[%select_n3A, %dma_start3A_45, %add3A_38, %dma_start3A_49] : memref<16x3x512x512xf32, #tpu.memory_space<hbm>> -> memref<1x1x8x512xf32, #tpu.memory_space<hbm>>
    %dma_start3A_51 = tpu.memref_squeeze %dma_start3A_50 : memref<1x1x8x512xf32, #tpu.memory_space<hbm>> -> memref<8x512xf32, #tpu.memory_space<hbm>>
    tpu.enqueue_dma source(%dma_start3A_51 : memref<8x512xf32, #tpu.memory_space<hbm>>) target(%arg5 : memref<8x512xf32, #tpu.memory_space<vmem>>) target_semaphore(%arg11 : memref<!tpu.dma_semaphore, #tpu.memory_space<semaphore_mem>>)
    %dma_start3A_52 = arith.constant 2 : i32
    %dma_start3A_53 = arith.constant 0 : i32
    %dma_start3A_54 = tpu.memref_slice %arg2[%select_n3A, %dma_start3A_52, %add3A_38, %dma_start3A_53] : memref<16x3x512x512xf32, #tpu.memory_space<hbm>> -> memref<1x1x8x512xf32, #tpu.memory_space<hbm>>
    %dma_start3A_55 = tpu.memref_squeeze %dma_start3A_54 : memref<1x1x8x512xf32, #tpu.memory_space<hbm>> -> memref<8x512xf32, #tpu.memory_space<hbm>>
    %dma_start3A_56 = arith.constant 0 : i32
    %dma_start3A_57 = tpu.memref_slice %arg2[%select_n3A, %dma_start3A_52, %add3A_38, %dma_start3A_56] : memref<16x3x512x512xf32, #tpu.memory_space<hbm>> -> memref<1x1x8x512xf32, #tpu.memory_space<hbm>>
    %dma_start3A_58 = tpu.memref_squeeze %dma_start3A_57 : memref<1x1x8x512xf32, #tpu.memory_space<hbm>> -> memref<8x512xf32, #tpu.memory_space<hbm>>
    tpu.enqueue_dma source(%dma_start3A_58 : memref<8x512xf32, #tpu.memory_space<hbm>>) target(%arg6 : memref<8x512xf32, #tpu.memory_space<vmem>>) target_semaphore(%arg11 : memref<!tpu.dma_semaphore, #tpu.memory_space<semaphore_mem>>)
    %min3A_59 = arith.constant 1 : i32
    %min3A_60 = arith.constant 31 : i32
    %min3A_61 = arith.minsi %min3A_59, %min3A_60 : i32
    %mul3A_62 = arith.constant 8 : i32
    %mul3A_63 = arith.muli %min3A_61, %mul3A_62 : i32
    %add3A_64 = arith.addi %mul3A_32, %mul3A_63 : i32
    %dma_start3A_65 = arith.constant 0 : i32
    %dma_start3A_66 = arith.constant 0 : i32
    %dma_start3A_67 = tpu.memref_slice %arg2[%select_n3A, %dma_start3A_65, %add3A_64, %dma_start3A_66] : memref<16x3x512x512xf32, #tpu.memory_space<hbm>> -> memref<1x1x8x512xf32, #tpu.memory_space<hbm>>
    %dma_start3A_68 = tpu.memref_squeeze %dma_start3A_67 : memref<1x1x8x512xf32, #tpu.memory_space<hbm>> -> memref<8x512xf32, #tpu.memory_space<hbm>>
    %dma_start3A_69 = arith.constant 0 : i32
    %dma_start3A_70 = tpu.memref_slice %arg2[%select_n3A, %dma_start3A_65, %add3A_64, %dma_start3A_69] : memref<16x3x512x512xf32, #tpu.memory_space<hbm>> -> memref<1x1x8x512xf32, #tpu.memory_space<hbm>>
    %dma_start3A_71 = tpu.memref_squeeze %dma_start3A_70 : memref<1x1x8x512xf32, #tpu.memory_space<hbm>> -> memref<8x512xf32, #tpu.memory_space<hbm>>
    tpu.enqueue_dma source(%dma_start3A_71 : memref<8x512xf32, #tpu.memory_space<hbm>>) target(%arg7 : memref<8x512xf32, #tpu.memory_space<vmem>>) target_semaphore(%arg12 : memref<!tpu.dma_semaphore, #tpu.memory_space<semaphore_mem>>)
    %dma_start3A_72 = arith.constant 1 : i32
    %dma_start3A_73 = arith.constant 0 : i32
    %dma_start3A_74 = tpu.memref_slice %arg2[%select_n3A, %dma_start3A_72, %add3A_64, %dma_start3A_73] : memref<16x3x512x512xf32, #tpu.memory_space<hbm>> -> memref<1x1x8x512xf32, #tpu.memory_space<hbm>>
    %dma_start3A_75 = tpu.memref_squeeze %dma_start3A_74 : memref<1x1x8x512xf32, #tpu.memory_space<hbm>> -> memref<8x512xf32, #tpu.memory_space<hbm>>
    %dma_start3A_76 = arith.constant 0 : i32
    %dma_start3A_77 = tpu.memref_slice %arg2[%select_n3A, %dma_start3A_72, %add3A_64, %dma_start3A_76] : memref<16x3x512x512xf32, #tpu.memory_space<hbm>> -> memref<1x1x8x512xf32, #tpu.memory_space<hbm>>
    %dma_start3A_78 = tpu.memref_squeeze %dma_start3A_77 : memref<1x1x8x512xf32, #tpu.memory_space<hbm>> -> memref<8x512xf32, #tpu.memory_space<hbm>>
    tpu.enqueue_dma source(%dma_start3A_78 : memref<8x512xf32, #tpu.memory_space<hbm>>) target(%arg8 : memref<8x512xf32, #tpu.memory_space<vmem>>) target_semaphore(%arg12 : memref<!tpu.dma_semaphore, #tpu.memory_space<semaphore_mem>>)
    %dma_start3A_79 = arith.constant 2 : i32
    %dma_start3A_80 = arith.constant 0 : i32
    %dma_start3A_81 = tpu.memref_slice %arg2[%select_n3A, %dma_start3A_79, %add3A_64, %dma_start3A_80] : memref<16x3x512x512xf32, #tpu.memory_space<hbm>> -> memref<1x1x8x512xf32, #tpu.memory_space<hbm>>
    %dma_start3A_82 = tpu.memref_squeeze %dma_start3A_81 : memref<1x1x8x512xf32, #tpu.memory_space<hbm>> -> memref<8x512xf32, #tpu.memory_space<hbm>>
    %dma_start3A_83 = arith.constant 0 : i32
    %dma_start3A_84 = tpu.memref_slice %arg2[%select_n3A, %dma_start3A_79, %add3A_64, %dma_start3A_83] : memref<16x3x512x512xf32, #tpu.memory_space<hbm>> -> memref<1x1x8x512xf32, #tpu.memory_space<hbm>>
    %dma_start3A_85 = tpu.memref_squeeze %dma_start3A_84 : memref<1x1x8x512xf32, #tpu.memory_space<hbm>> -> memref<8x512xf32, #tpu.memory_space<hbm>>
    tpu.enqueue_dma source(%dma_start3A_85 : memref<8x512xf32, #tpu.memory_space<hbm>>) target(%arg9 : memref<8x512xf32, #tpu.memory_space<vmem>>) target_semaphore(%arg12 : memref<!tpu.dma_semaphore, #tpu.memory_space<semaphore_mem>>)
    %scan3A = arith.constant 0 : i32
    %scan3A_86 = arith.constant 0 : i32
    %scan3A_87 = arith.constant 256 : i32
    %scan3A_88 = arith.addi %scan3A_86, %scan3A_87 : i32
    %scan3A_89 = arith.constant 1 : i32
    scf.for %scan3A_138 = %scan3A_86 to %scan3A_88 step %scan3A_89  : i32 {
      %broadcast_in_dim3A_139 = arith.constant 0.000000e+00 : f32
      %broadcast_in_dim3A_140 = vector.broadcast %broadcast_in_dim3A_139 : f32 to vector<16xf32>
      %mul3A_141 = arith.constant 16 : i32
      %mul3A_142 = arith.muli %scan3A_138, %mul3A_141 : i32
      %swap3A = arith.index_cast %mul3A_142 : i32 to index
      %swap3A_143 = tpu.vector_load %arg10[%swap3A] {strides = array<i32>} : memref<4096xf32, #tpu.memory_space<vmem>>, vector<16xf32>,
      tpu.vector_store %arg10[%swap3A], %broadcast_in_dim3A_140 {strides = array<i32>} : memref<4096xf32, #tpu.memory_space<vmem>>, vector<16xf32>,
    }
    %scan3A_90 = arith.constant 256 : i32
    %scan3A_91 = arith.constant 0 : i32
    %scan3A_92 = arith.constant 0 : i32
    %scan3A_93 = arith.constant 16 : i32
    %scan3A_94 = arith.addi %scan3A_92, %scan3A_93 : i32
    %scan3A_95 = arith.constant 1 : i32
    scf.for %scan3A_138 = %scan3A_92 to %scan3A_94 step %scan3A_95  : i32 {
      %mul3A_139 = arith.constant 2 : i32
      %mul3A_140 = arith.muli %scan3A_138, %mul3A_139 : i32
      %dma_wait3A_141 = arith.constant 0 : i32
      %dma_wait3A_142 = arith.constant 0 : i32
      %dma_wait3A_143 = tpu.memref_slice %arg2[%select_n3A, %dma_wait3A_141, %mul3A_32, %dma_wait3A_142] : memref<16x3x512x512xf32, #tpu.memory_space<hbm>> -> memref<1x1x8x512xf32, #tpu.memory_space<hbm>>
      %dma_wait3A_144 = tpu.memref_squeeze %dma_wait3A_143 : memref<1x1x8x512xf32, #tpu.memory_space<hbm>> -> memref<8x512xf32, #tpu.memory_space<hbm>>
      %dma_wait3A_145 = arith.constant 0 : i32
      %dma_wait3A_146 = tpu.memref_slice %arg2[%select_n3A, %dma_wait3A_141, %mul3A_32, %dma_wait3A_145] : memref<16x3x512x512xf32, #tpu.memory_space<hbm>> -> memref<1x1x8x512xf32, #tpu.memory_space<hbm>>
      %dma_wait3A_147 = tpu.memref_squeeze %dma_wait3A_146 : memref<1x1x8x512xf32, #tpu.memory_space<hbm>> -> memref<8x512xf32, #tpu.memory_space<hbm>>
      tpu.wait_dma2 semaphore(%arg11 : memref<!tpu.dma_semaphore, #tpu.memory_space<semaphore_mem>>) src(%dma_wait3A_147 : memref<8x512xf32, #tpu.memory_space<hbm>>) dst(%arg4 : memref<8x512xf32, #tpu.memory_space<vmem>>)
      %dma_wait3A_148 = arith.constant 1 : i32
      %dma_wait3A_149 = arith.constant 0 : i32
      %dma_wait3A_150 = tpu.memref_slice %arg2[%select_n3A, %dma_wait3A_148, %mul3A_32, %dma_wait3A_149] : memref<16x3x512x512xf32, #tpu.memory_space<hbm>> -> memref<1x1x8x512xf32, #tpu.memory_space<hbm>>
      %dma_wait3A_151 = tpu.memref_squeeze %dma_wait3A_150 : memref<1x1x8x512xf32, #tpu.memory_space<hbm>> -> memref<8x512xf32, #tpu.memory_space<hbm>>
      %dma_wait3A_152 = arith.constant 0 : i32
      %dma_wait3A_153 = tpu.memref_slice %arg2[%select_n3A, %dma_wait3A_148, %mul3A_32, %dma_wait3A_152] : memref<16x3x512x512xf32, #tpu.memory_space<hbm>> -> memref<1x1x8x512xf32, #tpu.memory_space<hbm>>
      %dma_wait3A_154 = tpu.memref_squeeze %dma_wait3A_153 : memref<1x1x8x512xf32, #tpu.memory_space<hbm>> -> memref<8x512xf32, #tpu.memory_space<hbm>>
      tpu.wait_dma2 semaphore(%arg11 : memref<!tpu.dma_semaphore, #tpu.memory_space<semaphore_mem>>) src(%dma_wait3A_154 : memref<8x512xf32, #tpu.memory_space<hbm>>) dst(%arg5 : memref<8x512xf32, #tpu.memory_space<vmem>>)
      %dma_wait3A_155 = arith.constant 2 : i32
      %dma_wait3A_156 = arith.constant 0 : i32
      %dma_wait3A_157 = tpu.memref_slice %arg2[%select_n3A, %dma_wait3A_155, %mul3A_32, %dma_wait3A_156] : memref<16x3x512x512xf32, #tpu.memory_space<hbm>> -> memref<1x1x8x512xf32, #tpu.memory_space<hbm>>
      %dma_wait3A_158 = tpu.memref_squeeze %dma_wait3A_157 : memref<1x1x8x512xf32, #tpu.memory_space<hbm>> -> memref<8x512xf32, #tpu.memory_space<hbm>>
      %dma_wait3A_159 = arith.constant 0 : i32
      %dma_wait3A_160 = tpu.memref_slice %arg2[%select_n3A, %dma_wait3A_155, %mul3A_32, %dma_wait3A_159] : memref<16x3x512x512xf32, #tpu.memory_space<hbm>> -> memref<1x1x8x512xf32, #tpu.memory_space<hbm>>
      %dma_wait3A_161 = tpu.memref_squeeze %dma_wait3A_160 : memref<1x1x8x512xf32, #tpu.memory_space<hbm>> -> memref<8x512xf32, #tpu.memory_space<hbm>>
      tpu.wait_dma2 semaphore(%arg11 : memref<!tpu.dma_semaphore, #tpu.memory_space<semaphore_mem>>) src(%dma_wait3A_161 : memref<8x512xf32, #tpu.memory_space<hbm>>) dst(%arg6 : memref<8x512xf32, #tpu.memory_space<vmem>>)
      %parallel_loop3A = arith.constant 0 : i32
      %parallel_loop3A_162 = arith.constant 32 : i32
      %parallel_loop3A_163 = arith.constant 1 : i32
      scf.for %parallel_loop3A_244 = %parallel_loop3A to %parallel_loop3A_162 step %parallel_loop3A_163  : i32 {
        %parallel_loop3A_245 = arith.constant 4 : i32
        %parallel_loop3A_246 = arith.divsi %parallel_loop3A_244, %parallel_loop3A_245 : i32
        %parallel_loop3A_247 = arith.constant 0 : i32
        %parallel_loop3A_248 = arith.cmpi sgt, %parallel_loop3A_244, %parallel_loop3A_247 : i32
        %parallel_loop3A_249 = arith.extui %parallel_loop3A_248 : i1 to i32
        %parallel_loop3A_250 = arith.constant 0 : i32
        %parallel_loop3A_251 = arith.cmpi slt, %parallel_loop3A_244, %parallel_loop3A_250 : i32
        %parallel_loop3A_252 = arith.extui %parallel_loop3A_251 : i1 to i32
        %parallel_loop3A_253 = arith.subi %parallel_loop3A_249, %parallel_loop3A_252 : i32
        %parallel_loop3A_254 = arith.constant 0 : i32
        %parallel_loop3A_255 = arith.cmpi sgt, %parallel_loop3A_245, %parallel_loop3A_254 : i32
        %parallel_loop3A_256 = arith.extui %parallel_loop3A_255 : i1 to i32
        %parallel_loop3A_257 = arith.constant 0 : i32
        %parallel_loop3A_258 = arith.cmpi slt, %parallel_loop3A_245, %parallel_loop3A_257 : i32
        %parallel_loop3A_259 = arith.extui %parallel_loop3A_258 : i1 to i32
        %parallel_loop3A_260 = arith.subi %parallel_loop3A_256, %parallel_loop3A_259 : i32
        %parallel_loop3A_261 = arith.cmpi ne, %parallel_loop3A_253, %parallel_loop3A_260 : i32
        %parallel_loop3A_262 = arith.remsi %parallel_loop3A_244, %parallel_loop3A_245 : i32
        %parallel_loop3A_263 = arith.constant 0 : i32
        %parallel_loop3A_264 = arith.cmpi ne, %parallel_loop3A_262, %parallel_loop3A_263 : i32
        %parallel_loop3A_265 = arith.andi %parallel_loop3A_261, %parallel_loop3A_264 : i1
        %parallel_loop3A_266 = arith.constant 1 : i32
        %parallel_loop3A_267 = arith.subi %parallel_loop3A_246, %parallel_loop3A_266 : i32
        %parallel_loop3A_268 = arith.select %parallel_loop3A_265, %parallel_loop3A_267, %parallel_loop3A_246 : i32
        %parallel_loop3A_269 = arith.constant 4 : i32
        %parallel_loop3A_270 = arith.constant 0 : i32
        %parallel_loop3A_271 = arith.cmpi eq, %parallel_loop3A_269, %parallel_loop3A_270 : i32
        %parallel_loop3A_272 = arith.constant 1 : i32
        %parallel_loop3A_273 = arith.select %parallel_loop3A_271, %parallel_loop3A_272, %parallel_loop3A_269 : i32
        %parallel_loop3A_274 = arith.remsi %parallel_loop3A_244, %parallel_loop3A_273 : i32
        %parallel_loop3A_275 = arith.constant 0 : i32
        %parallel_loop3A_276 = arith.cmpi ne, %parallel_loop3A_274, %parallel_loop3A_275 : i32
        %parallel_loop3A_277 = arith.constant 0 : i32
        %parallel_loop3A_278 = arith.cmpi slt, %parallel_loop3A_274, %parallel_loop3A_277 : i32
        %parallel_loop3A_279 = arith.constant 0 : i32
        %parallel_loop3A_280 = arith.cmpi slt, %parallel_loop3A_273, %parallel_loop3A_279 : i32
        %parallel_loop3A_281 = arith.xori %parallel_loop3A_278, %parallel_loop3A_280 : i1
        %parallel_loop3A_282 = arith.andi %parallel_loop3A_281, %parallel_loop3A_276 : i1
        %parallel_loop3A_283 = arith.addi %parallel_loop3A_274, %parallel_loop3A_273 : i32
        %parallel_loop3A_284 = arith.select %parallel_loop3A_282, %parallel_loop3A_283, %parallel_loop3A_274 : i32
        %parallel_loop3A_285 = arith.constant 128 : i32
        %parallel_loop3A_286 = arith.muli %parallel_loop3A_284, %parallel_loop3A_285 : i32
        %parallel_loop3A_287 = arith.constant 0 : i32
        %parallel_loop3A_288 = arith.addi %parallel_loop3A_286, %parallel_loop3A_287 : i32
        %parallel_loop3A_289 = arith.index_cast %parallel_loop3A_268 : i32 to index
        %parallel_loop3A_290 = arith.index_cast %parallel_loop3A_288 : i32 to index
        %parallel_loop3A_291 = tpu.vector_load %arg4[%parallel_loop3A_289, %parallel_loop3A_290] {strides = array<i32>} : memref<8x512xf32, #tpu.memory_space<vmem>>, vector<16xf32>,
        %parallel_loop3A_292 = arith.constant 16 : i32
        %parallel_loop3A_293 = arith.addi %parallel_loop3A_286, %parallel_loop3A_292 : i32
        %parallel_loop3A_294 = arith.index_cast %parallel_loop3A_268 : i32 to index
        %parallel_loop3A_295 = arith.index_cast %parallel_loop3A_293 : i32 to index
        %parallel_loop3A_296 = tpu.vector_load %arg4[%parallel_loop3A_294, %parallel_loop3A_295] {strides = array<i32>} : memref<8x512xf32, #tpu.memory_space<vmem>>, vector<16xf32>,
        %parallel_loop3A_297 = arith.constant 32 : i32
        %parallel_loop3A_298 = arith.addi %parallel_loop3A_286, %parallel_loop3A_297 : i32
        %parallel_loop3A_299 = arith.index_cast %parallel_loop3A_268 : i32 to index
        %parallel_loop3A_300 = arith.index_cast %parallel_loop3A_298 : i32 to index
        %parallel_loop3A_301 = tpu.vector_load %arg4[%parallel_loop3A_299, %parallel_loop3A_300] {strides = array<i32>} : memref<8x512xf32, #tpu.memory_space<vmem>>, vector<16xf32>,
        %parallel_loop3A_302 = arith.constant 48 : i32
        %parallel_loop3A_303 = arith.addi %parallel_loop3A_286, %parallel_loop3A_302 : i32
        %parallel_loop3A_304 = arith.index_cast %parallel_loop3A_268 : i32 to index
        %parallel_loop3A_305 = arith.index_cast %parallel_loop3A_303 : i32 to index
        %parallel_loop3A_306 = tpu.vector_load %arg4[%parallel_loop3A_304, %parallel_loop3A_305] {strides = array<i32>} : memref<8x512xf32, #tpu.memory_space<vmem>>, vector<16xf32>,
        %parallel_loop3A_307 = arith.constant 64 : i32
        %parallel_loop3A_308 = arith.addi %parallel_loop3A_286, %parallel_loop3A_307 : i32
        %parallel_loop3A_309 = arith.index_cast %parallel_loop3A_268 : i32 to index
        %parallel_loop3A_310 = arith.index_cast %parallel_loop3A_308 : i32 to index
        %parallel_loop3A_311 = tpu.vector_load %arg4[%parallel_loop3A_309, %parallel_loop3A_310] {strides = array<i32>} : memref<8x512xf32, #tpu.memory_space<vmem>>, vector<16xf32>,
        %parallel_loop3A_312 = arith.constant 80 : i32
        %parallel_loop3A_313 = arith.addi %parallel_loop3A_286, %parallel_loop3A_312 : i32
        %parallel_loop3A_314 = arith.index_cast %parallel_loop3A_268 : i32 to index
        %parallel_loop3A_315 = arith.index_cast %parallel_loop3A_313 : i32 to index
        %parallel_loop3A_316 = tpu.vector_load %arg4[%parallel_loop3A_314, %parallel_loop3A_315] {strides = array<i32>} : memref<8x512xf32, #tpu.memory_space<vmem>>, vector<16xf32>,
        %parallel_loop3A_317 = arith.constant 96 : i32
        %parallel_loop3A_318 = arith.addi %parallel_loop3A_286, %parallel_loop3A_317 : i32
        %parallel_loop3A_319 = arith.index_cast %parallel_loop3A_268 : i32 to index
        %parallel_loop3A_320 = arith.index_cast %parallel_loop3A_318 : i32 to index
        %parallel_loop3A_321 = tpu.vector_load %arg4[%parallel_loop3A_319, %parallel_loop3A_320] {strides = array<i32>} : memref<8x512xf32, #tpu.memory_space<vmem>>, vector<16xf32>,
        %parallel_loop3A_322 = arith.constant 112 : i32
        %parallel_loop3A_323 = arith.addi %parallel_loop3A_286, %parallel_loop3A_322 : i32
        %parallel_loop3A_324 = arith.index_cast %parallel_loop3A_268 : i32 to index
        %parallel_loop3A_325 = arith.index_cast %parallel_loop3A_323 : i32 to index
        %parallel_loop3A_326 = tpu.vector_load %arg4[%parallel_loop3A_324, %parallel_loop3A_325] {strides = array<i32>} : memref<8x512xf32, #tpu.memory_space<vmem>>, vector<16xf32>,
        %parallel_loop3A_327 = arith.constant 0 : i32
        %parallel_loop3A_328 = arith.addi %parallel_loop3A_286, %parallel_loop3A_327 : i32
        %parallel_loop3A_329 = arith.index_cast %parallel_loop3A_268 : i32 to index
        %parallel_loop3A_330 = arith.index_cast %parallel_loop3A_328 : i32 to index
        %parallel_loop3A_331 = tpu.vector_load %arg5[%parallel_loop3A_329, %parallel_loop3A_330] {strides = array<i32>} : memref<8x512xf32, #tpu.memory_space<vmem>>, vector<16xf32>,
        %parallel_loop3A_332 = arith.constant 16 : i32
        %parallel_loop3A_333 = arith.addi %parallel_loop3A_286, %parallel_loop3A_332 : i32
        %parallel_loop3A_334 = arith.index_cast %parallel_loop3A_268 : i32 to index
        %parallel_loop3A_335 = arith.index_cast %parallel_loop3A_333 : i32 to index
        %parallel_loop3A_336 = tpu.vector_load %arg5[%parallel_loop3A_334, %parallel_loop3A_335] {strides = array<i32>} : memref<8x512xf32, #tpu.memory_space<vmem>>, vector<16xf32>,
        %parallel_loop3A_337 = arith.constant 32 : i32
        %parallel_loop3A_338 = arith.addi %parallel_loop3A_286, %parallel_loop3A_337 : i32
        %parallel_loop3A_339 = arith.index_cast %parallel_loop3A_268 : i32 to index
        %parallel_loop3A_340 = arith.index_cast %parallel_loop3A_338 : i32 to index
        %parallel_loop3A_341 = tpu.vector_load %arg5[%parallel_loop3A_339, %parallel_loop3A_340] {strides = array<i32>} : memref<8x512xf32, #tpu.memory_space<vmem>>, vector<16xf32>,
        %parallel_loop3A_342 = arith.constant 48 : i32
        %parallel_loop3A_343 = arith.addi %parallel_loop3A_286, %parallel_loop3A_342 : i32
        %parallel_loop3A_344 = arith.index_cast %parallel_loop3A_268 : i32 to index
        %parallel_loop3A_345 = arith.index_cast %parallel_loop3A_343 : i32 to index
        %parallel_loop3A_346 = tpu.vector_load %arg5[%parallel_loop3A_344, %parallel_loop3A_345] {strides = array<i32>} : memref<8x512xf32, #tpu.memory_space<vmem>>, vector<16xf32>,
        %parallel_loop3A_347 = arith.constant 64 : i32
        %parallel_loop3A_348 = arith.addi %parallel_loop3A_286, %parallel_loop3A_347 : i32
        %parallel_loop3A_349 = arith.index_cast %parallel_loop3A_268 : i32 to index
        %parallel_loop3A_350 = arith.index_cast %parallel_loop3A_348 : i32 to index
        %parallel_loop3A_351 = tpu.vector_load %arg5[%parallel_loop3A_349, %parallel_loop3A_350] {strides = array<i32>} : memref<8x512xf32, #tpu.memory_space<vmem>>, vector<16xf32>,
        %parallel_loop3A_352 = arith.constant 80 : i32
        %parallel_loop3A_353 = arith.addi %parallel_loop3A_286, %parallel_loop3A_352 : i32
        %parallel_loop3A_354 = arith.index_cast %parallel_loop3A_268 : i32 to index
        %parallel_loop3A_355 = arith.index_cast %parallel_loop3A_353 : i32 to index
        %parallel_loop3A_356 = tpu.vector_load %arg5[%parallel_loop3A_354, %parallel_loop3A_355] {strides = array<i32>} : memref<8x512xf32, #tpu.memory_space<vmem>>, vector<16xf32>,
        %parallel_loop3A_357 = arith.constant 96 : i32
        %parallel_loop3A_358 = arith.addi %parallel_loop3A_286, %parallel_loop3A_357 : i32
        %parallel_loop3A_359 = arith.index_cast %parallel_loop3A_268 : i32 to index
        %parallel_loop3A_360 = arith.index_cast %parallel_loop3A_358 : i32 to index
        %parallel_loop3A_361 = tpu.vector_load %arg5[%parallel_loop3A_359, %parallel_loop3A_360] {strides = array<i32>} : memref<8x512xf32, #tpu.memory_space<vmem>>, vector<16xf32>,
        %parallel_loop3A_362 = arith.constant 112 : i32
        %parallel_loop3A_363 = arith.addi %parallel_loop3A_286, %parallel_loop3A_362 : i32
        %parallel_loop3A_364 = arith.index_cast %parallel_loop3A_268 : i32 to index
        %parallel_loop3A_365 = arith.index_cast %parallel_loop3A_363 : i32 to index
        %parallel_loop3A_366 = tpu.vector_load %arg5[%parallel_loop3A_364, %parallel_loop3A_365] {strides = array<i32>} : memref<8x512xf32, #tpu.memory_space<vmem>>, vector<16xf32>,
        %parallel_loop3A_367 = arith.constant 0 : i32
        %parallel_loop3A_368 = arith.addi %parallel_loop3A_286, %parallel_loop3A_367 : i32
        %parallel_loop3A_369 = arith.index_cast %parallel_loop3A_268 : i32 to index
        %parallel_loop3A_370 = arith.index_cast %parallel_loop3A_368 : i32 to index
        %parallel_loop3A_371 = tpu.vector_load %arg6[%parallel_loop3A_369, %parallel_loop3A_370] {strides = array<i32>} : memref<8x512xf32, #tpu.memory_space<vmem>>, vector<16xf32>,
        %parallel_loop3A_372 = arith.constant 16 : i32
        %parallel_loop3A_373 = arith.addi %parallel_loop3A_286, %parallel_loop3A_372 : i32
        %parallel_loop3A_374 = arith.index_cast %parallel_loop3A_268 : i32 to index
        %parallel_loop3A_375 = arith.index_cast %parallel_loop3A_373 : i32 to index
        %parallel_loop3A_376 = tpu.vector_load %arg6[%parallel_loop3A_374, %parallel_loop3A_375] {strides = array<i32>} : memref<8x512xf32, #tpu.memory_space<vmem>>, vector<16xf32>,
        %parallel_loop3A_377 = arith.constant 32 : i32
        %parallel_loop3A_378 = arith.addi %parallel_loop3A_286, %parallel_loop3A_377 : i32
        %parallel_loop3A_379 = arith.index_cast %parallel_loop3A_268 : i32 to index
        %parallel_loop3A_380 = arith.index_cast %parallel_loop3A_378 : i32 to index
        %parallel_loop3A_381 = tpu.vector_load %arg6[%parallel_loop3A_379, %parallel_loop3A_380] {strides = array<i32>} : memref<8x512xf32, #tpu.memory_space<vmem>>, vector<16xf32>,
        %parallel_loop3A_382 = arith.constant 48 : i32
        %parallel_loop3A_383 = arith.addi %parallel_loop3A_286, %parallel_loop3A_382 : i32
        %parallel_loop3A_384 = arith.index_cast %parallel_loop3A_268 : i32 to index
        %parallel_loop3A_385 = arith.index_cast %parallel_loop3A_383 : i32 to index
        %parallel_loop3A_386 = tpu.vector_load %arg6[%parallel_loop3A_384, %parallel_loop3A_385] {strides = array<i32>} : memref<8x512xf32, #tpu.memory_space<vmem>>, vector<16xf32>,
        %parallel_loop3A_387 = arith.constant 64 : i32
        %parallel_loop3A_388 = arith.addi %parallel_loop3A_286, %parallel_loop3A_387 : i32
        %parallel_loop3A_389 = arith.index_cast %parallel_loop3A_268 : i32 to index
        %parallel_loop3A_390 = arith.index_cast %parallel_loop3A_388 : i32 to index
        %parallel_loop3A_391 = tpu.vector_load %arg6[%parallel_loop3A_389, %parallel_loop3A_390] {strides = array<i32>} : memref<8x512xf32, #tpu.memory_space<vmem>>, vector<16xf32>,
        %parallel_loop3A_392 = arith.constant 80 : i32
        %parallel_loop3A_393 = arith.addi %parallel_loop3A_286, %parallel_loop3A_392 : i32
        %parallel_loop3A_394 = arith.index_cast %parallel_loop3A_268 : i32 to index
        %parallel_loop3A_395 = arith.index_cast %parallel_loop3A_393 : i32 to index
        %parallel_loop3A_396 = tpu.vector_load %arg6[%parallel_loop3A_394, %parallel_loop3A_395] {strides = array<i32>} : memref<8x512xf32, #tpu.memory_space<vmem>>, vector<16xf32>,
        %parallel_loop3A_397 = arith.constant 96 : i32
        %parallel_loop3A_398 = arith.addi %parallel_loop3A_286, %parallel_loop3A_397 : i32
        %parallel_loop3A_399 = arith.index_cast %parallel_loop3A_268 : i32 to index
        %parallel_loop3A_400 = arith.index_cast %parallel_loop3A_398 : i32 to index
        %parallel_loop3A_401 = tpu.vector_load %arg6[%parallel_loop3A_399, %parallel_loop3A_400] {strides = array<i32>} : memref<8x512xf32, #tpu.memory_space<vmem>>, vector<16xf32>,
        %parallel_loop3A_402 = arith.constant 112 : i32
        %parallel_loop3A_403 = arith.addi %parallel_loop3A_286, %parallel_loop3A_402 : i32
        %parallel_loop3A_404 = arith.index_cast %parallel_loop3A_268 : i32 to index
        %parallel_loop3A_405 = arith.index_cast %parallel_loop3A_403 : i32 to index
        %parallel_loop3A_406 = tpu.vector_load %arg6[%parallel_loop3A_404, %parallel_loop3A_405] {strides = array<i32>} : memref<8x512xf32, #tpu.memory_space<vmem>>, vector<16xf32>,
        %parallel_loop3A_407 = arith.constant 8.000000e+00 : f32
        %parallel_loop3A_408 = vector.broadcast %parallel_loop3A_407 : f32 to vector<16xf32>
        %parallel_loop3A_409 = arith.mulf %parallel_loop3A_291, %parallel_loop3A_408 : vector<16xf32>
        %parallel_loop3A_410 = arith.constant 8.000000e+00 : f32
        %parallel_loop3A_411 = vector.broadcast %parallel_loop3A_410 : f32 to vector<16xf32>
        %parallel_loop3A_412 = arith.mulf %parallel_loop3A_296, %parallel_loop3A_411 : vector<16xf32>
        %parallel_loop3A_413 = arith.constant 8.000000e+00 : f32
        %parallel_loop3A_414 = vector.broadcast %parallel_loop3A_413 : f32 to vector<16xf32>
        %parallel_loop3A_415 = arith.mulf %parallel_loop3A_301, %parallel_loop3A_414 : vector<16xf32>
        %parallel_loop3A_416 = arith.constant 8.000000e+00 : f32
        %parallel_loop3A_417 = vector.broadcast %parallel_loop3A_416 : f32 to vector<16xf32>
        %parallel_loop3A_418 = arith.mulf %parallel_loop3A_306, %parallel_loop3A_417 : vector<16xf32>
        %parallel_loop3A_419 = arith.constant 8.000000e+00 : f32
        %parallel_loop3A_420 = vector.broadcast %parallel_loop3A_419 : f32 to vector<16xf32>
        %parallel_loop3A_421 = arith.mulf %parallel_loop3A_311, %parallel_loop3A_420 : vector<16xf32>
        %parallel_loop3A_422 = arith.constant 8.000000e+00 : f32
        %parallel_loop3A_423 = vector.broadcast %parallel_loop3A_422 : f32 to vector<16xf32>
        %parallel_loop3A_424 = arith.mulf %parallel_loop3A_316, %parallel_loop3A_423 : vector<16xf32>
        %parallel_loop3A_425 = arith.constant 8.000000e+00 : f32
        %parallel_loop3A_426 = vector.broadcast %parallel_loop3A_425 : f32 to vector<16xf32>
        %parallel_loop3A_427 = arith.mulf %parallel_loop3A_321, %parallel_loop3A_426 : vector<16xf32>
        %parallel_loop3A_428 = arith.constant 8.000000e+00 : f32
        %parallel_loop3A_429 = vector.broadcast %parallel_loop3A_428 : f32 to vector<16xf32>
        %parallel_loop3A_430 = arith.mulf %parallel_loop3A_326, %parallel_loop3A_429 : vector<16xf32>
        %parallel_loop3A_431 = arith.constant 8.000000e+00 : f32
        %parallel_loop3A_432 = vector.broadcast %parallel_loop3A_431 : f32 to vector<16xf32>
        %parallel_loop3A_433 = arith.mulf %parallel_loop3A_331, %parallel_loop3A_432 : vector<16xf32>
        %parallel_loop3A_434 = arith.constant 8.000000e+00 : f32
        %parallel_loop3A_435 = vector.broadcast %parallel_loop3A_434 : f32 to vector<16xf32>
        %parallel_loop3A_436 = arith.mulf %parallel_loop3A_336, %parallel_loop3A_435 : vector<16xf32>
        %parallel_loop3A_437 = arith.constant 8.000000e+00 : f32
        %parallel_loop3A_438 = vector.broadcast %parallel_loop3A_437 : f32 to vector<16xf32>
        %parallel_loop3A_439 = arith.mulf %parallel_loop3A_341, %parallel_loop3A_438 : vector<16xf32>
        %parallel_loop3A_440 = arith.constant 8.000000e+00 : f32
        %parallel_loop3A_441 = vector.broadcast %parallel_loop3A_440 : f32 to vector<16xf32>
        %parallel_loop3A_442 = arith.mulf %parallel_loop3A_346, %parallel_loop3A_441 : vector<16xf32>
        %parallel_loop3A_443 = arith.constant 8.000000e+00 : f32
        %parallel_loop3A_444 = vector.broadcast %parallel_loop3A_443 : f32 to vector<16xf32>
        %parallel_loop3A_445 = arith.mulf %parallel_loop3A_351, %parallel_loop3A_444 : vector<16xf32>
        %parallel_loop3A_446 = arith.constant 8.000000e+00 : f32
        %parallel_loop3A_447 = vector.broadcast %parallel_loop3A_446 : f32 to vector<16xf32>
        %parallel_loop3A_448 = arith.mulf %parallel_loop3A_356, %parallel_loop3A_447 : vector<16xf32>
        %parallel_loop3A_449 = arith.constant 8.000000e+00 : f32
        %parallel_loop3A_450 = vector.broadcast %parallel_loop3A_449 : f32 to vector<16xf32>
        %parallel_loop3A_451 = arith.mulf %parallel_loop3A_361, %parallel_loop3A_450 : vector<16xf32>
        %parallel_loop3A_452 = arith.constant 8.000000e+00 : f32
        %parallel_loop3A_453 = vector.broadcast %parallel_loop3A_452 : f32 to vector<16xf32>
        %parallel_loop3A_454 = arith.mulf %parallel_loop3A_366, %parallel_loop3A_453 : vector<16xf32>
        %parallel_loop3A_455 = arith.constant 8.000000e+00 : f32
        %parallel_loop3A_456 = vector.broadcast %parallel_loop3A_455 : f32 to vector<16xf32>
        %parallel_loop3A_457 = arith.mulf %parallel_loop3A_371, %parallel_loop3A_456 : vector<16xf32>
        %parallel_loop3A_458 = arith.constant 8.000000e+00 : f32
        %parallel_loop3A_459 = vector.broadcast %parallel_loop3A_458 : f32 to vector<16xf32>
        %parallel_loop3A_460 = arith.mulf %parallel_loop3A_376, %parallel_loop3A_459 : vector<16xf32>
        %parallel_loop3A_461 = arith.constant 8.000000e+00 : f32
        %parallel_loop3A_462 = vector.broadcast %parallel_loop3A_461 : f32 to vector<16xf32>
        %parallel_loop3A_463 = arith.mulf %parallel_loop3A_381, %parallel_loop3A_462 : vector<16xf32>
        %parallel_loop3A_464 = arith.constant 8.000000e+00 : f32
        %parallel_loop3A_465 = vector.broadcast %parallel_loop3A_464 : f32 to vector<16xf32>
        %parallel_loop3A_466 = arith.mulf %parallel_loop3A_386, %parallel_loop3A_465 : vector<16xf32>
        %parallel_loop3A_467 = arith.constant 8.000000e+00 : f32
        %parallel_loop3A_468 = vector.broadcast %parallel_loop3A_467 : f32 to vector<16xf32>
        %parallel_loop3A_469 = arith.mulf %parallel_loop3A_391, %parallel_loop3A_468 : vector<16xf32>
        %parallel_loop3A_470 = arith.constant 8.000000e+00 : f32
        %parallel_loop3A_471 = vector.broadcast %parallel_loop3A_470 : f32 to vector<16xf32>
        %parallel_loop3A_472 = arith.mulf %parallel_loop3A_396, %parallel_loop3A_471 : vector<16xf32>
        %parallel_loop3A_473 = arith.constant 8.000000e+00 : f32
        %parallel_loop3A_474 = vector.broadcast %parallel_loop3A_473 : f32 to vector<16xf32>
        %parallel_loop3A_475 = arith.mulf %parallel_loop3A_401, %parallel_loop3A_474 : vector<16xf32>
        %parallel_loop3A_476 = arith.constant 8.000000e+00 : f32
        %parallel_loop3A_477 = vector.broadcast %parallel_loop3A_476 : f32 to vector<16xf32>
        %parallel_loop3A_478 = arith.mulf %parallel_loop3A_406, %parallel_loop3A_477 : vector<16xf32>
        %parallel_loop3A_479 = arith.constant 2.350000e+01 : f32
        %parallel_loop3A_480 = vector.broadcast %parallel_loop3A_479 : f32 to vector<16xf32>
        %parallel_loop3A_481 = arith.addf %parallel_loop3A_409, %parallel_loop3A_480 : vector<16xf32>
        %parallel_loop3A_482 = arith.constant 2.350000e+01 : f32
        %parallel_loop3A_483 = vector.broadcast %parallel_loop3A_482 : f32 to vector<16xf32>
        %parallel_loop3A_484 = arith.addf %parallel_loop3A_412, %parallel_loop3A_483 : vector<16xf32>
        %parallel_loop3A_485 = arith.constant 2.350000e+01 : f32
        %parallel_loop3A_486 = vector.broadcast %parallel_loop3A_485 : f32 to vector<16xf32>
        %parallel_loop3A_487 = arith.addf %parallel_loop3A_415, %parallel_loop3A_486 : vector<16xf32>
        %parallel_loop3A_488 = arith.constant 2.350000e+01 : f32
        %parallel_loop3A_489 = vector.broadcast %parallel_loop3A_488 : f32 to vector<16xf32>
        %parallel_loop3A_490 = arith.addf %parallel_loop3A_418, %parallel_loop3A_489 : vector<16xf32>
        %parallel_loop3A_491 = arith.constant 2.350000e+01 : f32
        %parallel_loop3A_492 = vector.broadcast %parallel_loop3A_491 : f32 to vector<16xf32>
        %parallel_loop3A_493 = arith.addf %parallel_loop3A_421, %parallel_loop3A_492 : vector<16xf32>
        %parallel_loop3A_494 = arith.constant 2.350000e+01 : f32
        %parallel_loop3A_495 = vector.broadcast %parallel_loop3A_494 : f32 to vector<16xf32>
        %parallel_loop3A_496 = arith.addf %parallel_loop3A_424, %parallel_loop3A_495 : vector<16xf32>
        %parallel_loop3A_497 = arith.constant 2.350000e+01 : f32
        %parallel_loop3A_498 = vector.broadcast %parallel_loop3A_497 : f32 to vector<16xf32>
        %parallel_loop3A_499 = arith.addf %parallel_loop3A_427, %parallel_loop3A_498 : vector<16xf32>
        %parallel_loop3A_500 = arith.constant 2.350000e+01 : f32
        %parallel_loop3A_501 = vector.broadcast %parallel_loop3A_500 : f32 to vector<16xf32>
        %parallel_loop3A_502 = arith.addf %parallel_loop3A_430, %parallel_loop3A_501 : vector<16xf32>
        %parallel_loop3A_503 = arith.constant 2.350000e+01 : f32
        %parallel_loop3A_504 = vector.broadcast %parallel_loop3A_503 : f32 to vector<16xf32>
        %parallel_loop3A_505 = arith.addf %parallel_loop3A_433, %parallel_loop3A_504 : vector<16xf32>
        %parallel_loop3A_506 = arith.constant 2.350000e+01 : f32
        %parallel_loop3A_507 = vector.broadcast %parallel_loop3A_506 : f32 to vector<16xf32>
        %parallel_loop3A_508 = arith.addf %parallel_loop3A_436, %parallel_loop3A_507 : vector<16xf32>
        %parallel_loop3A_509 = arith.constant 2.350000e+01 : f32
        %parallel_loop3A_510 = vector.broadcast %parallel_loop3A_509 : f32 to vector<16xf32>
        %parallel_loop3A_511 = arith.addf %parallel_loop3A_439, %parallel_loop3A_510 : vector<16xf32>
        %parallel_loop3A_512 = arith.constant 2.350000e+01 : f32
        %parallel_loop3A_513 = vector.broadcast %parallel_loop3A_512 : f32 to vector<16xf32>
        %parallel_loop3A_514 = arith.addf %parallel_loop3A_442, %parallel_loop3A_513 : vector<16xf32>
        %parallel_loop3A_515 = arith.constant 2.350000e+01 : f32
        %parallel_loop3A_516 = vector.broadcast %parallel_loop3A_515 : f32 to vector<16xf32>
        %parallel_loop3A_517 = arith.addf %parallel_loop3A_445, %parallel_loop3A_516 : vector<16xf32>
        %parallel_loop3A_518 = arith.constant 2.350000e+01 : f32
        %parallel_loop3A_519 = vector.broadcast %parallel_loop3A_518 : f32 to vector<16xf32>
        %parallel_loop3A_520 = arith.addf %parallel_loop3A_448, %parallel_loop3A_519 : vector<16xf32>
        %parallel_loop3A_521 = arith.constant 2.350000e+01 : f32
        %parallel_loop3A_522 = vector.broadcast %parallel_loop3A_521 : f32 to vector<16xf32>
        %parallel_loop3A_523 = arith.addf %parallel_loop3A_451, %parallel_loop3A_522 : vector<16xf32>
        %parallel_loop3A_524 = arith.constant 2.350000e+01 : f32
        %parallel_loop3A_525 = vector.broadcast %parallel_loop3A_524 : f32 to vector<16xf32>
        %parallel_loop3A_526 = arith.addf %parallel_loop3A_454, %parallel_loop3A_525 : vector<16xf32>
        %parallel_loop3A_527 = arith.constant 2.350000e+01 : f32
        %parallel_loop3A_528 = vector.broadcast %parallel_loop3A_527 : f32 to vector<16xf32>
        %parallel_loop3A_529 = arith.addf %parallel_loop3A_457, %parallel_loop3A_528 : vector<16xf32>
        %parallel_loop3A_530 = arith.constant 2.350000e+01 : f32
        %parallel_loop3A_531 = vector.broadcast %parallel_loop3A_530 : f32 to vector<16xf32>
        %parallel_loop3A_532 = arith.addf %parallel_loop3A_460, %parallel_loop3A_531 : vector<16xf32>
        %parallel_loop3A_533 = arith.constant 2.350000e+01 : f32
        %parallel_loop3A_534 = vector.broadcast %parallel_loop3A_533 : f32 to vector<16xf32>
        %parallel_loop3A_535 = arith.addf %parallel_loop3A_463, %parallel_loop3A_534 : vector<16xf32>
        %parallel_loop3A_536 = arith.constant 2.350000e+01 : f32
        %parallel_loop3A_537 = vector.broadcast %parallel_loop3A_536 : f32 to vector<16xf32>
        %parallel_loop3A_538 = arith.addf %parallel_loop3A_466, %parallel_loop3A_537 : vector<16xf32>
        %parallel_loop3A_539 = arith.constant 2.350000e+01 : f32
        %parallel_loop3A_540 = vector.broadcast %parallel_loop3A_539 : f32 to vector<16xf32>
        %parallel_loop3A_541 = arith.addf %parallel_loop3A_469, %parallel_loop3A_540 : vector<16xf32>
        %parallel_loop3A_542 = arith.constant 2.350000e+01 : f32
        %parallel_loop3A_543 = vector.broadcast %parallel_loop3A_542 : f32 to vector<16xf32>
        %parallel_loop3A_544 = arith.addf %parallel_loop3A_472, %parallel_loop3A_543 : vector<16xf32>
        %parallel_loop3A_545 = arith.constant 2.350000e+01 : f32
        %parallel_loop3A_546 = vector.broadcast %parallel_loop3A_545 : f32 to vector<16xf32>
        %parallel_loop3A_547 = arith.addf %parallel_loop3A_475, %parallel_loop3A_546 : vector<16xf32>
        %parallel_loop3A_548 = arith.constant 2.350000e+01 : f32
        %parallel_loop3A_549 = vector.broadcast %parallel_loop3A_548 : f32 to vector<16xf32>
        %parallel_loop3A_550 = arith.addf %parallel_loop3A_478, %parallel_loop3A_549 : vector<16xf32>
        %parallel_loop3A_551 = arith.constant 1.600000e+01 : f32
        %parallel_loop3A_552 = vector.broadcast %parallel_loop3A_551 : f32 to vector<16xf32>
        %parallel_loop3A_553 = arith.maximumf %parallel_loop3A_481, %parallel_loop3A_552 : vector<16xf32>
        %parallel_loop3A_554 = arith.constant 1.600000e+01 : f32
        %parallel_loop3A_555 = vector.broadcast %parallel_loop3A_554 : f32 to vector<16xf32>
        %parallel_loop3A_556 = arith.maximumf %parallel_loop3A_484, %parallel_loop3A_555 : vector<16xf32>
        %parallel_loop3A_557 = arith.constant 1.600000e+01 : f32
        %parallel_loop3A_558 = vector.broadcast %parallel_loop3A_557 : f32 to vector<16xf32>
        %parallel_loop3A_559 = arith.maximumf %parallel_loop3A_487, %parallel_loop3A_558 : vector<16xf32>
        %parallel_loop3A_560 = arith.constant 1.600000e+01 : f32
        %parallel_loop3A_561 = vector.broadcast %parallel_loop3A_560 : f32 to vector<16xf32>
        %parallel_loop3A_562 = arith.maximumf %parallel_loop3A_490, %parallel_loop3A_561 : vector<16xf32>
        %parallel_loop3A_563 = arith.constant 1.600000e+01 : f32
        %parallel_loop3A_564 = vector.broadcast %parallel_loop3A_563 : f32 to vector<16xf32>
        %parallel_loop3A_565 = arith.maximumf %parallel_loop3A_493, %parallel_loop3A_564 : vector<16xf32>
        %parallel_loop3A_566 = arith.constant 1.600000e+01 : f32
        %parallel_loop3A_567 = vector.broadcast %parallel_loop3A_566 : f32 to vector<16xf32>
        %parallel_loop3A_568 = arith.maximumf %parallel_loop3A_496, %parallel_loop3A_567 : vector<16xf32>
        %parallel_loop3A_569 = arith.constant 1.600000e+01 : f32
        %parallel_loop3A_570 = vector.broadcast %parallel_loop3A_569 : f32 to vector<16xf32>
        %parallel_loop3A_571 = arith.maximumf %parallel_loop3A_499, %parallel_loop3A_570 : vector<16xf32>
        %parallel_loop3A_572 = arith.constant 1.600000e+01 : f32
        %parallel_loop3A_573 = vector.broadcast %parallel_loop3A_572 : f32 to vector<16xf32>
        %parallel_loop3A_574 = arith.maximumf %parallel_loop3A_502, %parallel_loop3A_573 : vector<16xf32>
        %parallel_loop3A_575 = arith.constant 1.600000e+01 : f32
        %parallel_loop3A_576 = vector.broadcast %parallel_loop3A_575 : f32 to vector<16xf32>
        %parallel_loop3A_577 = arith.maximumf %parallel_loop3A_505, %parallel_loop3A_576 : vector<16xf32>
        %parallel_loop3A_578 = arith.constant 1.600000e+01 : f32
        %parallel_loop3A_579 = vector.broadcast %parallel_loop3A_578 : f32 to vector<16xf32>
        %parallel_loop3A_580 = arith.maximumf %parallel_loop3A_508, %parallel_loop3A_579 : vector<16xf32>
        %parallel_loop3A_581 = arith.constant 1.600000e+01 : f32
        %parallel_loop3A_582 = vector.broadcast %parallel_loop3A_581 : f32 to vector<16xf32>
        %parallel_loop3A_583 = arith.maximumf %parallel_loop3A_511, %parallel_loop3A_582 : vector<16xf32>
        %parallel_loop3A_584 = arith.constant 1.600000e+01 : f32
        %parallel_loop3A_585 = vector.broadcast %parallel_loop3A_584 : f32 to vector<16xf32>
        %parallel_loop3A_586 = arith.maximumf %parallel_loop3A_514, %parallel_loop3A_585 : vector<16xf32>
        %parallel_loop3A_587 = arith.constant 1.600000e+01 : f32
        %parallel_loop3A_588 = vector.broadcast %parallel_loop3A_587 : f32 to vector<16xf32>
        %parallel_loop3A_589 = arith.maximumf %parallel_loop3A_517, %parallel_loop3A_588 : vector<16xf32>
        %parallel_loop3A_590 = arith.constant 1.600000e+01 : f32
        %parallel_loop3A_591 = vector.broadcast %parallel_loop3A_590 : f32 to vector<16xf32>
        %parallel_loop3A_592 = arith.maximumf %parallel_loop3A_520, %parallel_loop3A_591 : vector<16xf32>
        %parallel_loop3A_593 = arith.constant 1.600000e+01 : f32
        %parallel_loop3A_594 = vector.broadcast %parallel_loop3A_593 : f32 to vector<16xf32>
        %parallel_loop3A_595 = arith.maximumf %parallel_loop3A_523, %parallel_loop3A_594 : vector<16xf32>
        %parallel_loop3A_596 = arith.constant 1.600000e+01 : f32
        %parallel_loop3A_597 = vector.broadcast %parallel_loop3A_596 : f32 to vector<16xf32>
        %parallel_loop3A_598 = arith.maximumf %parallel_loop3A_526, %parallel_loop3A_597 : vector<16xf32>
        %parallel_loop3A_599 = arith.constant 1.600000e+01 : f32
        %parallel_loop3A_600 = vector.broadcast %parallel_loop3A_599 : f32 to vector<16xf32>
        %parallel_loop3A_601 = arith.maximumf %parallel_loop3A_529, %parallel_loop3A_600 : vector<16xf32>
        %parallel_loop3A_602 = arith.constant 1.600000e+01 : f32
        %parallel_loop3A_603 = vector.broadcast %parallel_loop3A_602 : f32 to vector<16xf32>
        %parallel_loop3A_604 = arith.maximumf %parallel_loop3A_532, %parallel_loop3A_603 : vector<16xf32>
        %parallel_loop3A_605 = arith.constant 1.600000e+01 : f32
        %parallel_loop3A_606 = vector.broadcast %parallel_loop3A_605 : f32 to vector<16xf32>
        %parallel_loop3A_607 = arith.maximumf %parallel_loop3A_535, %parallel_loop3A_606 : vector<16xf32>
        %parallel_loop3A_608 = arith.constant 1.600000e+01 : f32
        %parallel_loop3A_609 = vector.broadcast %parallel_loop3A_608 : f32 to vector<16xf32>
        %parallel_loop3A_610 = arith.maximumf %parallel_loop3A_538, %parallel_loop3A_609 : vector<16xf32>
        %parallel_loop3A_611 = arith.constant 1.600000e+01 : f32
        %parallel_loop3A_612 = vector.broadcast %parallel_loop3A_611 : f32 to vector<16xf32>
        %parallel_loop3A_613 = arith.maximumf %parallel_loop3A_541, %parallel_loop3A_612 : vector<16xf32>
        %parallel_loop3A_614 = arith.constant 1.600000e+01 : f32
        %parallel_loop3A_615 = vector.broadcast %parallel_loop3A_614 : f32 to vector<16xf32>
        %parallel_loop3A_616 = arith.maximumf %parallel_loop3A_544, %parallel_loop3A_615 : vector<16xf32>
        %parallel_loop3A_617 = arith.constant 1.600000e+01 : f32
        %parallel_loop3A_618 = vector.broadcast %parallel_loop3A_617 : f32 to vector<16xf32>
        %parallel_loop3A_619 = arith.maximumf %parallel_loop3A_547, %parallel_loop3A_618 : vector<16xf32>
        %parallel_loop3A_620 = arith.constant 1.600000e+01 : f32
        %parallel_loop3A_621 = vector.broadcast %parallel_loop3A_620 : f32 to vector<16xf32>
        %parallel_loop3A_622 = arith.maximumf %parallel_loop3A_550, %parallel_loop3A_621 : vector<16xf32>
        %parallel_loop3A_623 = arith.constant 3.100000e+01 : f32
        %parallel_loop3A_624 = vector.broadcast %parallel_loop3A_623 : f32 to vector<16xf32>
        %parallel_loop3A_625 = arith.minimumf %parallel_loop3A_553, %parallel_loop3A_624 : vector<16xf32>
        %parallel_loop3A_626 = arith.constant 3.100000e+01 : f32
        %parallel_loop3A_627 = vector.broadcast %parallel_loop3A_626 : f32 to vector<16xf32>
        %parallel_loop3A_628 = arith.minimumf %parallel_loop3A_556, %parallel_loop3A_627 : vector<16xf32>
        %parallel_loop3A_629 = arith.constant 3.100000e+01 : f32
        %parallel_loop3A_630 = vector.broadcast %parallel_loop3A_629 : f32 to vector<16xf32>
        %parallel_loop3A_631 = arith.minimumf %parallel_loop3A_559, %parallel_loop3A_630 : vector<16xf32>
        %parallel_loop3A_632 = arith.constant 3.100000e+01 : f32
        %parallel_loop3A_633 = vector.broadcast %parallel_loop3A_632 : f32 to vector<16xf32>
        %parallel_loop3A_634 = arith.minimumf %parallel_loop3A_562, %parallel_loop3A_633 : vector<16xf32>
        %parallel_loop3A_635 = arith.constant 3.100000e+01 : f32
        %parallel_loop3A_636 = vector.broadcast %parallel_loop3A_635 : f32 to vector<16xf32>
        %parallel_loop3A_637 = arith.minimumf %parallel_loop3A_565, %parallel_loop3A_636 : vector<16xf32>
        %parallel_loop3A_638 = arith.constant 3.100000e+01 : f32
        %parallel_loop3A_639 = vector.broadcast %parallel_loop3A_638 : f32 to vector<16xf32>
        %parallel_loop3A_640 = arith.minimumf %parallel_loop3A_568, %parallel_loop3A_639 : vector<16xf32>
        %parallel_loop3A_641 = arith.constant 3.100000e+01 : f32
        %parallel_loop3A_642 = vector.broadcast %parallel_loop3A_641 : f32 to vector<16xf32>
        %parallel_loop3A_643 = arith.minimumf %parallel_loop3A_571, %parallel_loop3A_642 : vector<16xf32>
        %parallel_loop3A_644 = arith.constant 3.100000e+01 : f32
        %parallel_loop3A_645 = vector.broadcast %parallel_loop3A_644 : f32 to vector<16xf32>
        %parallel_loop3A_646 = arith.minimumf %parallel_loop3A_574, %parallel_loop3A_645 : vector<16xf32>
        %parallel_loop3A_647 = arith.constant 3.100000e+01 : f32
        %parallel_loop3A_648 = vector.broadcast %parallel_loop3A_647 : f32 to vector<16xf32>
        %parallel_loop3A_649 = arith.minimumf %parallel_loop3A_577, %parallel_loop3A_648 : vector<16xf32>
        %parallel_loop3A_650 = arith.constant 3.100000e+01 : f32
        %parallel_loop3A_651 = vector.broadcast %parallel_loop3A_650 : f32 to vector<16xf32>
        %parallel_loop3A_652 = arith.minimumf %parallel_loop3A_580, %parallel_loop3A_651 : vector<16xf32>
        %parallel_loop3A_653 = arith.constant 3.100000e+01 : f32
        %parallel_loop3A_654 = vector.broadcast %parallel_loop3A_653 : f32 to vector<16xf32>
        %parallel_loop3A_655 = arith.minimumf %parallel_loop3A_583, %parallel_loop3A_654 : vector<16xf32>
        %parallel_loop3A_656 = arith.constant 3.100000e+01 : f32
        %parallel_loop3A_657 = vector.broadcast %parallel_loop3A_656 : f32 to vector<16xf32>
        %parallel_loop3A_658 = arith.minimumf %parallel_loop3A_586, %parallel_loop3A_657 : vector<16xf32>
        %parallel_loop3A_659 = arith.constant 3.100000e+01 : f32
        %parallel_loop3A_660 = vector.broadcast %parallel_loop3A_659 : f32 to vector<16xf32>
        %parallel_loop3A_661 = arith.minimumf %parallel_loop3A_589, %parallel_loop3A_660 : vector<16xf32>
        %parallel_loop3A_662 = arith.constant 3.100000e+01 : f32
        %parallel_loop3A_663 = vector.broadcast %parallel_loop3A_662 : f32 to vector<16xf32>
        %parallel_loop3A_664 = arith.minimumf %parallel_loop3A_592, %parallel_loop3A_663 : vector<16xf32>
        %parallel_loop3A_665 = arith.constant 3.100000e+01 : f32
        %parallel_loop3A_666 = vector.broadcast %parallel_loop3A_665 : f32 to vector<16xf32>
        %parallel_loop3A_667 = arith.minimumf %parallel_loop3A_595, %parallel_loop3A_666 : vector<16xf32>
        %parallel_loop3A_668 = arith.constant 3.100000e+01 : f32
        %parallel_loop3A_669 = vector.broadcast %parallel_loop3A_668 : f32 to vector<16xf32>
        %parallel_loop3A_670 = arith.minimumf %parallel_loop3A_598, %parallel_loop3A_669 : vector<16xf32>
        %parallel_loop3A_671 = arith.constant 3.100000e+01 : f32
        %parallel_loop3A_672 = vector.broadcast %parallel_loop3A_671 : f32 to vector<16xf32>
        %parallel_loop3A_673 = arith.minimumf %parallel_loop3A_601, %parallel_loop3A_672 : vector<16xf32>
        %parallel_loop3A_674 = arith.constant 3.100000e+01 : f32
        %parallel_loop3A_675 = vector.broadcast %parallel_loop3A_674 : f32 to vector<16xf32>
        %parallel_loop3A_676 = arith.minimumf %parallel_loop3A_604, %parallel_loop3A_675 : vector<16xf32>
        %parallel_loop3A_677 = arith.constant 3.100000e+01 : f32
        %parallel_loop3A_678 = vector.broadcast %parallel_loop3A_677 : f32 to vector<16xf32>
        %parallel_loop3A_679 = arith.minimumf %parallel_loop3A_607, %parallel_loop3A_678 : vector<16xf32>
        %parallel_loop3A_680 = arith.constant 3.100000e+01 : f32
        %parallel_loop3A_681 = vector.broadcast %parallel_loop3A_680 : f32 to vector<16xf32>
        %parallel_loop3A_682 = arith.minimumf %parallel_loop3A_610, %parallel_loop3A_681 : vector<16xf32>
        %parallel_loop3A_683 = arith.constant 3.100000e+01 : f32
        %parallel_loop3A_684 = vector.broadcast %parallel_loop3A_683 : f32 to vector<16xf32>
        %parallel_loop3A_685 = arith.minimumf %parallel_loop3A_613, %parallel_loop3A_684 : vector<16xf32>
        %parallel_loop3A_686 = arith.constant 3.100000e+01 : f32
        %parallel_loop3A_687 = vector.broadcast %parallel_loop3A_686 : f32 to vector<16xf32>
        %parallel_loop3A_688 = arith.minimumf %parallel_loop3A_616, %parallel_loop3A_687 : vector<16xf32>
        %parallel_loop3A_689 = arith.constant 3.100000e+01 : f32
        %parallel_loop3A_690 = vector.broadcast %parallel_loop3A_689 : f32 to vector<16xf32>
        %parallel_loop3A_691 = arith.minimumf %parallel_loop3A_619, %parallel_loop3A_690 : vector<16xf32>
        %parallel_loop3A_692 = arith.constant 3.100000e+01 : f32
        %parallel_loop3A_693 = vector.broadcast %parallel_loop3A_692 : f32 to vector<16xf32>
        %parallel_loop3A_694 = arith.minimumf %parallel_loop3A_622, %parallel_loop3A_693 : vector<16xf32>
        %parallel_loop3A_695 = arith.constant 0x4B000000 : f32
        %parallel_loop3A_696 = vector.broadcast %parallel_loop3A_695 : f32 to vector<16xf32>
        %parallel_loop3A_697 = arith.addf %parallel_loop3A_625, %parallel_loop3A_696 : vector<16xf32>
        %parallel_loop3A_698 = arith.constant 0x4B000000 : f32
        %parallel_loop3A_699 = vector.broadcast %parallel_loop3A_698 : f32 to vector<16xf32>
        %parallel_loop3A_700 = arith.addf %parallel_loop3A_628, %parallel_loop3A_699 : vector<16xf32>
        %parallel_loop3A_701 = arith.constant 0x4B000000 : f32
        %parallel_loop3A_702 = vector.broadcast %parallel_loop3A_701 : f32 to vector<16xf32>
        %parallel_loop3A_703 = arith.addf %parallel_loop3A_631, %parallel_loop3A_702 : vector<16xf32>
        %parallel_loop3A_704 = arith.constant 0x4B000000 : f32
        %parallel_loop3A_705 = vector.broadcast %parallel_loop3A_704 : f32 to vector<16xf32>
        %parallel_loop3A_706 = arith.addf %parallel_loop3A_634, %parallel_loop3A_705 : vector<16xf32>
        %parallel_loop3A_707 = arith.constant 0x4B000000 : f32
        %parallel_loop3A_708 = vector.broadcast %parallel_loop3A_707 : f32 to vector<16xf32>
        %parallel_loop3A_709 = arith.addf %parallel_loop3A_637, %parallel_loop3A_708 : vector<16xf32>
        %parallel_loop3A_710 = arith.constant 0x4B000000 : f32
        %parallel_loop3A_711 = vector.broadcast %parallel_loop3A_710 : f32 to vector<16xf32>
        %parallel_loop3A_712 = arith.addf %parallel_loop3A_640, %parallel_loop3A_711 : vector<16xf32>
        %parallel_loop3A_713 = arith.constant 0x4B000000 : f32
        %parallel_loop3A_714 = vector.broadcast %parallel_loop3A_713 : f32 to vector<16xf32>
        %parallel_loop3A_715 = arith.addf %parallel_loop3A_643, %parallel_loop3A_714 : vector<16xf32>
        %parallel_loop3A_716 = arith.constant 0x4B000000 : f32
        %parallel_loop3A_717 = vector.broadcast %parallel_loop3A_716 : f32 to vector<16xf32>
        %parallel_loop3A_718 = arith.addf %parallel_loop3A_646, %parallel_loop3A_717 : vector<16xf32>
        %parallel_loop3A_719 = arith.constant 0x4B000000 : f32
        %parallel_loop3A_720 = vector.broadcast %parallel_loop3A_719 : f32 to vector<16xf32>
        %parallel_loop3A_721 = arith.addf %parallel_loop3A_649, %parallel_loop3A_720 : vector<16xf32>
        %parallel_loop3A_722 = arith.constant 0x4B000000 : f32
        %parallel_loop3A_723 = vector.broadcast %parallel_loop3A_722 : f32 to vector<16xf32>
        %parallel_loop3A_724 = arith.addf %parallel_loop3A_652, %parallel_loop3A_723 : vector<16xf32>
        %parallel_loop3A_725 = arith.constant 0x4B000000 : f32
        %parallel_loop3A_726 = vector.broadcast %parallel_loop3A_725 : f32 to vector<16xf32>
        %parallel_loop3A_727 = arith.addf %parallel_loop3A_655, %parallel_loop3A_726 : vector<16xf32>
        %parallel_loop3A_728 = arith.constant 0x4B000000 : f32
        %parallel_loop3A_729 = vector.broadcast %parallel_loop3A_728 : f32 to vector<16xf32>
        %parallel_loop3A_730 = arith.addf %parallel_loop3A_658, %parallel_loop3A_729 : vector<16xf32>
        %parallel_loop3A_731 = arith.constant 0x4B000000 : f32
        %parallel_loop3A_732 = vector.broadcast %parallel_loop3A_731 : f32 to vector<16xf32>
        %parallel_loop3A_733 = arith.addf %parallel_loop3A_661, %parallel_loop3A_732 : vector<16xf32>
        %parallel_loop3A_734 = arith.constant 0x4B000000 : f32
        %parallel_loop3A_735 = vector.broadcast %parallel_loop3A_734 : f32 to vector<16xf32>
        %parallel_loop3A_736 = arith.addf %parallel_loop3A_664, %parallel_loop3A_735 : vector<16xf32>
        %parallel_loop3A_737 = arith.constant 0x4B000000 : f32
        %parallel_loop3A_738 = vector.broadcast %parallel_loop3A_737 : f32 to vector<16xf32>
        %parallel_loop3A_739 = arith.addf %parallel_loop3A_667, %parallel_loop3A_738 : vector<16xf32>
        %parallel_loop3A_740 = arith.constant 0x4B000000 : f32
        %parallel_loop3A_741 = vector.broadcast %parallel_loop3A_740 : f32 to vector<16xf32>
        %parallel_loop3A_742 = arith.addf %parallel_loop3A_670, %parallel_loop3A_741 : vector<16xf32>
        %parallel_loop3A_743 = arith.constant 0x4B000000 : f32
        %parallel_loop3A_744 = vector.broadcast %parallel_loop3A_743 : f32 to vector<16xf32>
        %parallel_loop3A_745 = arith.addf %parallel_loop3A_673, %parallel_loop3A_744 : vector<16xf32>
        %parallel_loop3A_746 = arith.constant 0x4B000000 : f32
        %parallel_loop3A_747 = vector.broadcast %parallel_loop3A_746 : f32 to vector<16xf32>
        %parallel_loop3A_748 = arith.addf %parallel_loop3A_676, %parallel_loop3A_747 : vector<16xf32>
        %parallel_loop3A_749 = arith.constant 0x4B000000 : f32
        %parallel_loop3A_750 = vector.broadcast %parallel_loop3A_749 : f32 to vector<16xf32>
        %parallel_loop3A_751 = arith.addf %parallel_loop3A_679, %parallel_loop3A_750 : vector<16xf32>
        %parallel_loop3A_752 = arith.constant 0x4B000000 : f32
        %parallel_loop3A_753 = vector.broadcast %parallel_loop3A_752 : f32 to vector<16xf32>
        %parallel_loop3A_754 = arith.addf %parallel_loop3A_682, %parallel_loop3A_753 : vector<16xf32>
        %parallel_loop3A_755 = arith.constant 0x4B000000 : f32
        %parallel_loop3A_756 = vector.broadcast %parallel_loop3A_755 : f32 to vector<16xf32>
        %parallel_loop3A_757 = arith.addf %parallel_loop3A_685, %parallel_loop3A_756 : vector<16xf32>
        %parallel_loop3A_758 = arith.constant 0x4B000000 : f32
        %parallel_loop3A_759 = vector.broadcast %parallel_loop3A_758 : f32 to vector<16xf32>
        %parallel_loop3A_760 = arith.addf %parallel_loop3A_688, %parallel_loop3A_759 : vector<16xf32>
        %parallel_loop3A_761 = arith.constant 0x4B000000 : f32
        %parallel_loop3A_762 = vector.broadcast %parallel_loop3A_761 : f32 to vector<16xf32>
        %parallel_loop3A_763 = arith.addf %parallel_loop3A_691, %parallel_loop3A_762 : vector<16xf32>
        %parallel_loop3A_764 = arith.constant 0x4B000000 : f32
        %parallel_loop3A_765 = vector.broadcast %parallel_loop3A_764 : f32 to vector<16xf32>
        %parallel_loop3A_766 = arith.addf %parallel_loop3A_694, %parallel_loop3A_765 : vector<16xf32>
        %parallel_loop3A_767 = vector.bitcast %parallel_loop3A_697 : vector<16xf32> to vector<16xi32>
        %parallel_loop3A_768 = vector.bitcast %parallel_loop3A_700 : vector<16xf32> to vector<16xi32>
        %parallel_loop3A_769 = vector.bitcast %parallel_loop3A_703 : vector<16xf32> to vector<16xi32>
        %parallel_loop3A_770 = vector.bitcast %parallel_loop3A_706 : vector<16xf32> to vector<16xi32>
        %parallel_loop3A_771 = vector.bitcast %parallel_loop3A_709 : vector<16xf32> to vector<16xi32>
        %parallel_loop3A_772 = vector.bitcast %parallel_loop3A_712 : vector<16xf32> to vector<16xi32>
        %parallel_loop3A_773 = vector.bitcast %parallel_loop3A_715 : vector<16xf32> to vector<16xi32>
        %parallel_loop3A_774 = vector.bitcast %parallel_loop3A_718 : vector<16xf32> to vector<16xi32>
        %parallel_loop3A_775 = vector.bitcast %parallel_loop3A_721 : vector<16xf32> to vector<16xi32>
        %parallel_loop3A_776 = vector.bitcast %parallel_loop3A_724 : vector<16xf32> to vector<16xi32>
        %parallel_loop3A_777 = vector.bitcast %parallel_loop3A_727 : vector<16xf32> to vector<16xi32>
        %parallel_loop3A_778 = vector.bitcast %parallel_loop3A_730 : vector<16xf32> to vector<16xi32>
        %parallel_loop3A_779 = vector.bitcast %parallel_loop3A_733 : vector<16xf32> to vector<16xi32>
        %parallel_loop3A_780 = vector.bitcast %parallel_loop3A_736 : vector<16xf32> to vector<16xi32>
        %parallel_loop3A_781 = vector.bitcast %parallel_loop3A_739 : vector<16xf32> to vector<16xi32>
        %parallel_loop3A_782 = vector.bitcast %parallel_loop3A_742 : vector<16xf32> to vector<16xi32>
        %parallel_loop3A_783 = vector.bitcast %parallel_loop3A_745 : vector<16xf32> to vector<16xi32>
        %parallel_loop3A_784 = vector.bitcast %parallel_loop3A_748 : vector<16xf32> to vector<16xi32>
        %parallel_loop3A_785 = vector.bitcast %parallel_loop3A_751 : vector<16xf32> to vector<16xi32>
        %parallel_loop3A_786 = vector.bitcast %parallel_loop3A_754 : vector<16xf32> to vector<16xi32>
        %parallel_loop3A_787 = vector.bitcast %parallel_loop3A_757 : vector<16xf32> to vector<16xi32>
        %parallel_loop3A_788 = vector.bitcast %parallel_loop3A_760 : vector<16xf32> to vector<16xi32>
        %parallel_loop3A_789 = vector.bitcast %parallel_loop3A_763 : vector<16xf32> to vector<16xi32>
        %parallel_loop3A_790 = vector.bitcast %parallel_loop3A_766 : vector<16xf32> to vector<16xi32>
        %parallel_loop3A_791 = arith.constant 4 : i32
        %parallel_loop3A_792 = vector.broadcast %parallel_loop3A_791 : i32 to vector<16xi32>
        %parallel_loop3A_793 = arith.shli %parallel_loop3A_775, %parallel_loop3A_792 : vector<16xi32>
        %parallel_loop3A_794 = arith.addi %parallel_loop3A_767, %parallel_loop3A_793 : vector<16xi32>
        %parallel_loop3A_795 = arith.constant 8 : i32
        %parallel_loop3A_796 = vector.broadcast %parallel_loop3A_795 : i32 to vector<16xi32>
        %parallel_loop3A_797 = arith.shli %parallel_loop3A_783, %parallel_loop3A_796 : vector<16xi32>
        %parallel_loop3A_798 = arith.addi %parallel_loop3A_794, %parallel_loop3A_797 : vector<16xi32>
        %parallel_loop3A_799 = arith.constant 83881712 : i32
        %parallel_loop3A_800 = vector.broadcast %parallel_loop3A_799 : i32 to vector<16xi32>
        %parallel_loop3A_801 = arith.addi %parallel_loop3A_798, %parallel_loop3A_800 : vector<16xi32>
        %parallel_loop3A_802 = arith.constant 4 : i32
        %parallel_loop3A_803 = vector.broadcast %parallel_loop3A_802 : i32 to vector<16xi32>
        %parallel_loop3A_804 = arith.shli %parallel_loop3A_776, %parallel_loop3A_803 : vector<16xi32>
        %parallel_loop3A_805 = arith.addi %parallel_loop3A_768, %parallel_loop3A_804 : vector<16xi32>
        %parallel_loop3A_806 = arith.constant 8 : i32
        %parallel_loop3A_807 = vector.broadcast %parallel_loop3A_806 : i32 to vector<16xi32>
        %parallel_loop3A_808 = arith.shli %parallel_loop3A_784, %parallel_loop3A_807 : vector<16xi32>
        %parallel_loop3A_809 = arith.addi %parallel_loop3A_805, %parallel_loop3A_808 : vector<16xi32>
        %parallel_loop3A_810 = arith.constant 83881712 : i32
        %parallel_loop3A_811 = vector.broadcast %parallel_loop3A_810 : i32 to vector<16xi32>
        %parallel_loop3A_812 = arith.addi %parallel_loop3A_809, %parallel_loop3A_811 : vector<16xi32>
        %parallel_loop3A_813 = arith.constant 4 : i32
        %parallel_loop3A_814 = vector.broadcast %parallel_loop3A_813 : i32 to vector<16xi32>
        %parallel_loop3A_815 = arith.shli %parallel_loop3A_777, %parallel_loop3A_814 : vector<16xi32>
        %parallel_loop3A_816 = arith.addi %parallel_loop3A_769, %parallel_loop3A_815 : vector<16xi32>
        %parallel_loop3A_817 = arith.constant 8 : i32
        %parallel_loop3A_818 = vector.broadcast %parallel_loop3A_817 : i32 to vector<16xi32>
        %parallel_loop3A_819 = arith.shli %parallel_loop3A_785, %parallel_loop3A_818 : vector<16xi32>
        %parallel_loop3A_820 = arith.addi %parallel_loop3A_816, %parallel_loop3A_819 : vector<16xi32>
        %parallel_loop3A_821 = arith.constant 83881712 : i32
        %parallel_loop3A_822 = vector.broadcast %parallel_loop3A_821 : i32 to vector<16xi32>
        %parallel_loop3A_823 = arith.addi %parallel_loop3A_820, %parallel_loop3A_822 : vector<16xi32>
        %parallel_loop3A_824 = arith.constant 4 : i32
        %parallel_loop3A_825 = vector.broadcast %parallel_loop3A_824 : i32 to vector<16xi32>
        %parallel_loop3A_826 = arith.shli %parallel_loop3A_778, %parallel_loop3A_825 : vector<16xi32>
        %parallel_loop3A_827 = arith.addi %parallel_loop3A_770, %parallel_loop3A_826 : vector<16xi32>
        %parallel_loop3A_828 = arith.constant 8 : i32
        %parallel_loop3A_829 = vector.broadcast %parallel_loop3A_828 : i32 to vector<16xi32>
        %parallel_loop3A_830 = arith.shli %parallel_loop3A_786, %parallel_loop3A_829 : vector<16xi32>
        %parallel_loop3A_831 = arith.addi %parallel_loop3A_827, %parallel_loop3A_830 : vector<16xi32>
        %parallel_loop3A_832 = arith.constant 83881712 : i32
        %parallel_loop3A_833 = vector.broadcast %parallel_loop3A_832 : i32 to vector<16xi32>
        %parallel_loop3A_834 = arith.addi %parallel_loop3A_831, %parallel_loop3A_833 : vector<16xi32>
        %parallel_loop3A_835 = arith.constant 4 : i32
        %parallel_loop3A_836 = vector.broadcast %parallel_loop3A_835 : i32 to vector<16xi32>
        %parallel_loop3A_837 = arith.shli %parallel_loop3A_779, %parallel_loop3A_836 : vector<16xi32>
        %parallel_loop3A_838 = arith.addi %parallel_loop3A_771, %parallel_loop3A_837 : vector<16xi32>
        %parallel_loop3A_839 = arith.constant 8 : i32
        %parallel_loop3A_840 = vector.broadcast %parallel_loop3A_839 : i32 to vector<16xi32>
        %parallel_loop3A_841 = arith.shli %parallel_loop3A_787, %parallel_loop3A_840 : vector<16xi32>
        %parallel_loop3A_842 = arith.addi %parallel_loop3A_838, %parallel_loop3A_841 : vector<16xi32>
        %parallel_loop3A_843 = arith.constant 83881712 : i32
        %parallel_loop3A_844 = vector.broadcast %parallel_loop3A_843 : i32 to vector<16xi32>
        %parallel_loop3A_845 = arith.addi %parallel_loop3A_842, %parallel_loop3A_844 : vector<16xi32>
        %parallel_loop3A_846 = arith.constant 4 : i32
        %parallel_loop3A_847 = vector.broadcast %parallel_loop3A_846 : i32 to vector<16xi32>
        %parallel_loop3A_848 = arith.shli %parallel_loop3A_780, %parallel_loop3A_847 : vector<16xi32>
        %parallel_loop3A_849 = arith.addi %parallel_loop3A_772, %parallel_loop3A_848 : vector<16xi32>
        %parallel_loop3A_850 = arith.constant 8 : i32
        %parallel_loop3A_851 = vector.broadcast %parallel_loop3A_850 : i32 to vector<16xi32>
        %parallel_loop3A_852 = arith.shli %parallel_loop3A_788, %parallel_loop3A_851 : vector<16xi32>
        %parallel_loop3A_853 = arith.addi %parallel_loop3A_849, %parallel_loop3A_852 : vector<16xi32>
        %parallel_loop3A_854 = arith.constant 83881712 : i32
        %parallel_loop3A_855 = vector.broadcast %parallel_loop3A_854 : i32 to vector<16xi32>
        %parallel_loop3A_856 = arith.addi %parallel_loop3A_853, %parallel_loop3A_855 : vector<16xi32>
        %parallel_loop3A_857 = arith.constant 4 : i32
        %parallel_loop3A_858 = vector.broadcast %parallel_loop3A_857 : i32 to vector<16xi32>
        %parallel_loop3A_859 = arith.shli %parallel_loop3A_781, %parallel_loop3A_858 : vector<16xi32>
        %parallel_loop3A_860 = arith.addi %parallel_loop3A_773, %parallel_loop3A_859 : vector<16xi32>
        %parallel_loop3A_861 = arith.constant 8 : i32
        %parallel_loop3A_862 = vector.broadcast %parallel_loop3A_861 : i32 to vector<16xi32>
        %parallel_loop3A_863 = arith.shli %parallel_loop3A_789, %parallel_loop3A_862 : vector<16xi32>
        %parallel_loop3A_864 = arith.addi %parallel_loop3A_860, %parallel_loop3A_863 : vector<16xi32>
        %parallel_loop3A_865 = arith.constant 83881712 : i32
        %parallel_loop3A_866 = vector.broadcast %parallel_loop3A_865 : i32 to vector<16xi32>
        %parallel_loop3A_867 = arith.addi %parallel_loop3A_864, %parallel_loop3A_866 : vector<16xi32>
        %parallel_loop3A_868 = arith.constant 4 : i32
        %parallel_loop3A_869 = vector.broadcast %parallel_loop3A_868 : i32 to vector<16xi32>
        %parallel_loop3A_870 = arith.shli %parallel_loop3A_782, %parallel_loop3A_869 : vector<16xi32>
        %parallel_loop3A_871 = arith.addi %parallel_loop3A_774, %parallel_loop3A_870 : vector<16xi32>
        %parallel_loop3A_872 = arith.constant 8 : i32
        %parallel_loop3A_873 = vector.broadcast %parallel_loop3A_872 : i32 to vector<16xi32>
        %parallel_loop3A_874 = arith.shli %parallel_loop3A_790, %parallel_loop3A_873 : vector<16xi32>
        %parallel_loop3A_875 = arith.addi %parallel_loop3A_871, %parallel_loop3A_874 : vector<16xi32>
        %parallel_loop3A_876 = arith.constant 83881712 : i32
        %parallel_loop3A_877 = vector.broadcast %parallel_loop3A_876 : i32 to vector<16xi32>
        %parallel_loop3A_878 = arith.addi %parallel_loop3A_875, %parallel_loop3A_877 : vector<16xi32>
        tpu.vector_store_idx %arg10[%parallel_loop3A_801], %broadcast_in_dim3A_33 {add = true} : memref<4096xf32, #tpu.memory_space<vmem>>[vector<16xi32>], vector<16xf32>,
        tpu.vector_store_idx %arg10[%parallel_loop3A_812], %broadcast_in_dim3A_33 {add = true} : memref<4096xf32, #tpu.memory_space<vmem>>[vector<16xi32>], vector<16xf32>,
        tpu.vector_store_idx %arg10[%parallel_loop3A_823], %broadcast_in_dim3A_33 {add = true} : memref<4096xf32, #tpu.memory_space<vmem>>[vector<16xi32>], vector<16xf32>,
        tpu.vector_store_idx %arg10[%parallel_loop3A_834], %broadcast_in_dim3A_33 {add = true} : memref<4096xf32, #tpu.memory_space<vmem>>[vector<16xi32>], vector<16xf32>,
        tpu.vector_store_idx %arg10[%parallel_loop3A_845], %broadcast_in_dim3A_33 {add = true} : memref<4096xf32, #tpu.memory_space<vmem>>[vector<16xi32>], vector<16xf32>,
        tpu.vector_store_idx %arg10[%parallel_loop3A_856], %broadcast_in_dim3A_33 {add = true} : memref<4096xf32, #tpu.memory_space<vmem>>[vector<16xi32>], vector<16xf32>,
        tpu.vector_store_idx %arg10[%parallel_loop3A_867], %broadcast_in_dim3A_33 {add = true} : memref<4096xf32, #tpu.memory_space<vmem>>[vector<16xi32>], vector<16xf32>,
        tpu.vector_store_idx %arg10[%parallel_loop3A_878], %broadcast_in_dim3A_33 {add = true} : memref<4096xf32, #tpu.memory_space<vmem>>[vector<16xi32>], vector<16xf32>,
      } {sc.loop_unroll_factor = 2 : i64, sc.parallel_access}
      %add3A_164 = arith.constant 2 : i32
      %add3A_165 = arith.addi %mul3A_140, %add3A_164 : i32
      %min3A_166 = arith.constant 31 : i32
      %min3A_167 = arith.minsi %add3A_165, %min3A_166 : i32
      %mul3A_168 = arith.constant 8 : i32
      %mul3A_169 = arith.muli %min3A_167, %mul3A_168 : i32
      %add3A_170 = arith.addi %mul3A_32, %mul3A_169 : i32
      %dma_start3A_171 = arith.constant 0 : i32
      %dma_start3A_172 = arith.constant 0 : i32
      %dma_start3A_173 = tpu.memref_slice %arg2[%select_n3A, %dma_start3A_171, %add3A_170, %dma_start3A_172] : memref<16x3x512x512xf32, #tpu.memory_space<hbm>> -> memref<1x1x8x512xf32, #tpu.memory_space<hbm>>
      %dma_start3A_174 = tpu.memref_squeeze %dma_start3A_173 : memref<1x1x8x512xf32, #tpu.memory_space<hbm>> -> memref<8x512xf32, #tpu.memory_space<hbm>>
      %dma_start3A_175 = arith.constant 0 : i32
      %dma_start3A_176 = tpu.memref_slice %arg2[%select_n3A, %dma_start3A_171, %add3A_170, %dma_start3A_175] : memref<16x3x512x512xf32, #tpu.memory_space<hbm>> -> memref<1x1x8x512xf32, #tpu.memory_space<hbm>>
      %dma_start3A_177 = tpu.memref_squeeze %dma_start3A_176 : memref<1x1x8x512xf32, #tpu.memory_space<hbm>> -> memref<8x512xf32, #tpu.memory_space<hbm>>
      tpu.enqueue_dma source(%dma_start3A_177 : memref<8x512xf32, #tpu.memory_space<hbm>>) target(%arg4 : memref<8x512xf32, #tpu.memory_space<vmem>>) target_semaphore(%arg11 : memref<!tpu.dma_semaphore, #tpu.memory_space<semaphore_mem>>)
      %dma_start3A_178 = arith.constant 1 : i32
      %dma_start3A_179 = arith.constant 0 : i32
      %dma_start3A_180 = tpu.memref_slice %arg2[%select_n3A, %dma_start3A_178, %add3A_170, %dma_start3A_179] : memref<16x3x512x512xf32, #tpu.memory_space<hbm>> -> memref<1x1x8x512xf32, #tpu.memory_space<hbm>>
      %dma_start3A_181 = tpu.memref_squeeze %dma_start3A_180 : memref<1x1x8x512xf32, #tpu.memory_space<hbm>> -> memref<8x512xf32, #tpu.memory_space<hbm>>
      %dma_start3A_182 = arith.constant 0 : i32
      %dma_start3A_183 = tpu.memref_slice %arg2[%select_n3A, %dma_start3A_178, %add3A_170, %dma_start3A_182] : memref<16x3x512x512xf32, #tpu.memory_space<hbm>> -> memref<1x1x8x512xf32, #tpu.memory_space<hbm>>
      %dma_start3A_184 = tpu.memref_squeeze %dma_start3A_183 : memref<1x1x8x512xf32, #tpu.memory_space<hbm>> -> memref<8x512xf32, #tpu.memory_space<hbm>>
      tpu.enqueue_dma source(%dma_start3A_184 : memref<8x512xf32, #tpu.memory_space<hbm>>) target(%arg5 : memref<8x512xf32, #tpu.memory_space<vmem>>) target_semaphore(%arg11 : memref<!tpu.dma_semaphore, #tpu.memory_space<semaphore_mem>>)
      %dma_start3A_185 = arith.constant 2 : i32
      %dma_start3A_186 = arith.constant 0 : i32
      %dma_start3A_187 = tpu.memref_slice %arg2[%select_n3A, %dma_start3A_185, %add3A_170, %dma_start3A_186] : memref<16x3x512x512xf32, #tpu.memory_space<hbm>> -> memref<1x1x8x512xf32, #tpu.memory_space<hbm>>
      %dma_start3A_188 = tpu.memref_squeeze %dma_start3A_187 : memref<1x1x8x512xf32, #tpu.memory_space<hbm>> -> memref<8x512xf32, #tpu.memory_space<hbm>>
      %dma_start3A_189 = arith.constant 0 : i32
      %dma_start3A_190 = tpu.memref_slice %arg2[%select_n3A, %dma_start3A_185, %add3A_170, %dma_start3A_189] : memref<16x3x512x512xf32, #tpu.memory_space<hbm>> -> memref<1x1x8x512xf32, #tpu.memory_space<hbm>>
      %dma_start3A_191 = tpu.memref_squeeze %dma_start3A_190 : memref<1x1x8x512xf32, #tpu.memory_space<hbm>> -> memref<8x512xf32, #tpu.memory_space<hbm>>
      tpu.enqueue_dma source(%dma_start3A_191 : memref<8x512xf32, #tpu.memory_space<hbm>>) target(%arg6 : memref<8x512xf32, #tpu.memory_space<vmem>>) target_semaphore(%arg11 : memref<!tpu.dma_semaphore, #tpu.memory_space<semaphore_mem>>)
      %dma_wait3A_192 = arith.constant 0 : i32
      %dma_wait3A_193 = arith.constant 0 : i32
      %dma_wait3A_194 = tpu.memref_slice %arg2[%select_n3A, %dma_wait3A_192, %mul3A_32, %dma_wait3A_193] : memref<16x3x512x512xf32, #tpu.memory_space<hbm>> -> memref<1x1x8x512xf32, #tpu.memory_space<hbm>>
      %dma_wait3A_195 = tpu.memref_squeeze %dma_wait3A_194 : memref<1x1x8x512xf32, #tpu.memory_space<hbm>> -> memref<8x512xf32, #tpu.memory_space<hbm>>
      %dma_wait3A_196 = arith.constant 0 : i32
      %dma_wait3A_197 = tpu.memref_slice %arg2[%select_n3A, %dma_wait3A_192, %mul3A_32, %dma_wait3A_196] : memref<16x3x512x512xf32, #tpu.memory_space<hbm>> -> memref<1x1x8x512xf32, #tpu.memory_space<hbm>>
      %dma_wait3A_198 = tpu.memref_squeeze %dma_wait3A_197 : memref<1x1x8x512xf32, #tpu.memory_space<hbm>> -> memref<8x512xf32, #tpu.memory_space<hbm>>
      tpu.wait_dma2 semaphore(%arg12 : memref<!tpu.dma_semaphore, #tpu.memory_space<semaphore_mem>>) src(%dma_wait3A_198 : memref<8x512xf32, #tpu.memory_space<hbm>>) dst(%arg7 : memref<8x512xf32, #tpu.memory_space<vmem>>)
      %dma_wait3A_199 = arith.constant 1 : i32
      %dma_wait3A_200 = arith.constant 0 : i32
      %dma_wait3A_201 = tpu.memref_slice %arg2[%select_n3A, %dma_wait3A_199, %mul3A_32, %dma_wait3A_200] : memref<16x3x512x512xf32, #tpu.memory_space<hbm>> -> memref<1x1x8x512xf32, #tpu.memory_space<hbm>>
      %dma_wait3A_202 = tpu.memref_squeeze %dma_wait3A_201 : memref<1x1x8x512xf32, #tpu.memory_space<hbm>> -> memref<8x512xf32, #tpu.memory_space<hbm>>
      %dma_wait3A_203 = arith.constant 0 : i32
      %dma_wait3A_204 = tpu.memref_slice %arg2[%select_n3A, %dma_wait3A_199, %mul3A_32, %dma_wait3A_203] : memref<16x3x512x512xf32, #tpu.memory_space<hbm>> -> memref<1x1x8x512xf32, #tpu.memory_space<hbm>>
      %dma_wait3A_205 = tpu.memref_squeeze %dma_wait3A_204 : memref<1x1x8x512xf32, #tpu.memory_space<hbm>> -> memref<8x512xf32, #tpu.memory_space<hbm>>
      tpu.wait_dma2 semaphore(%arg12 : memref<!tpu.dma_semaphore, #tpu.memory_space<semaphore_mem>>) src(%dma_wait3A_205 : memref<8x512xf32, #tpu.memory_space<hbm>>) dst(%arg8 : memref<8x512xf32, #tpu.memory_space<vmem>>)
      %dma_wait3A_206 = arith.constant 2 : i32
      %dma_wait3A_207 = arith.constant 0 : i32
      %dma_wait3A_208 = tpu.memref_slice %arg2[%select_n3A, %dma_wait3A_206, %mul3A_32, %dma_wait3A_207] : memref<16x3x512x512xf32, #tpu.memory_space<hbm>> -> memref<1x1x8x512xf32, #tpu.memory_space<hbm>>
      %dma_wait3A_209 = tpu.memref_squeeze %dma_wait3A_208 : memref<1x1x8x512xf32, #tpu.memory_space<hbm>> -> memref<8x512xf32, #tpu.memory_space<hbm>>
      %dma_wait3A_210 = arith.constant 0 : i32
      %dma_wait3A_211 = tpu.memref_slice %arg2[%select_n3A, %dma_wait3A_206, %mul3A_32, %dma_wait3A_210] : memref<16x3x512x512xf32, #tpu.memory_space<hbm>> -> memref<1x1x8x512xf32, #tpu.memory_space<hbm>>
      %dma_wait3A_212 = tpu.memref_squeeze %dma_wait3A_211 : memref<1x1x8x512xf32, #tpu.memory_space<hbm>> -> memref<8x512xf32, #tpu.memory_space<hbm>>
      tpu.wait_dma2 semaphore(%arg12 : memref<!tpu.dma_semaphore, #tpu.memory_space<semaphore_mem>>) src(%dma_wait3A_212 : memref<8x512xf32, #tpu.memory_space<hbm>>) dst(%arg9 : memref<8x512xf32, #tpu.memory_space<vmem>>)
      %parallel_loop3A_213 = arith.constant 0 : i32
      %parallel_loop3A_214 = arith.constant 32 : i32
      %parallel_loop3A_215 = arith.constant 1 : i32
      scf.for %parallel_loop3A_244 = %parallel_loop3A_213 to %parallel_loop3A_214 step %parallel_loop3A_215  : i32 {
        %parallel_loop3A_245 = arith.constant 4 : i32
        %parallel_loop3A_246 = arith.divsi %parallel_loop3A_244, %parallel_loop3A_245 : i32
        %parallel_loop3A_247 = arith.constant 0 : i32
        %parallel_loop3A_248 = arith.cmpi sgt, %parallel_loop3A_244, %parallel_loop3A_247 : i32
        %parallel_loop3A_249 = arith.extui %parallel_loop3A_248 : i1 to i32
        %parallel_loop3A_250 = arith.constant 0 : i32
        %parallel_loop3A_251 = arith.cmpi slt, %parallel_loop3A_244, %parallel_loop3A_250 : i32
        %parallel_loop3A_252 = arith.extui %parallel_loop3A_251 : i1 to i32
        %parallel_loop3A_253 = arith.subi %parallel_loop3A_249, %parallel_loop3A_252 : i32
        %parallel_loop3A_254 = arith.constant 0 : i32
        %parallel_loop3A_255 = arith.cmpi sgt, %parallel_loop3A_245, %parallel_loop3A_254 : i32
        %parallel_loop3A_256 = arith.extui %parallel_loop3A_255 : i1 to i32
        %parallel_loop3A_257 = arith.constant 0 : i32
        %parallel_loop3A_258 = arith.cmpi slt, %parallel_loop3A_245, %parallel_loop3A_257 : i32
        %parallel_loop3A_259 = arith.extui %parallel_loop3A_258 : i1 to i32
        %parallel_loop3A_260 = arith.subi %parallel_loop3A_256, %parallel_loop3A_259 : i32
        %parallel_loop3A_261 = arith.cmpi ne, %parallel_loop3A_253, %parallel_loop3A_260 : i32
        %parallel_loop3A_262 = arith.remsi %parallel_loop3A_244, %parallel_loop3A_245 : i32
        %parallel_loop3A_263 = arith.constant 0 : i32
        %parallel_loop3A_264 = arith.cmpi ne, %parallel_loop3A_262, %parallel_loop3A_263 : i32
        %parallel_loop3A_265 = arith.andi %parallel_loop3A_261, %parallel_loop3A_264 : i1
        %parallel_loop3A_266 = arith.constant 1 : i32
        %parallel_loop3A_267 = arith.subi %parallel_loop3A_246, %parallel_loop3A_266 : i32
        %parallel_loop3A_268 = arith.select %parallel_loop3A_265, %parallel_loop3A_267, %parallel_loop3A_246 : i32
        %parallel_loop3A_269 = arith.constant 4 : i32
        %parallel_loop3A_270 = arith.constant 0 : i32
        %parallel_loop3A_271 = arith.cmpi eq, %parallel_loop3A_269, %parallel_loop3A_270 : i32
        %parallel_loop3A_272 = arith.constant 1 : i32
        %parallel_loop3A_273 = arith.select %parallel_loop3A_271, %parallel_loop3A_272, %parallel_loop3A_269 : i32
        %parallel_loop3A_274 = arith.remsi %parallel_loop3A_244, %parallel_loop3A_273 : i32
        %parallel_loop3A_275 = arith.constant 0 : i32
        %parallel_loop3A_276 = arith.cmpi ne, %parallel_loop3A_274, %parallel_loop3A_275 : i32
        %parallel_loop3A_277 = arith.constant 0 : i32
        %parallel_loop3A_278 = arith.cmpi slt, %parallel_loop3A_274, %parallel_loop3A_277 : i32
        %parallel_loop3A_279 = arith.constant 0 : i32
        %parallel_loop3A_280 = arith.cmpi slt, %parallel_loop3A_273, %parallel_loop3A_279 : i32
        %parallel_loop3A_281 = arith.xori %parallel_loop3A_278, %parallel_loop3A_280 : i1
        %parallel_loop3A_282 = arith.andi %parallel_loop3A_281, %parallel_loop3A_276 : i1
        %parallel_loop3A_283 = arith.addi %parallel_loop3A_274, %parallel_loop3A_273 : i32
        %parallel_loop3A_284 = arith.select %parallel_loop3A_282, %parallel_loop3A_283, %parallel_loop3A_274 : i32
        %parallel_loop3A_285 = arith.constant 128 : i32
        %parallel_loop3A_286 = arith.muli %parallel_loop3A_284, %parallel_loop3A_285 : i32
        %parallel_loop3A_287 = arith.constant 0 : i32
        %parallel_loop3A_288 = arith.addi %parallel_loop3A_286, %parallel_loop3A_287 : i32
        %parallel_loop3A_289 = arith.index_cast %parallel_loop3A_268 : i32 to index
        %parallel_loop3A_290 = arith.index_cast %parallel_loop3A_288 : i32 to index
        %parallel_loop3A_291 = tpu.vector_load %arg7[%parallel_loop3A_289, %parallel_loop3A_290] {strides = array<i32>} : memref<8x512xf32, #tpu.memory_space<vmem>>, vector<16xf32>,
        %parallel_loop3A_292 = arith.constant 16 : i32
        %parallel_loop3A_293 = arith.addi %parallel_loop3A_286, %parallel_loop3A_292 : i32
        %parallel_loop3A_294 = arith.index_cast %parallel_loop3A_268 : i32 to index
        %parallel_loop3A_295 = arith.index_cast %parallel_loop3A_293 : i32 to index
        %parallel_loop3A_296 = tpu.vector_load %arg7[%parallel_loop3A_294, %parallel_loop3A_295] {strides = array<i32>} : memref<8x512xf32, #tpu.memory_space<vmem>>, vector<16xf32>,
        %parallel_loop3A_297 = arith.constant 32 : i32
        %parallel_loop3A_298 = arith.addi %parallel_loop3A_286, %parallel_loop3A_297 : i32
        %parallel_loop3A_299 = arith.index_cast %parallel_loop3A_268 : i32 to index
        %parallel_loop3A_300 = arith.index_cast %parallel_loop3A_298 : i32 to index
        %parallel_loop3A_301 = tpu.vector_load %arg7[%parallel_loop3A_299, %parallel_loop3A_300] {strides = array<i32>} : memref<8x512xf32, #tpu.memory_space<vmem>>, vector<16xf32>,
        %parallel_loop3A_302 = arith.constant 48 : i32
        %parallel_loop3A_303 = arith.addi %parallel_loop3A_286, %parallel_loop3A_302 : i32
        %parallel_loop3A_304 = arith.index_cast %parallel_loop3A_268 : i32 to index
        %parallel_loop3A_305 = arith.index_cast %parallel_loop3A_303 : i32 to index
        %parallel_loop3A_306 = tpu.vector_load %arg7[%parallel_loop3A_304, %parallel_loop3A_305] {strides = array<i32>} : memref<8x512xf32, #tpu.memory_space<vmem>>, vector<16xf32>,
        %parallel_loop3A_307 = arith.constant 64 : i32
        %parallel_loop3A_308 = arith.addi %parallel_loop3A_286, %parallel_loop3A_307 : i32
        %parallel_loop3A_309 = arith.index_cast %parallel_loop3A_268 : i32 to index
        %parallel_loop3A_310 = arith.index_cast %parallel_loop3A_308 : i32 to index
        %parallel_loop3A_311 = tpu.vector_load %arg7[%parallel_loop3A_309, %parallel_loop3A_310] {strides = array<i32>} : memref<8x512xf32, #tpu.memory_space<vmem>>, vector<16xf32>,
        %parallel_loop3A_312 = arith.constant 80 : i32
        %parallel_loop3A_313 = arith.addi %parallel_loop3A_286, %parallel_loop3A_312 : i32
        %parallel_loop3A_314 = arith.index_cast %parallel_loop3A_268 : i32 to index
        %parallel_loop3A_315 = arith.index_cast %parallel_loop3A_313 : i32 to index
        %parallel_loop3A_316 = tpu.vector_load %arg7[%parallel_loop3A_314, %parallel_loop3A_315] {strides = array<i32>} : memref<8x512xf32, #tpu.memory_space<vmem>>, vector<16xf32>,
        %parallel_loop3A_317 = arith.constant 96 : i32
        %parallel_loop3A_318 = arith.addi %parallel_loop3A_286, %parallel_loop3A_317 : i32
        %parallel_loop3A_319 = arith.index_cast %parallel_loop3A_268 : i32 to index
        %parallel_loop3A_320 = arith.index_cast %parallel_loop3A_318 : i32 to index
        %parallel_loop3A_321 = tpu.vector_load %arg7[%parallel_loop3A_319, %parallel_loop3A_320] {strides = array<i32>} : memref<8x512xf32, #tpu.memory_space<vmem>>, vector<16xf32>,
        %parallel_loop3A_322 = arith.constant 112 : i32
        %parallel_loop3A_323 = arith.addi %parallel_loop3A_286, %parallel_loop3A_322 : i32
        %parallel_loop3A_324 = arith.index_cast %parallel_loop3A_268 : i32 to index
        %parallel_loop3A_325 = arith.index_cast %parallel_loop3A_323 : i32 to index
        %parallel_loop3A_326 = tpu.vector_load %arg7[%parallel_loop3A_324, %parallel_loop3A_325] {strides = array<i32>} : memref<8x512xf32, #tpu.memory_space<vmem>>, vector<16xf32>,
        %parallel_loop3A_327 = arith.constant 0 : i32
        %parallel_loop3A_328 = arith.addi %parallel_loop3A_286, %parallel_loop3A_327 : i32
        %parallel_loop3A_329 = arith.index_cast %parallel_loop3A_268 : i32 to index
        %parallel_loop3A_330 = arith.index_cast %parallel_loop3A_328 : i32 to index
        %parallel_loop3A_331 = tpu.vector_load %arg8[%parallel_loop3A_329, %parallel_loop3A_330] {strides = array<i32>} : memref<8x512xf32, #tpu.memory_space<vmem>>, vector<16xf32>,
        %parallel_loop3A_332 = arith.constant 16 : i32
        %parallel_loop3A_333 = arith.addi %parallel_loop3A_286, %parallel_loop3A_332 : i32
        %parallel_loop3A_334 = arith.index_cast %parallel_loop3A_268 : i32 to index
        %parallel_loop3A_335 = arith.index_cast %parallel_loop3A_333 : i32 to index
        %parallel_loop3A_336 = tpu.vector_load %arg8[%parallel_loop3A_334, %parallel_loop3A_335] {strides = array<i32>} : memref<8x512xf32, #tpu.memory_space<vmem>>, vector<16xf32>,
        %parallel_loop3A_337 = arith.constant 32 : i32
        %parallel_loop3A_338 = arith.addi %parallel_loop3A_286, %parallel_loop3A_337 : i32
        %parallel_loop3A_339 = arith.index_cast %parallel_loop3A_268 : i32 to index
        %parallel_loop3A_340 = arith.index_cast %parallel_loop3A_338 : i32 to index
        %parallel_loop3A_341 = tpu.vector_load %arg8[%parallel_loop3A_339, %parallel_loop3A_340] {strides = array<i32>} : memref<8x512xf32, #tpu.memory_space<vmem>>, vector<16xf32>,
        %parallel_loop3A_342 = arith.constant 48 : i32
        %parallel_loop3A_343 = arith.addi %parallel_loop3A_286, %parallel_loop3A_342 : i32
        %parallel_loop3A_344 = arith.index_cast %parallel_loop3A_268 : i32 to index
        %parallel_loop3A_345 = arith.index_cast %parallel_loop3A_343 : i32 to index
        %parallel_loop3A_346 = tpu.vector_load %arg8[%parallel_loop3A_344, %parallel_loop3A_345] {strides = array<i32>} : memref<8x512xf32, #tpu.memory_space<vmem>>, vector<16xf32>,
        %parallel_loop3A_347 = arith.constant 64 : i32
        %parallel_loop3A_348 = arith.addi %parallel_loop3A_286, %parallel_loop3A_347 : i32
        %parallel_loop3A_349 = arith.index_cast %parallel_loop3A_268 : i32 to index
        %parallel_loop3A_350 = arith.index_cast %parallel_loop3A_348 : i32 to index
        %parallel_loop3A_351 = tpu.vector_load %arg8[%parallel_loop3A_349, %parallel_loop3A_350] {strides = array<i32>} : memref<8x512xf32, #tpu.memory_space<vmem>>, vector<16xf32>,
        %parallel_loop3A_352 = arith.constant 80 : i32
        %parallel_loop3A_353 = arith.addi %parallel_loop3A_286, %parallel_loop3A_352 : i32
        %parallel_loop3A_354 = arith.index_cast %parallel_loop3A_268 : i32 to index
        %parallel_loop3A_355 = arith.index_cast %parallel_loop3A_353 : i32 to index
        %parallel_loop3A_356 = tpu.vector_load %arg8[%parallel_loop3A_354, %parallel_loop3A_355] {strides = array<i32>} : memref<8x512xf32, #tpu.memory_space<vmem>>, vector<16xf32>,
        %parallel_loop3A_357 = arith.constant 96 : i32
        %parallel_loop3A_358 = arith.addi %parallel_loop3A_286, %parallel_loop3A_357 : i32
        %parallel_loop3A_359 = arith.index_cast %parallel_loop3A_268 : i32 to index
        %parallel_loop3A_360 = arith.index_cast %parallel_loop3A_358 : i32 to index
        %parallel_loop3A_361 = tpu.vector_load %arg8[%parallel_loop3A_359, %parallel_loop3A_360] {strides = array<i32>} : memref<8x512xf32, #tpu.memory_space<vmem>>, vector<16xf32>,
        %parallel_loop3A_362 = arith.constant 112 : i32
        %parallel_loop3A_363 = arith.addi %parallel_loop3A_286, %parallel_loop3A_362 : i32
        %parallel_loop3A_364 = arith.index_cast %parallel_loop3A_268 : i32 to index
        %parallel_loop3A_365 = arith.index_cast %parallel_loop3A_363 : i32 to index
        %parallel_loop3A_366 = tpu.vector_load %arg8[%parallel_loop3A_364, %parallel_loop3A_365] {strides = array<i32>} : memref<8x512xf32, #tpu.memory_space<vmem>>, vector<16xf32>,
        %parallel_loop3A_367 = arith.constant 0 : i32
        %parallel_loop3A_368 = arith.addi %parallel_loop3A_286, %parallel_loop3A_367 : i32
        %parallel_loop3A_369 = arith.index_cast %parallel_loop3A_268 : i32 to index
        %parallel_loop3A_370 = arith.index_cast %parallel_loop3A_368 : i32 to index
        %parallel_loop3A_371 = tpu.vector_load %arg9[%parallel_loop3A_369, %parallel_loop3A_370] {strides = array<i32>} : memref<8x512xf32, #tpu.memory_space<vmem>>, vector<16xf32>,
        %parallel_loop3A_372 = arith.constant 16 : i32
        %parallel_loop3A_373 = arith.addi %parallel_loop3A_286, %parallel_loop3A_372 : i32
        %parallel_loop3A_374 = arith.index_cast %parallel_loop3A_268 : i32 to index
        %parallel_loop3A_375 = arith.index_cast %parallel_loop3A_373 : i32 to index
        %parallel_loop3A_376 = tpu.vector_load %arg9[%parallel_loop3A_374, %parallel_loop3A_375] {strides = array<i32>} : memref<8x512xf32, #tpu.memory_space<vmem>>, vector<16xf32>,
        %parallel_loop3A_377 = arith.constant 32 : i32
        %parallel_loop3A_378 = arith.addi %parallel_loop3A_286, %parallel_loop3A_377 : i32
        %parallel_loop3A_379 = arith.index_cast %parallel_loop3A_268 : i32 to index
        %parallel_loop3A_380 = arith.index_cast %parallel_loop3A_378 : i32 to index
        %parallel_loop3A_381 = tpu.vector_load %arg9[%parallel_loop3A_379, %parallel_loop3A_380] {strides = array<i32>} : memref<8x512xf32, #tpu.memory_space<vmem>>, vector<16xf32>,
        %parallel_loop3A_382 = arith.constant 48 : i32
        %parallel_loop3A_383 = arith.addi %parallel_loop3A_286, %parallel_loop3A_382 : i32
        %parallel_loop3A_384 = arith.index_cast %parallel_loop3A_268 : i32 to index
        %parallel_loop3A_385 = arith.index_cast %parallel_loop3A_383 : i32 to index
        %parallel_loop3A_386 = tpu.vector_load %arg9[%parallel_loop3A_384, %parallel_loop3A_385] {strides = array<i32>} : memref<8x512xf32, #tpu.memory_space<vmem>>, vector<16xf32>,
        %parallel_loop3A_387 = arith.constant 64 : i32
        %parallel_loop3A_388 = arith.addi %parallel_loop3A_286, %parallel_loop3A_387 : i32
        %parallel_loop3A_389 = arith.index_cast %parallel_loop3A_268 : i32 to index
        %parallel_loop3A_390 = arith.index_cast %parallel_loop3A_388 : i32 to index
        %parallel_loop3A_391 = tpu.vector_load %arg9[%parallel_loop3A_389, %parallel_loop3A_390] {strides = array<i32>} : memref<8x512xf32, #tpu.memory_space<vmem>>, vector<16xf32>,
        %parallel_loop3A_392 = arith.constant 80 : i32
        %parallel_loop3A_393 = arith.addi %parallel_loop3A_286, %parallel_loop3A_392 : i32
        %parallel_loop3A_394 = arith.index_cast %parallel_loop3A_268 : i32 to index
        %parallel_loop3A_395 = arith.index_cast %parallel_loop3A_393 : i32 to index
        %parallel_loop3A_396 = tpu.vector_load %arg9[%parallel_loop3A_394, %parallel_loop3A_395] {strides = array<i32>} : memref<8x512xf32, #tpu.memory_space<vmem>>, vector<16xf32>,
        %parallel_loop3A_397 = arith.constant 96 : i32
        %parallel_loop3A_398 = arith.addi %parallel_loop3A_286, %parallel_loop3A_397 : i32
        %parallel_loop3A_399 = arith.index_cast %parallel_loop3A_268 : i32 to index
        %parallel_loop3A_400 = arith.index_cast %parallel_loop3A_398 : i32 to index
        %parallel_loop3A_401 = tpu.vector_load %arg9[%parallel_loop3A_399, %parallel_loop3A_400] {strides = array<i32>} : memref<8x512xf32, #tpu.memory_space<vmem>>, vector<16xf32>,
        %parallel_loop3A_402 = arith.constant 112 : i32
        %parallel_loop3A_403 = arith.addi %parallel_loop3A_286, %parallel_loop3A_402 : i32
        %parallel_loop3A_404 = arith.index_cast %parallel_loop3A_268 : i32 to index
        %parallel_loop3A_405 = arith.index_cast %parallel_loop3A_403 : i32 to index
        %parallel_loop3A_406 = tpu.vector_load %arg9[%parallel_loop3A_404, %parallel_loop3A_405] {strides = array<i32>} : memref<8x512xf32, #tpu.memory_space<vmem>>, vector<16xf32>,
        %parallel_loop3A_407 = arith.constant 8.000000e+00 : f32
        %parallel_loop3A_408 = vector.broadcast %parallel_loop3A_407 : f32 to vector<16xf32>
        %parallel_loop3A_409 = arith.mulf %parallel_loop3A_291, %parallel_loop3A_408 : vector<16xf32>
        %parallel_loop3A_410 = arith.constant 8.000000e+00 : f32
        %parallel_loop3A_411 = vector.broadcast %parallel_loop3A_410 : f32 to vector<16xf32>
        %parallel_loop3A_412 = arith.mulf %parallel_loop3A_296, %parallel_loop3A_411 : vector<16xf32>
        %parallel_loop3A_413 = arith.constant 8.000000e+00 : f32
        %parallel_loop3A_414 = vector.broadcast %parallel_loop3A_413 : f32 to vector<16xf32>
        %parallel_loop3A_415 = arith.mulf %parallel_loop3A_301, %parallel_loop3A_414 : vector<16xf32>
        %parallel_loop3A_416 = arith.constant 8.000000e+00 : f32
        %parallel_loop3A_417 = vector.broadcast %parallel_loop3A_416 : f32 to vector<16xf32>
        %parallel_loop3A_418 = arith.mulf %parallel_loop3A_306, %parallel_loop3A_417 : vector<16xf32>
        %parallel_loop3A_419 = arith.constant 8.000000e+00 : f32
        %parallel_loop3A_420 = vector.broadcast %parallel_loop3A_419 : f32 to vector<16xf32>
        %parallel_loop3A_421 = arith.mulf %parallel_loop3A_311, %parallel_loop3A_420 : vector<16xf32>
        %parallel_loop3A_422 = arith.constant 8.000000e+00 : f32
        %parallel_loop3A_423 = vector.broadcast %parallel_loop3A_422 : f32 to vector<16xf32>
        %parallel_loop3A_424 = arith.mulf %parallel_loop3A_316, %parallel_loop3A_423 : vector<16xf32>
        %parallel_loop3A_425 = arith.constant 8.000000e+00 : f32
        %parallel_loop3A_426 = vector.broadcast %parallel_loop3A_425 : f32 to vector<16xf32>
        %parallel_loop3A_427 = arith.mulf %parallel_loop3A_321, %parallel_loop3A_426 : vector<16xf32>
        %parallel_loop3A_428 = arith.constant 8.000000e+00 : f32
        %parallel_loop3A_429 = vector.broadcast %parallel_loop3A_428 : f32 to vector<16xf32>
        %parallel_loop3A_430 = arith.mulf %parallel_loop3A_326, %parallel_loop3A_429 : vector<16xf32>
        %parallel_loop3A_431 = arith.constant 8.000000e+00 : f32
        %parallel_loop3A_432 = vector.broadcast %parallel_loop3A_431 : f32 to vector<16xf32>
        %parallel_loop3A_433 = arith.mulf %parallel_loop3A_331, %parallel_loop3A_432 : vector<16xf32>
        %parallel_loop3A_434 = arith.constant 8.000000e+00 : f32
        %parallel_loop3A_435 = vector.broadcast %parallel_loop3A_434 : f32 to vector<16xf32>
        %parallel_loop3A_436 = arith.mulf %parallel_loop3A_336, %parallel_loop3A_435 : vector<16xf32>
        %parallel_loop3A_437 = arith.constant 8.000000e+00 : f32
        %parallel_loop3A_438 = vector.broadcast %parallel_loop3A_437 : f32 to vector<16xf32>
        %parallel_loop3A_439 = arith.mulf %parallel_loop3A_341, %parallel_loop3A_438 : vector<16xf32>
        %parallel_loop3A_440 = arith.constant 8.000000e+00 : f32
        %parallel_loop3A_441 = vector.broadcast %parallel_loop3A_440 : f32 to vector<16xf32>
        %parallel_loop3A_442 = arith.mulf %parallel_loop3A_346, %parallel_loop3A_441 : vector<16xf32>
        %parallel_loop3A_443 = arith.constant 8.000000e+00 : f32
        %parallel_loop3A_444 = vector.broadcast %parallel_loop3A_443 : f32 to vector<16xf32>
        %parallel_loop3A_445 = arith.mulf %parallel_loop3A_351, %parallel_loop3A_444 : vector<16xf32>
        %parallel_loop3A_446 = arith.constant 8.000000e+00 : f32
        %parallel_loop3A_447 = vector.broadcast %parallel_loop3A_446 : f32 to vector<16xf32>
        %parallel_loop3A_448 = arith.mulf %parallel_loop3A_356, %parallel_loop3A_447 : vector<16xf32>
        %parallel_loop3A_449 = arith.constant 8.000000e+00 : f32
        %parallel_loop3A_450 = vector.broadcast %parallel_loop3A_449 : f32 to vector<16xf32>
        %parallel_loop3A_451 = arith.mulf %parallel_loop3A_361, %parallel_loop3A_450 : vector<16xf32>
        %parallel_loop3A_452 = arith.constant 8.000000e+00 : f32
        %parallel_loop3A_453 = vector.broadcast %parallel_loop3A_452 : f32 to vector<16xf32>
        %parallel_loop3A_454 = arith.mulf %parallel_loop3A_366, %parallel_loop3A_453 : vector<16xf32>
        %parallel_loop3A_455 = arith.constant 8.000000e+00 : f32
        %parallel_loop3A_456 = vector.broadcast %parallel_loop3A_455 : f32 to vector<16xf32>
        %parallel_loop3A_457 = arith.mulf %parallel_loop3A_371, %parallel_loop3A_456 : vector<16xf32>
        %parallel_loop3A_458 = arith.constant 8.000000e+00 : f32
        %parallel_loop3A_459 = vector.broadcast %parallel_loop3A_458 : f32 to vector<16xf32>
        %parallel_loop3A_460 = arith.mulf %parallel_loop3A_376, %parallel_loop3A_459 : vector<16xf32>
        %parallel_loop3A_461 = arith.constant 8.000000e+00 : f32
        %parallel_loop3A_462 = vector.broadcast %parallel_loop3A_461 : f32 to vector<16xf32>
        %parallel_loop3A_463 = arith.mulf %parallel_loop3A_381, %parallel_loop3A_462 : vector<16xf32>
        %parallel_loop3A_464 = arith.constant 8.000000e+00 : f32
        %parallel_loop3A_465 = vector.broadcast %parallel_loop3A_464 : f32 to vector<16xf32>
        %parallel_loop3A_466 = arith.mulf %parallel_loop3A_386, %parallel_loop3A_465 : vector<16xf32>
        %parallel_loop3A_467 = arith.constant 8.000000e+00 : f32
        %parallel_loop3A_468 = vector.broadcast %parallel_loop3A_467 : f32 to vector<16xf32>
        %parallel_loop3A_469 = arith.mulf %parallel_loop3A_391, %parallel_loop3A_468 : vector<16xf32>
        %parallel_loop3A_470 = arith.constant 8.000000e+00 : f32
        %parallel_loop3A_471 = vector.broadcast %parallel_loop3A_470 : f32 to vector<16xf32>
        %parallel_loop3A_472 = arith.mulf %parallel_loop3A_396, %parallel_loop3A_471 : vector<16xf32>
        %parallel_loop3A_473 = arith.constant 8.000000e+00 : f32
        %parallel_loop3A_474 = vector.broadcast %parallel_loop3A_473 : f32 to vector<16xf32>
        %parallel_loop3A_475 = arith.mulf %parallel_loop3A_401, %parallel_loop3A_474 : vector<16xf32>
        %parallel_loop3A_476 = arith.constant 8.000000e+00 : f32
        %parallel_loop3A_477 = vector.broadcast %parallel_loop3A_476 : f32 to vector<16xf32>
        %parallel_loop3A_478 = arith.mulf %parallel_loop3A_406, %parallel_loop3A_477 : vector<16xf32>
        %parallel_loop3A_479 = arith.constant 2.350000e+01 : f32
        %parallel_loop3A_480 = vector.broadcast %parallel_loop3A_479 : f32 to vector<16xf32>
        %parallel_loop3A_481 = arith.addf %parallel_loop3A_409, %parallel_loop3A_480 : vector<16xf32>
        %parallel_loop3A_482 = arith.constant 2.350000e+01 : f32
        %parallel_loop3A_483 = vector.broadcast %parallel_loop3A_482 : f32 to vector<16xf32>
        %parallel_loop3A_484 = arith.addf %parallel_loop3A_412, %parallel_loop3A_483 : vector<16xf32>
        %parallel_loop3A_485 = arith.constant 2.350000e+01 : f32
        %parallel_loop3A_486 = vector.broadcast %parallel_loop3A_485 : f32 to vector<16xf32>
        %parallel_loop3A_487 = arith.addf %parallel_loop3A_415, %parallel_loop3A_486 : vector<16xf32>
        %parallel_loop3A_488 = arith.constant 2.350000e+01 : f32
        %parallel_loop3A_489 = vector.broadcast %parallel_loop3A_488 : f32 to vector<16xf32>
        %parallel_loop3A_490 = arith.addf %parallel_loop3A_418, %parallel_loop3A_489 : vector<16xf32>
        %parallel_loop3A_491 = arith.constant 2.350000e+01 : f32
        %parallel_loop3A_492 = vector.broadcast %parallel_loop3A_491 : f32 to vector<16xf32>
        %parallel_loop3A_493 = arith.addf %parallel_loop3A_421, %parallel_loop3A_492 : vector<16xf32>
        %parallel_loop3A_494 = arith.constant 2.350000e+01 : f32
        %parallel_loop3A_495 = vector.broadcast %parallel_loop3A_494 : f32 to vector<16xf32>
        %parallel_loop3A_496 = arith.addf %parallel_loop3A_424, %parallel_loop3A_495 : vector<16xf32>
        %parallel_loop3A_497 = arith.constant 2.350000e+01 : f32
        %parallel_loop3A_498 = vector.broadcast %parallel_loop3A_497 : f32 to vector<16xf32>
        %parallel_loop3A_499 = arith.addf %parallel_loop3A_427, %parallel_loop3A_498 : vector<16xf32>
        %parallel_loop3A_500 = arith.constant 2.350000e+01 : f32
        %parallel_loop3A_501 = vector.broadcast %parallel_loop3A_500 : f32 to vector<16xf32>
        %parallel_loop3A_502 = arith.addf %parallel_loop3A_430, %parallel_loop3A_501 : vector<16xf32>
        %parallel_loop3A_503 = arith.constant 2.350000e+01 : f32
        %parallel_loop3A_504 = vector.broadcast %parallel_loop3A_503 : f32 to vector<16xf32>
        %parallel_loop3A_505 = arith.addf %parallel_loop3A_433, %parallel_loop3A_504 : vector<16xf32>
        %parallel_loop3A_506 = arith.constant 2.350000e+01 : f32
        %parallel_loop3A_507 = vector.broadcast %parallel_loop3A_506 : f32 to vector<16xf32>
        %parallel_loop3A_508 = arith.addf %parallel_loop3A_436, %parallel_loop3A_507 : vector<16xf32>
        %parallel_loop3A_509 = arith.constant 2.350000e+01 : f32
        %parallel_loop3A_510 = vector.broadcast %parallel_loop3A_509 : f32 to vector<16xf32>
        %parallel_loop3A_511 = arith.addf %parallel_loop3A_439, %parallel_loop3A_510 : vector<16xf32>
        %parallel_loop3A_512 = arith.constant 2.350000e+01 : f32
        %parallel_loop3A_513 = vector.broadcast %parallel_loop3A_512 : f32 to vector<16xf32>
        %parallel_loop3A_514 = arith.addf %parallel_loop3A_442, %parallel_loop3A_513 : vector<16xf32>
        %parallel_loop3A_515 = arith.constant 2.350000e+01 : f32
        %parallel_loop3A_516 = vector.broadcast %parallel_loop3A_515 : f32 to vector<16xf32>
        %parallel_loop3A_517 = arith.addf %parallel_loop3A_445, %parallel_loop3A_516 : vector<16xf32>
        %parallel_loop3A_518 = arith.constant 2.350000e+01 : f32
        %parallel_loop3A_519 = vector.broadcast %parallel_loop3A_518 : f32 to vector<16xf32>
        %parallel_loop3A_520 = arith.addf %parallel_loop3A_448, %parallel_loop3A_519 : vector<16xf32>
        %parallel_loop3A_521 = arith.constant 2.350000e+01 : f32
        %parallel_loop3A_522 = vector.broadcast %parallel_loop3A_521 : f32 to vector<16xf32>
        %parallel_loop3A_523 = arith.addf %parallel_loop3A_451, %parallel_loop3A_522 : vector<16xf32>
        %parallel_loop3A_524 = arith.constant 2.350000e+01 : f32
        %parallel_loop3A_525 = vector.broadcast %parallel_loop3A_524 : f32 to vector<16xf32>
        %parallel_loop3A_526 = arith.addf %parallel_loop3A_454, %parallel_loop3A_525 : vector<16xf32>
        %parallel_loop3A_527 = arith.constant 2.350000e+01 : f32
        %parallel_loop3A_528 = vector.broadcast %parallel_loop3A_527 : f32 to vector<16xf32>
        %parallel_loop3A_529 = arith.addf %parallel_loop3A_457, %parallel_loop3A_528 : vector<16xf32>
        %parallel_loop3A_530 = arith.constant 2.350000e+01 : f32
        %parallel_loop3A_531 = vector.broadcast %parallel_loop3A_530 : f32 to vector<16xf32>
        %parallel_loop3A_532 = arith.addf %parallel_loop3A_460, %parallel_loop3A_531 : vector<16xf32>
        %parallel_loop3A_533 = arith.constant 2.350000e+01 : f32
        %parallel_loop3A_534 = vector.broadcast %parallel_loop3A_533 : f32 to vector<16xf32>
        %parallel_loop3A_535 = arith.addf %parallel_loop3A_463, %parallel_loop3A_534 : vector<16xf32>
        %parallel_loop3A_536 = arith.constant 2.350000e+01 : f32
        %parallel_loop3A_537 = vector.broadcast %parallel_loop3A_536 : f32 to vector<16xf32>
        %parallel_loop3A_538 = arith.addf %parallel_loop3A_466, %parallel_loop3A_537 : vector<16xf32>
        %parallel_loop3A_539 = arith.constant 2.350000e+01 : f32
        %parallel_loop3A_540 = vector.broadcast %parallel_loop3A_539 : f32 to vector<16xf32>
        %parallel_loop3A_541 = arith.addf %parallel_loop3A_469, %parallel_loop3A_540 : vector<16xf32>
        %parallel_loop3A_542 = arith.constant 2.350000e+01 : f32
        %parallel_loop3A_543 = vector.broadcast %parallel_loop3A_542 : f32 to vector<16xf32>
        %parallel_loop3A_544 = arith.addf %parallel_loop3A_472, %parallel_loop3A_543 : vector<16xf32>
        %parallel_loop3A_545 = arith.constant 2.350000e+01 : f32
        %parallel_loop3A_546 = vector.broadcast %parallel_loop3A_545 : f32 to vector<16xf32>
        %parallel_loop3A_547 = arith.addf %parallel_loop3A_475, %parallel_loop3A_546 : vector<16xf32>
        %parallel_loop3A_548 = arith.constant 2.350000e+01 : f32
        %parallel_loop3A_549 = vector.broadcast %parallel_loop3A_548 : f32 to vector<16xf32>
        %parallel_loop3A_550 = arith.addf %parallel_loop3A_478, %parallel_loop3A_549 : vector<16xf32>
        %parallel_loop3A_551 = arith.constant 1.600000e+01 : f32
        %parallel_loop3A_552 = vector.broadcast %parallel_loop3A_551 : f32 to vector<16xf32>
        %parallel_loop3A_553 = arith.maximumf %parallel_loop3A_481, %parallel_loop3A_552 : vector<16xf32>
        %parallel_loop3A_554 = arith.constant 1.600000e+01 : f32
        %parallel_loop3A_555 = vector.broadcast %parallel_loop3A_554 : f32 to vector<16xf32>
        %parallel_loop3A_556 = arith.maximumf %parallel_loop3A_484, %parallel_loop3A_555 : vector<16xf32>
        %parallel_loop3A_557 = arith.constant 1.600000e+01 : f32
        %parallel_loop3A_558 = vector.broadcast %parallel_loop3A_557 : f32 to vector<16xf32>
        %parallel_loop3A_559 = arith.maximumf %parallel_loop3A_487, %parallel_loop3A_558 : vector<16xf32>
        %parallel_loop3A_560 = arith.constant 1.600000e+01 : f32
        %parallel_loop3A_561 = vector.broadcast %parallel_loop3A_560 : f32 to vector<16xf32>
        %parallel_loop3A_562 = arith.maximumf %parallel_loop3A_490, %parallel_loop3A_561 : vector<16xf32>
        %parallel_loop3A_563 = arith.constant 1.600000e+01 : f32
        %parallel_loop3A_564 = vector.broadcast %parallel_loop3A_563 : f32 to vector<16xf32>
        %parallel_loop3A_565 = arith.maximumf %parallel_loop3A_493, %parallel_loop3A_564 : vector<16xf32>
        %parallel_loop3A_566 = arith.constant 1.600000e+01 : f32
        %parallel_loop3A_567 = vector.broadcast %parallel_loop3A_566 : f32 to vector<16xf32>
        %parallel_loop3A_568 = arith.maximumf %parallel_loop3A_496, %parallel_loop3A_567 : vector<16xf32>
        %parallel_loop3A_569 = arith.constant 1.600000e+01 : f32
        %parallel_loop3A_570 = vector.broadcast %parallel_loop3A_569 : f32 to vector<16xf32>
        %parallel_loop3A_571 = arith.maximumf %parallel_loop3A_499, %parallel_loop3A_570 : vector<16xf32>
        %parallel_loop3A_572 = arith.constant 1.600000e+01 : f32
        %parallel_loop3A_573 = vector.broadcast %parallel_loop3A_572 : f32 to vector<16xf32>
        %parallel_loop3A_574 = arith.maximumf %parallel_loop3A_502, %parallel_loop3A_573 : vector<16xf32>
        %parallel_loop3A_575 = arith.constant 1.600000e+01 : f32
        %parallel_loop3A_576 = vector.broadcast %parallel_loop3A_575 : f32 to vector<16xf32>
        %parallel_loop3A_577 = arith.maximumf %parallel_loop3A_505, %parallel_loop3A_576 : vector<16xf32>
        %parallel_loop3A_578 = arith.constant 1.600000e+01 : f32
        %parallel_loop3A_579 = vector.broadcast %parallel_loop3A_578 : f32 to vector<16xf32>
        %parallel_loop3A_580 = arith.maximumf %parallel_loop3A_508, %parallel_loop3A_579 : vector<16xf32>
        %parallel_loop3A_581 = arith.constant 1.600000e+01 : f32
        %parallel_loop3A_582 = vector.broadcast %parallel_loop3A_581 : f32 to vector<16xf32>
        %parallel_loop3A_583 = arith.maximumf %parallel_loop3A_511, %parallel_loop3A_582 : vector<16xf32>
        %parallel_loop3A_584 = arith.constant 1.600000e+01 : f32
        %parallel_loop3A_585 = vector.broadcast %parallel_loop3A_584 : f32 to vector<16xf32>
        %parallel_loop3A_586 = arith.maximumf %parallel_loop3A_514, %parallel_loop3A_585 : vector<16xf32>
        %parallel_loop3A_587 = arith.constant 1.600000e+01 : f32
        %parallel_loop3A_588 = vector.broadcast %parallel_loop3A_587 : f32 to vector<16xf32>
        %parallel_loop3A_589 = arith.maximumf %parallel_loop3A_517, %parallel_loop3A_588 : vector<16xf32>
        %parallel_loop3A_590 = arith.constant 1.600000e+01 : f32
        %parallel_loop3A_591 = vector.broadcast %parallel_loop3A_590 : f32 to vector<16xf32>
        %parallel_loop3A_592 = arith.maximumf %parallel_loop3A_520, %parallel_loop3A_591 : vector<16xf32>
        %parallel_loop3A_593 = arith.constant 1.600000e+01 : f32
        %parallel_loop3A_594 = vector.broadcast %parallel_loop3A_593 : f32 to vector<16xf32>
        %parallel_loop3A_595 = arith.maximumf %parallel_loop3A_523, %parallel_loop3A_594 : vector<16xf32>
        %parallel_loop3A_596 = arith.constant 1.600000e+01 : f32
        %parallel_loop3A_597 = vector.broadcast %parallel_loop3A_596 : f32 to vector<16xf32>
        %parallel_loop3A_598 = arith.maximumf %parallel_loop3A_526, %parallel_loop3A_597 : vector<16xf32>
        %parallel_loop3A_599 = arith.constant 1.600000e+01 : f32
        %parallel_loop3A_600 = vector.broadcast %parallel_loop3A_599 : f32 to vector<16xf32>
        %parallel_loop3A_601 = arith.maximumf %parallel_loop3A_529, %parallel_loop3A_600 : vector<16xf32>
        %parallel_loop3A_602 = arith.constant 1.600000e+01 : f32
        %parallel_loop3A_603 = vector.broadcast %parallel_loop3A_602 : f32 to vector<16xf32>
        %parallel_loop3A_604 = arith.maximumf %parallel_loop3A_532, %parallel_loop3A_603 : vector<16xf32>
        %parallel_loop3A_605 = arith.constant 1.600000e+01 : f32
        %parallel_loop3A_606 = vector.broadcast %parallel_loop3A_605 : f32 to vector<16xf32>
        %parallel_loop3A_607 = arith.maximumf %parallel_loop3A_535, %parallel_loop3A_606 : vector<16xf32>
        %parallel_loop3A_608 = arith.constant 1.600000e+01 : f32
        %parallel_loop3A_609 = vector.broadcast %parallel_loop3A_608 : f32 to vector<16xf32>
        %parallel_loop3A_610 = arith.maximumf %parallel_loop3A_538, %parallel_loop3A_609 : vector<16xf32>
        %parallel_loop3A_611 = arith.constant 1.600000e+01 : f32
        %parallel_loop3A_612 = vector.broadcast %parallel_loop3A_611 : f32 to vector<16xf32>
        %parallel_loop3A_613 = arith.maximumf %parallel_loop3A_541, %parallel_loop3A_612 : vector<16xf32>
        %parallel_loop3A_614 = arith.constant 1.600000e+01 : f32
        %parallel_loop3A_615 = vector.broadcast %parallel_loop3A_614 : f32 to vector<16xf32>
        %parallel_loop3A_616 = arith.maximumf %parallel_loop3A_544, %parallel_loop3A_615 : vector<16xf32>
        %parallel_loop3A_617 = arith.constant 1.600000e+01 : f32
        %parallel_loop3A_618 = vector.broadcast %parallel_loop3A_617 : f32 to vector<16xf32>
        %parallel_loop3A_619 = arith.maximumf %parallel_loop3A_547, %parallel_loop3A_618 : vector<16xf32>
        %parallel_loop3A_620 = arith.constant 1.600000e+01 : f32
        %parallel_loop3A_621 = vector.broadcast %parallel_loop3A_620 : f32 to vector<16xf32>
        %parallel_loop3A_622 = arith.maximumf %parallel_loop3A_550, %parallel_loop3A_621 : vector<16xf32>
        %parallel_loop3A_623 = arith.constant 3.100000e+01 : f32
        %parallel_loop3A_624 = vector.broadcast %parallel_loop3A_623 : f32 to vector<16xf32>
        %parallel_loop3A_625 = arith.minimumf %parallel_loop3A_553, %parallel_loop3A_624 : vector<16xf32>
        %parallel_loop3A_626 = arith.constant 3.100000e+01 : f32
        %parallel_loop3A_627 = vector.broadcast %parallel_loop3A_626 : f32 to vector<16xf32>
        %parallel_loop3A_628 = arith.minimumf %parallel_loop3A_556, %parallel_loop3A_627 : vector<16xf32>
        %parallel_loop3A_629 = arith.constant 3.100000e+01 : f32
        %parallel_loop3A_630 = vector.broadcast %parallel_loop3A_629 : f32 to vector<16xf32>
        %parallel_loop3A_631 = arith.minimumf %parallel_loop3A_559, %parallel_loop3A_630 : vector<16xf32>
        %parallel_loop3A_632 = arith.constant 3.100000e+01 : f32
        %parallel_loop3A_633 = vector.broadcast %parallel_loop3A_632 : f32 to vector<16xf32>
        %parallel_loop3A_634 = arith.minimumf %parallel_loop3A_562, %parallel_loop3A_633 : vector<16xf32>
        %parallel_loop3A_635 = arith.constant 3.100000e+01 : f32
        %parallel_loop3A_636 = vector.broadcast %parallel_loop3A_635 : f32 to vector<16xf32>
        %parallel_loop3A_637 = arith.minimumf %parallel_loop3A_565, %parallel_loop3A_636 : vector<16xf32>
        %parallel_loop3A_638 = arith.constant 3.100000e+01 : f32
        %parallel_loop3A_639 = vector.broadcast %parallel_loop3A_638 : f32 to vector<16xf32>
        %parallel_loop3A_640 = arith.minimumf %parallel_loop3A_568, %parallel_loop3A_639 : vector<16xf32>
        %parallel_loop3A_641 = arith.constant 3.100000e+01 : f32
        %parallel_loop3A_642 = vector.broadcast %parallel_loop3A_641 : f32 to vector<16xf32>
        %parallel_loop3A_643 = arith.minimumf %parallel_loop3A_571, %parallel_loop3A_642 : vector<16xf32>
        %parallel_loop3A_644 = arith.constant 3.100000e+01 : f32
        %parallel_loop3A_645 = vector.broadcast %parallel_loop3A_644 : f32 to vector<16xf32>
        %parallel_loop3A_646 = arith.minimumf %parallel_loop3A_574, %parallel_loop3A_645 : vector<16xf32>
        %parallel_loop3A_647 = arith.constant 3.100000e+01 : f32
        %parallel_loop3A_648 = vector.broadcast %parallel_loop3A_647 : f32 to vector<16xf32>
        %parallel_loop3A_649 = arith.minimumf %parallel_loop3A_577, %parallel_loop3A_648 : vector<16xf32>
        %parallel_loop3A_650 = arith.constant 3.100000e+01 : f32
        %parallel_loop3A_651 = vector.broadcast %parallel_loop3A_650 : f32 to vector<16xf32>
        %parallel_loop3A_652 = arith.minimumf %parallel_loop3A_580, %parallel_loop3A_651 : vector<16xf32>
        %parallel_loop3A_653 = arith.constant 3.100000e+01 : f32
        %parallel_loop3A_654 = vector.broadcast %parallel_loop3A_653 : f32 to vector<16xf32>
        %parallel_loop3A_655 = arith.minimumf %parallel_loop3A_583, %parallel_loop3A_654 : vector<16xf32>
        %parallel_loop3A_656 = arith.constant 3.100000e+01 : f32
        %parallel_loop3A_657 = vector.broadcast %parallel_loop3A_656 : f32 to vector<16xf32>
        %parallel_loop3A_658 = arith.minimumf %parallel_loop3A_586, %parallel_loop3A_657 : vector<16xf32>
        %parallel_loop3A_659 = arith.constant 3.100000e+01 : f32
        %parallel_loop3A_660 = vector.broadcast %parallel_loop3A_659 : f32 to vector<16xf32>
        %parallel_loop3A_661 = arith.minimumf %parallel_loop3A_589, %parallel_loop3A_660 : vector<16xf32>
        %parallel_loop3A_662 = arith.constant 3.100000e+01 : f32
        %parallel_loop3A_663 = vector.broadcast %parallel_loop3A_662 : f32 to vector<16xf32>
        %parallel_loop3A_664 = arith.minimumf %parallel_loop3A_592, %parallel_loop3A_663 : vector<16xf32>
        %parallel_loop3A_665 = arith.constant 3.100000e+01 : f32
        %parallel_loop3A_666 = vector.broadcast %parallel_loop3A_665 : f32 to vector<16xf32>
        %parallel_loop3A_667 = arith.minimumf %parallel_loop3A_595, %parallel_loop3A_666 : vector<16xf32>
        %parallel_loop3A_668 = arith.constant 3.100000e+01 : f32
        %parallel_loop3A_669 = vector.broadcast %parallel_loop3A_668 : f32 to vector<16xf32>
        %parallel_loop3A_670 = arith.minimumf %parallel_loop3A_598, %parallel_loop3A_669 : vector<16xf32>
        %parallel_loop3A_671 = arith.constant 3.100000e+01 : f32
        %parallel_loop3A_672 = vector.broadcast %parallel_loop3A_671 : f32 to vector<16xf32>
        %parallel_loop3A_673 = arith.minimumf %parallel_loop3A_601, %parallel_loop3A_672 : vector<16xf32>
        %parallel_loop3A_674 = arith.constant 3.100000e+01 : f32
        %parallel_loop3A_675 = vector.broadcast %parallel_loop3A_674 : f32 to vector<16xf32>
        %parallel_loop3A_676 = arith.minimumf %parallel_loop3A_604, %parallel_loop3A_675 : vector<16xf32>
        %parallel_loop3A_677 = arith.constant 3.100000e+01 : f32
        %parallel_loop3A_678 = vector.broadcast %parallel_loop3A_677 : f32 to vector<16xf32>
        %parallel_loop3A_679 = arith.minimumf %parallel_loop3A_607, %parallel_loop3A_678 : vector<16xf32>
        %parallel_loop3A_680 = arith.constant 3.100000e+01 : f32
        %parallel_loop3A_681 = vector.broadcast %parallel_loop3A_680 : f32 to vector<16xf32>
        %parallel_loop3A_682 = arith.minimumf %parallel_loop3A_610, %parallel_loop3A_681 : vector<16xf32>
        %parallel_loop3A_683 = arith.constant 3.100000e+01 : f32
        %parallel_loop3A_684 = vector.broadcast %parallel_loop3A_683 : f32 to vector<16xf32>
        %parallel_loop3A_685 = arith.minimumf %parallel_loop3A_613, %parallel_loop3A_684 : vector<16xf32>
        %parallel_loop3A_686 = arith.constant 3.100000e+01 : f32
        %parallel_loop3A_687 = vector.broadcast %parallel_loop3A_686 : f32 to vector<16xf32>
        %parallel_loop3A_688 = arith.minimumf %parallel_loop3A_616, %parallel_loop3A_687 : vector<16xf32>
        %parallel_loop3A_689 = arith.constant 3.100000e+01 : f32
        %parallel_loop3A_690 = vector.broadcast %parallel_loop3A_689 : f32 to vector<16xf32>
        %parallel_loop3A_691 = arith.minimumf %parallel_loop3A_619, %parallel_loop3A_690 : vector<16xf32>
        %parallel_loop3A_692 = arith.constant 3.100000e+01 : f32
        %parallel_loop3A_693 = vector.broadcast %parallel_loop3A_692 : f32 to vector<16xf32>
        %parallel_loop3A_694 = arith.minimumf %parallel_loop3A_622, %parallel_loop3A_693 : vector<16xf32>
        %parallel_loop3A_695 = arith.constant 0x4B000000 : f32
        %parallel_loop3A_696 = vector.broadcast %parallel_loop3A_695 : f32 to vector<16xf32>
        %parallel_loop3A_697 = arith.addf %parallel_loop3A_625, %parallel_loop3A_696 : vector<16xf32>
        %parallel_loop3A_698 = arith.constant 0x4B000000 : f32
        %parallel_loop3A_699 = vector.broadcast %parallel_loop3A_698 : f32 to vector<16xf32>
        %parallel_loop3A_700 = arith.addf %parallel_loop3A_628, %parallel_loop3A_699 : vector<16xf32>
        %parallel_loop3A_701 = arith.constant 0x4B000000 : f32
        %parallel_loop3A_702 = vector.broadcast %parallel_loop3A_701 : f32 to vector<16xf32>
        %parallel_loop3A_703 = arith.addf %parallel_loop3A_631, %parallel_loop3A_702 : vector<16xf32>
        %parallel_loop3A_704 = arith.constant 0x4B000000 : f32
        %parallel_loop3A_705 = vector.broadcast %parallel_loop3A_704 : f32 to vector<16xf32>
        %parallel_loop3A_706 = arith.addf %parallel_loop3A_634, %parallel_loop3A_705 : vector<16xf32>
        %parallel_loop3A_707 = arith.constant 0x4B000000 : f32
        %parallel_loop3A_708 = vector.broadcast %parallel_loop3A_707 : f32 to vector<16xf32>
        %parallel_loop3A_709 = arith.addf %parallel_loop3A_637, %parallel_loop3A_708 : vector<16xf32>
        %parallel_loop3A_710 = arith.constant 0x4B000000 : f32
        %parallel_loop3A_711 = vector.broadcast %parallel_loop3A_710 : f32 to vector<16xf32>
        %parallel_loop3A_712 = arith.addf %parallel_loop3A_640, %parallel_loop3A_711 : vector<16xf32>
        %parallel_loop3A_713 = arith.constant 0x4B000000 : f32
        %parallel_loop3A_714 = vector.broadcast %parallel_loop3A_713 : f32 to vector<16xf32>
        %parallel_loop3A_715 = arith.addf %parallel_loop3A_643, %parallel_loop3A_714 : vector<16xf32>
        %parallel_loop3A_716 = arith.constant 0x4B000000 : f32
        %parallel_loop3A_717 = vector.broadcast %parallel_loop3A_716 : f32 to vector<16xf32>
        %parallel_loop3A_718 = arith.addf %parallel_loop3A_646, %parallel_loop3A_717 : vector<16xf32>
        %parallel_loop3A_719 = arith.constant 0x4B000000 : f32
        %parallel_loop3A_720 = vector.broadcast %parallel_loop3A_719 : f32 to vector<16xf32>
        %parallel_loop3A_721 = arith.addf %parallel_loop3A_649, %parallel_loop3A_720 : vector<16xf32>
        %parallel_loop3A_722 = arith.constant 0x4B000000 : f32
        %parallel_loop3A_723 = vector.broadcast %parallel_loop3A_722 : f32 to vector<16xf32>
        %parallel_loop3A_724 = arith.addf %parallel_loop3A_652, %parallel_loop3A_723 : vector<16xf32>
        %parallel_loop3A_725 = arith.constant 0x4B000000 : f32
        %parallel_loop3A_726 = vector.broadcast %parallel_loop3A_725 : f32 to vector<16xf32>
        %parallel_loop3A_727 = arith.addf %parallel_loop3A_655, %parallel_loop3A_726 : vector<16xf32>
        %parallel_loop3A_728 = arith.constant 0x4B000000 : f32
        %parallel_loop3A_729 = vector.broadcast %parallel_loop3A_728 : f32 to vector<16xf32>
        %parallel_loop3A_730 = arith.addf %parallel_loop3A_658, %parallel_loop3A_729 : vector<16xf32>
        %parallel_loop3A_731 = arith.constant 0x4B000000 : f32
        %parallel_loop3A_732 = vector.broadcast %parallel_loop3A_731 : f32 to vector<16xf32>
        %parallel_loop3A_733 = arith.addf %parallel_loop3A_661, %parallel_loop3A_732 : vector<16xf32>
        %parallel_loop3A_734 = arith.constant 0x4B000000 : f32
        %parallel_loop3A_735 = vector.broadcast %parallel_loop3A_734 : f32 to vector<16xf32>
        %parallel_loop3A_736 = arith.addf %parallel_loop3A_664, %parallel_loop3A_735 : vector<16xf32>
        %parallel_loop3A_737 = arith.constant 0x4B000000 : f32
        %parallel_loop3A_738 = vector.broadcast %parallel_loop3A_737 : f32 to vector<16xf32>
        %parallel_loop3A_739 = arith.addf %parallel_loop3A_667, %parallel_loop3A_738 : vector<16xf32>
        %parallel_loop3A_740 = arith.constant 0x4B000000 : f32
        %parallel_loop3A_741 = vector.broadcast %parallel_loop3A_740 : f32 to vector<16xf32>
        %parallel_loop3A_742 = arith.addf %parallel_loop3A_670, %parallel_loop3A_741 : vector<16xf32>
        %parallel_loop3A_743 = arith.constant 0x4B000000 : f32
        %parallel_loop3A_744 = vector.broadcast %parallel_loop3A_743 : f32 to vector<16xf32>
        %parallel_loop3A_745 = arith.addf %parallel_loop3A_673, %parallel_loop3A_744 : vector<16xf32>
        %parallel_loop3A_746 = arith.constant 0x4B000000 : f32
        %parallel_loop3A_747 = vector.broadcast %parallel_loop3A_746 : f32 to vector<16xf32>
        %parallel_loop3A_748 = arith.addf %parallel_loop3A_676, %parallel_loop3A_747 : vector<16xf32>
        %parallel_loop3A_749 = arith.constant 0x4B000000 : f32
        %parallel_loop3A_750 = vector.broadcast %parallel_loop3A_749 : f32 to vector<16xf32>
        %parallel_loop3A_751 = arith.addf %parallel_loop3A_679, %parallel_loop3A_750 : vector<16xf32>
        %parallel_loop3A_752 = arith.constant 0x4B000000 : f32
        %parallel_loop3A_753 = vector.broadcast %parallel_loop3A_752 : f32 to vector<16xf32>
        %parallel_loop3A_754 = arith.addf %parallel_loop3A_682, %parallel_loop3A_753 : vector<16xf32>
        %parallel_loop3A_755 = arith.constant 0x4B000000 : f32
        %parallel_loop3A_756 = vector.broadcast %parallel_loop3A_755 : f32 to vector<16xf32>
        %parallel_loop3A_757 = arith.addf %parallel_loop3A_685, %parallel_loop3A_756 : vector<16xf32>
        %parallel_loop3A_758 = arith.constant 0x4B000000 : f32
        %parallel_loop3A_759 = vector.broadcast %parallel_loop3A_758 : f32 to vector<16xf32>
        %parallel_loop3A_760 = arith.addf %parallel_loop3A_688, %parallel_loop3A_759 : vector<16xf32>
        %parallel_loop3A_761 = arith.constant 0x4B000000 : f32
        %parallel_loop3A_762 = vector.broadcast %parallel_loop3A_761 : f32 to vector<16xf32>
        %parallel_loop3A_763 = arith.addf %parallel_loop3A_691, %parallel_loop3A_762 : vector<16xf32>
        %parallel_loop3A_764 = arith.constant 0x4B000000 : f32
        %parallel_loop3A_765 = vector.broadcast %parallel_loop3A_764 : f32 to vector<16xf32>
        %parallel_loop3A_766 = arith.addf %parallel_loop3A_694, %parallel_loop3A_765 : vector<16xf32>
        %parallel_loop3A_767 = vector.bitcast %parallel_loop3A_697 : vector<16xf32> to vector<16xi32>
        %parallel_loop3A_768 = vector.bitcast %parallel_loop3A_700 : vector<16xf32> to vector<16xi32>
        %parallel_loop3A_769 = vector.bitcast %parallel_loop3A_703 : vector<16xf32> to vector<16xi32>
        %parallel_loop3A_770 = vector.bitcast %parallel_loop3A_706 : vector<16xf32> to vector<16xi32>
        %parallel_loop3A_771 = vector.bitcast %parallel_loop3A_709 : vector<16xf32> to vector<16xi32>
        %parallel_loop3A_772 = vector.bitcast %parallel_loop3A_712 : vector<16xf32> to vector<16xi32>
        %parallel_loop3A_773 = vector.bitcast %parallel_loop3A_715 : vector<16xf32> to vector<16xi32>
        %parallel_loop3A_774 = vector.bitcast %parallel_loop3A_718 : vector<16xf32> to vector<16xi32>
        %parallel_loop3A_775 = vector.bitcast %parallel_loop3A_721 : vector<16xf32> to vector<16xi32>
        %parallel_loop3A_776 = vector.bitcast %parallel_loop3A_724 : vector<16xf32> to vector<16xi32>
        %parallel_loop3A_777 = vector.bitcast %parallel_loop3A_727 : vector<16xf32> to vector<16xi32>
        %parallel_loop3A_778 = vector.bitcast %parallel_loop3A_730 : vector<16xf32> to vector<16xi32>
        %parallel_loop3A_779 = vector.bitcast %parallel_loop3A_733 : vector<16xf32> to vector<16xi32>
        %parallel_loop3A_780 = vector.bitcast %parallel_loop3A_736 : vector<16xf32> to vector<16xi32>
        %parallel_loop3A_781 = vector.bitcast %parallel_loop3A_739 : vector<16xf32> to vector<16xi32>
        %parallel_loop3A_782 = vector.bitcast %parallel_loop3A_742 : vector<16xf32> to vector<16xi32>
        %parallel_loop3A_783 = vector.bitcast %parallel_loop3A_745 : vector<16xf32> to vector<16xi32>
        %parallel_loop3A_784 = vector.bitcast %parallel_loop3A_748 : vector<16xf32> to vector<16xi32>
        %parallel_loop3A_785 = vector.bitcast %parallel_loop3A_751 : vector<16xf32> to vector<16xi32>
        %parallel_loop3A_786 = vector.bitcast %parallel_loop3A_754 : vector<16xf32> to vector<16xi32>
        %parallel_loop3A_787 = vector.bitcast %parallel_loop3A_757 : vector<16xf32> to vector<16xi32>
        %parallel_loop3A_788 = vector.bitcast %parallel_loop3A_760 : vector<16xf32> to vector<16xi32>
        %parallel_loop3A_789 = vector.bitcast %parallel_loop3A_763 : vector<16xf32> to vector<16xi32>
        %parallel_loop3A_790 = vector.bitcast %parallel_loop3A_766 : vector<16xf32> to vector<16xi32>
        %parallel_loop3A_791 = arith.constant 4 : i32
        %parallel_loop3A_792 = vector.broadcast %parallel_loop3A_791 : i32 to vector<16xi32>
        %parallel_loop3A_793 = arith.shli %parallel_loop3A_775, %parallel_loop3A_792 : vector<16xi32>
        %parallel_loop3A_794 = arith.addi %parallel_loop3A_767, %parallel_loop3A_793 : vector<16xi32>
        %parallel_loop3A_795 = arith.constant 8 : i32
        %parallel_loop3A_796 = vector.broadcast %parallel_loop3A_795 : i32 to vector<16xi32>
        %parallel_loop3A_797 = arith.shli %parallel_loop3A_783, %parallel_loop3A_796 : vector<16xi32>
        %parallel_loop3A_798 = arith.addi %parallel_loop3A_794, %parallel_loop3A_797 : vector<16xi32>
        %parallel_loop3A_799 = arith.constant 83881712 : i32
        %parallel_loop3A_800 = vector.broadcast %parallel_loop3A_799 : i32 to vector<16xi32>
        %parallel_loop3A_801 = arith.addi %parallel_loop3A_798, %parallel_loop3A_800 : vector<16xi32>
        %parallel_loop3A_802 = arith.constant 4 : i32
        %parallel_loop3A_803 = vector.broadcast %parallel_loop3A_802 : i32 to vector<16xi32>
        %parallel_loop3A_804 = arith.shli %parallel_loop3A_776, %parallel_loop3A_803 : vector<16xi32>
        %parallel_loop3A_805 = arith.addi %parallel_loop3A_768, %parallel_loop3A_804 : vector<16xi32>
        %parallel_loop3A_806 = arith.constant 8 : i32
        %parallel_loop3A_807 = vector.broadcast %parallel_loop3A_806 : i32 to vector<16xi32>
        %parallel_loop3A_808 = arith.shli %parallel_loop3A_784, %parallel_loop3A_807 : vector<16xi32>
        %parallel_loop3A_809 = arith.addi %parallel_loop3A_805, %parallel_loop3A_808 : vector<16xi32>
        %parallel_loop3A_810 = arith.constant 83881712 : i32
        %parallel_loop3A_811 = vector.broadcast %parallel_loop3A_810 : i32 to vector<16xi32>
        %parallel_loop3A_812 = arith.addi %parallel_loop3A_809, %parallel_loop3A_811 : vector<16xi32>
        %parallel_loop3A_813 = arith.constant 4 : i32
        %parallel_loop3A_814 = vector.broadcast %parallel_loop3A_813 : i32 to vector<16xi32>
        %parallel_loop3A_815 = arith.shli %parallel_loop3A_777, %parallel_loop3A_814 : vector<16xi32>
        %parallel_loop3A_816 = arith.addi %parallel_loop3A_769, %parallel_loop3A_815 : vector<16xi32>
        %parallel_loop3A_817 = arith.constant 8 : i32
        %parallel_loop3A_818 = vector.broadcast %parallel_loop3A_817 : i32 to vector<16xi32>
        %parallel_loop3A_819 = arith.shli %parallel_loop3A_785, %parallel_loop3A_818 : vector<16xi32>
        %parallel_loop3A_820 = arith.addi %parallel_loop3A_816, %parallel_loop3A_819 : vector<16xi32>
        %parallel_loop3A_821 = arith.constant 83881712 : i32
        %parallel_loop3A_822 = vector.broadcast %parallel_loop3A_821 : i32 to vector<16xi32>
        %parallel_loop3A_823 = arith.addi %parallel_loop3A_820, %parallel_loop3A_822 : vector<16xi32>
        %parallel_loop3A_824 = arith.constant 4 : i32
        %parallel_loop3A_825 = vector.broadcast %parallel_loop3A_824 : i32 to vector<16xi32>
        %parallel_loop3A_826 = arith.shli %parallel_loop3A_778, %parallel_loop3A_825 : vector<16xi32>
        %parallel_loop3A_827 = arith.addi %parallel_loop3A_770, %parallel_loop3A_826 : vector<16xi32>
        %parallel_loop3A_828 = arith.constant 8 : i32
        %parallel_loop3A_829 = vector.broadcast %parallel_loop3A_828 : i32 to vector<16xi32>
        %parallel_loop3A_830 = arith.shli %parallel_loop3A_786, %parallel_loop3A_829 : vector<16xi32>
        %parallel_loop3A_831 = arith.addi %parallel_loop3A_827, %parallel_loop3A_830 : vector<16xi32>
        %parallel_loop3A_832 = arith.constant 83881712 : i32
        %parallel_loop3A_833 = vector.broadcast %parallel_loop3A_832 : i32 to vector<16xi32>
        %parallel_loop3A_834 = arith.addi %parallel_loop3A_831, %parallel_loop3A_833 : vector<16xi32>
        %parallel_loop3A_835 = arith.constant 4 : i32
        %parallel_loop3A_836 = vector.broadcast %parallel_loop3A_835 : i32 to vector<16xi32>
        %parallel_loop3A_837 = arith.shli %parallel_loop3A_779, %parallel_loop3A_836 : vector<16xi32>
        %parallel_loop3A_838 = arith.addi %parallel_loop3A_771, %parallel_loop3A_837 : vector<16xi32>
        %parallel_loop3A_839 = arith.constant 8 : i32
        %parallel_loop3A_840 = vector.broadcast %parallel_loop3A_839 : i32 to vector<16xi32>
        %parallel_loop3A_841 = arith.shli %parallel_loop3A_787, %parallel_loop3A_840 : vector<16xi32>
        %parallel_loop3A_842 = arith.addi %parallel_loop3A_838, %parallel_loop3A_841 : vector<16xi32>
        %parallel_loop3A_843 = arith.constant 83881712 : i32
        %parallel_loop3A_844 = vector.broadcast %parallel_loop3A_843 : i32 to vector<16xi32>
        %parallel_loop3A_845 = arith.addi %parallel_loop3A_842, %parallel_loop3A_844 : vector<16xi32>
        %parallel_loop3A_846 = arith.constant 4 : i32
        %parallel_loop3A_847 = vector.broadcast %parallel_loop3A_846 : i32 to vector<16xi32>
        %parallel_loop3A_848 = arith.shli %parallel_loop3A_780, %parallel_loop3A_847 : vector<16xi32>
        %parallel_loop3A_849 = arith.addi %parallel_loop3A_772, %parallel_loop3A_848 : vector<16xi32>
        %parallel_loop3A_850 = arith.constant 8 : i32
        %parallel_loop3A_851 = vector.broadcast %parallel_loop3A_850 : i32 to vector<16xi32>
        %parallel_loop3A_852 = arith.shli %parallel_loop3A_788, %parallel_loop3A_851 : vector<16xi32>
        %parallel_loop3A_853 = arith.addi %parallel_loop3A_849, %parallel_loop3A_852 : vector<16xi32>
        %parallel_loop3A_854 = arith.constant 83881712 : i32
        %parallel_loop3A_855 = vector.broadcast %parallel_loop3A_854 : i32 to vector<16xi32>
        %parallel_loop3A_856 = arith.addi %parallel_loop3A_853, %parallel_loop3A_855 : vector<16xi32>
        %parallel_loop3A_857 = arith.constant 4 : i32
        %parallel_loop3A_858 = vector.broadcast %parallel_loop3A_857 : i32 to vector<16xi32>
        %parallel_loop3A_859 = arith.shli %parallel_loop3A_781, %parallel_loop3A_858 : vector<16xi32>
        %parallel_loop3A_860 = arith.addi %parallel_loop3A_773, %parallel_loop3A_859 : vector<16xi32>
        %parallel_loop3A_861 = arith.constant 8 : i32
        %parallel_loop3A_862 = vector.broadcast %parallel_loop3A_861 : i32 to vector<16xi32>
        %parallel_loop3A_863 = arith.shli %parallel_loop3A_789, %parallel_loop3A_862 : vector<16xi32>
        %parallel_loop3A_864 = arith.addi %parallel_loop3A_860, %parallel_loop3A_863 : vector<16xi32>
        %parallel_loop3A_865 = arith.constant 83881712 : i32
        %parallel_loop3A_866 = vector.broadcast %parallel_loop3A_865 : i32 to vector<16xi32>
        %parallel_loop3A_867 = arith.addi %parallel_loop3A_864, %parallel_loop3A_866 : vector<16xi32>
        %parallel_loop3A_868 = arith.constant 4 : i32
        %parallel_loop3A_869 = vector.broadcast %parallel_loop3A_868 : i32 to vector<16xi32>
        %parallel_loop3A_870 = arith.shli %parallel_loop3A_782, %parallel_loop3A_869 : vector<16xi32>
        %parallel_loop3A_871 = arith.addi %parallel_loop3A_774, %parallel_loop3A_870 : vector<16xi32>
        %parallel_loop3A_872 = arith.constant 8 : i32
        %parallel_loop3A_873 = vector.broadcast %parallel_loop3A_872 : i32 to vector<16xi32>
        %parallel_loop3A_874 = arith.shli %parallel_loop3A_790, %parallel_loop3A_873 : vector<16xi32>
        %parallel_loop3A_875 = arith.addi %parallel_loop3A_871, %parallel_loop3A_874 : vector<16xi32>
        %parallel_loop3A_876 = arith.constant 83881712 : i32
        %parallel_loop3A_877 = vector.broadcast %parallel_loop3A_876 : i32 to vector<16xi32>
        %parallel_loop3A_878 = arith.addi %parallel_loop3A_875, %parallel_loop3A_877 : vector<16xi32>
        tpu.vector_store_idx %arg10[%parallel_loop3A_801], %broadcast_in_dim3A_33 {add = true} : memref<4096xf32, #tpu.memory_space<vmem>>[vector<16xi32>], vector<16xf32>,
        tpu.vector_store_idx %arg10[%parallel_loop3A_812], %broadcast_in_dim3A_33 {add = true} : memref<4096xf32, #tpu.memory_space<vmem>>[vector<16xi32>], vector<16xf32>,
        tpu.vector_store_idx %arg10[%parallel_loop3A_823], %broadcast_in_dim3A_33 {add = true} : memref<4096xf32, #tpu.memory_space<vmem>>[vector<16xi32>], vector<16xf32>,
        tpu.vector_store_idx %arg10[%parallel_loop3A_834], %broadcast_in_dim3A_33 {add = true} : memref<4096xf32, #tpu.memory_space<vmem>>[vector<16xi32>], vector<16xf32>,
        tpu.vector_store_idx %arg10[%parallel_loop3A_845], %broadcast_in_dim3A_33 {add = true} : memref<4096xf32, #tpu.memory_space<vmem>>[vector<16xi32>], vector<16xf32>,
        tpu.vector_store_idx %arg10[%parallel_loop3A_856], %broadcast_in_dim3A_33 {add = true} : memref<4096xf32, #tpu.memory_space<vmem>>[vector<16xi32>], vector<16xf32>,
        tpu.vector_store_idx %arg10[%parallel_loop3A_867], %broadcast_in_dim3A_33 {add = true} : memref<4096xf32, #tpu.memory_space<vmem>>[vector<16xi32>], vector<16xf32>,
        tpu.vector_store_idx %arg10[%parallel_loop3A_878], %broadcast_in_dim3A_33 {add = true} : memref<4096xf32, #tpu.memory_space<vmem>>[vector<16xi32>], vector<16xf32>,
      } {sc.loop_unroll_factor = 2 : i64, sc.parallel_access}
      %add3A_216 = arith.constant 3 : i32
      %add3A_217 = arith.addi %mul3A_140, %add3A_216 : i32
      %min3A_218 = arith.constant 31 : i32
      %min3A_219 = arith.minsi %add3A_217, %min3A_218 : i32
      %mul3A_220 = arith.constant 8 : i32
      %mul3A_221 = arith.muli %min3A_219, %mul3A_220 : i32
      %add3A_222 = arith.addi %mul3A_32, %mul3A_221 : i32
      %dma_start3A_223 = arith.constant 0 : i32
      %dma_start3A_224 = arith.constant 0 : i32
      %dma_start3A_225 = tpu.memref_slice %arg2[%select_n3A, %dma_start3A_223, %add3A_222, %dma_start3A_224] : memref<16x3x512x512xf32, #tpu.memory_space<hbm>> -> memref<1x1x8x512xf32, #tpu.memory_space<hbm>>
      %dma_start3A_226 = tpu.memref_squeeze %dma_start3A_225 : memref<1x1x8x512xf32, #tpu.memory_space<hbm>> -> memref<8x512xf32, #tpu.memory_space<hbm>>
      %dma_start3A_227 = arith.constant 0 : i32
      %dma_start3A_228 = tpu.memref_slice %arg2[%select_n3A, %dma_start3A_223, %add3A_222, %dma_start3A_227] : memref<16x3x512x512xf32, #tpu.memory_space<hbm>> -> memref<1x1x8x512xf32, #tpu.memory_space<hbm>>
      %dma_start3A_229 = tpu.memref_squeeze %dma_start3A_228 : memref<1x1x8x512xf32, #tpu.memory_space<hbm>> -> memref<8x512xf32, #tpu.memory_space<hbm>>
      tpu.enqueue_dma source(%dma_start3A_229 : memref<8x512xf32, #tpu.memory_space<hbm>>) target(%arg7 : memref<8x512xf32, #tpu.memory_space<vmem>>) target_semaphore(%arg12 : memref<!tpu.dma_semaphore, #tpu.memory_space<semaphore_mem>>)
      %dma_start3A_230 = arith.constant 1 : i32
      %dma_start3A_231 = arith.constant 0 : i32
      %dma_start3A_232 = tpu.memref_slice %arg2[%select_n3A, %dma_start3A_230, %add3A_222, %dma_start3A_231] : memref<16x3x512x512xf32, #tpu.memory_space<hbm>> -> memref<1x1x8x512xf32, #tpu.memory_space<hbm>>
      %dma_start3A_233 = tpu.memref_squeeze %dma_start3A_232 : memref<1x1x8x512xf32, #tpu.memory_space<hbm>> -> memref<8x512xf32, #tpu.memory_space<hbm>>
      %dma_start3A_234 = arith.constant 0 : i32
      %dma_start3A_235 = tpu.memref_slice %arg2[%select_n3A, %dma_start3A_230, %add3A_222, %dma_start3A_234] : memref<16x3x512x512xf32, #tpu.memory_space<hbm>> -> memref<1x1x8x512xf32, #tpu.memory_space<hbm>>
      %dma_start3A_236 = tpu.memref_squeeze %dma_start3A_235 : memref<1x1x8x512xf32, #tpu.memory_space<hbm>> -> memref<8x512xf32, #tpu.memory_space<hbm>>
      tpu.enqueue_dma source(%dma_start3A_236 : memref<8x512xf32, #tpu.memory_space<hbm>>) target(%arg8 : memref<8x512xf32, #tpu.memory_space<vmem>>) target_semaphore(%arg12 : memref<!tpu.dma_semaphore, #tpu.memory_space<semaphore_mem>>)
      %dma_start3A_237 = arith.constant 2 : i32
      %dma_start3A_238 = arith.constant 0 : i32
      %dma_start3A_239 = tpu.memref_slice %arg2[%select_n3A, %dma_start3A_237, %add3A_222, %dma_start3A_238] : memref<16x3x512x512xf32, #tpu.memory_space<hbm>> -> memref<1x1x8x512xf32, #tpu.memory_space<hbm>>
      %dma_start3A_240 = tpu.memref_squeeze %dma_start3A_239 : memref<1x1x8x512xf32, #tpu.memory_space<hbm>> -> memref<8x512xf32, #tpu.memory_space<hbm>>
      %dma_start3A_241 = arith.constant 0 : i32
      %dma_start3A_242 = tpu.memref_slice %arg2[%select_n3A, %dma_start3A_237, %add3A_222, %dma_start3A_241] : memref<16x3x512x512xf32, #tpu.memory_space<hbm>> -> memref<1x1x8x512xf32, #tpu.memory_space<hbm>>
      %dma_start3A_243 = tpu.memref_squeeze %dma_start3A_242 : memref<1x1x8x512xf32, #tpu.memory_space<hbm>> -> memref<8x512xf32, #tpu.memory_space<hbm>>
      tpu.enqueue_dma source(%dma_start3A_243 : memref<8x512xf32, #tpu.memory_space<hbm>>) target(%arg9 : memref<8x512xf32, #tpu.memory_space<vmem>>) target_semaphore(%arg12 : memref<!tpu.dma_semaphore, #tpu.memory_space<semaphore_mem>>)
    }
    %scan3A_96 = arith.constant 16 : i32
    %dma_wait3A = arith.constant 0 : i32
    %dma_wait3A_97 = arith.constant 0 : i32
    %dma_wait3A_98 = tpu.memref_slice %arg2[%select_n3A, %dma_wait3A, %mul3A_32, %dma_wait3A_97] : memref<16x3x512x512xf32, #tpu.memory_space<hbm>> -> memref<1x1x8x512xf32, #tpu.memory_space<hbm>>
    %dma_wait3A_99 = tpu.memref_squeeze %dma_wait3A_98 : memref<1x1x8x512xf32, #tpu.memory_space<hbm>> -> memref<8x512xf32, #tpu.memory_space<hbm>>
    %dma_wait3A_100 = arith.constant 0 : i32
    %dma_wait3A_101 = tpu.memref_slice %arg2[%select_n3A, %dma_wait3A, %mul3A_32, %dma_wait3A_100] : memref<16x3x512x512xf32, #tpu.memory_space<hbm>> -> memref<1x1x8x512xf32, #tpu.memory_space<hbm>>
    %dma_wait3A_102 = tpu.memref_squeeze %dma_wait3A_101 : memref<1x1x8x512xf32, #tpu.memory_space<hbm>> -> memref<8x512xf32, #tpu.memory_space<hbm>>
    tpu.wait_dma2 semaphore(%arg11 : memref<!tpu.dma_semaphore, #tpu.memory_space<semaphore_mem>>) src(%dma_wait3A_102 : memref<8x512xf32, #tpu.memory_space<hbm>>) dst(%arg4 : memref<8x512xf32, #tpu.memory_space<vmem>>)
    %dma_wait3A_103 = arith.constant 1 : i32
    %dma_wait3A_104 = arith.constant 0 : i32
    %dma_wait3A_105 = tpu.memref_slice %arg2[%select_n3A, %dma_wait3A_103, %mul3A_32, %dma_wait3A_104] : memref<16x3x512x512xf32, #tpu.memory_space<hbm>> -> memref<1x1x8x512xf32, #tpu.memory_space<hbm>>
    %dma_wait3A_106 = tpu.memref_squeeze %dma_wait3A_105 : memref<1x1x8x512xf32, #tpu.memory_space<hbm>> -> memref<8x512xf32, #tpu.memory_space<hbm>>
    %dma_wait3A_107 = arith.constant 0 : i32
    %dma_wait3A_108 = tpu.memref_slice %arg2[%select_n3A, %dma_wait3A_103, %mul3A_32, %dma_wait3A_107] : memref<16x3x512x512xf32, #tpu.memory_space<hbm>> -> memref<1x1x8x512xf32, #tpu.memory_space<hbm>>
    %dma_wait3A_109 = tpu.memref_squeeze %dma_wait3A_108 : memref<1x1x8x512xf32, #tpu.memory_space<hbm>> -> memref<8x512xf32, #tpu.memory_space<hbm>>
    tpu.wait_dma2 semaphore(%arg11 : memref<!tpu.dma_semaphore, #tpu.memory_space<semaphore_mem>>) src(%dma_wait3A_109 : memref<8x512xf32, #tpu.memory_space<hbm>>) dst(%arg5 : memref<8x512xf32, #tpu.memory_space<vmem>>)
    %dma_wait3A_110 = arith.constant 2 : i32
    %dma_wait3A_111 = arith.constant 0 : i32
    %dma_wait3A_112 = tpu.memref_slice %arg2[%select_n3A, %dma_wait3A_110, %mul3A_32, %dma_wait3A_111] : memref<16x3x512x512xf32, #tpu.memory_space<hbm>> -> memref<1x1x8x512xf32, #tpu.memory_space<hbm>>
    %dma_wait3A_113 = tpu.memref_squeeze %dma_wait3A_112 : memref<1x1x8x512xf32, #tpu.memory_space<hbm>> -> memref<8x512xf32, #tpu.memory_space<hbm>>
    %dma_wait3A_114 = arith.constant 0 : i32
    %dma_wait3A_115 = tpu.memref_slice %arg2[%select_n3A, %dma_wait3A_110, %mul3A_32, %dma_wait3A_114] : memref<16x3x512x512xf32, #tpu.memory_space<hbm>> -> memref<1x1x8x512xf32, #tpu.memory_space<hbm>>
    %dma_wait3A_116 = tpu.memref_squeeze %dma_wait3A_115 : memref<1x1x8x512xf32, #tpu.memory_space<hbm>> -> memref<8x512xf32, #tpu.memory_space<hbm>>
    tpu.wait_dma2 semaphore(%arg11 : memref<!tpu.dma_semaphore, #tpu.memory_space<semaphore_mem>>) src(%dma_wait3A_116 : memref<8x512xf32, #tpu.memory_space<hbm>>) dst(%arg6 : memref<8x512xf32, #tpu.memory_space<vmem>>)
    %dma_wait3A_117 = arith.constant 0 : i32
    %dma_wait3A_118 = arith.constant 0 : i32
    %dma_wait3A_119 = tpu.memref_slice %arg2[%select_n3A, %dma_wait3A_117, %mul3A_32, %dma_wait3A_118] : memref<16x3x512x512xf32, #tpu.memory_space<hbm>> -> memref<1x1x8x512xf32, #tpu.memory_space<hbm>>
    %dma_wait3A_120 = tpu.memref_squeeze %dma_wait3A_119 : memref<1x1x8x512xf32, #tpu.memory_space<hbm>> -> memref<8x512xf32, #tpu.memory_space<hbm>>
    %dma_wait3A_121 = arith.constant 0 : i32
    %dma_wait3A_122 = tpu.memref_slice %arg2[%select_n3A, %dma_wait3A_117, %mul3A_32, %dma_wait3A_121] : memref<16x3x512x512xf32, #tpu.memory_space<hbm>> -> memref<1x1x8x512xf32, #tpu.memory_space<hbm>>
    %dma_wait3A_123 = tpu.memref_squeeze %dma_wait3A_122 : memref<1x1x8x512xf32, #tpu.memory_space<hbm>> -> memref<8x512xf32, #tpu.memory_space<hbm>>
    tpu.wait_dma2 semaphore(%arg12 : memref<!tpu.dma_semaphore, #tpu.memory_space<semaphore_mem>>) src(%dma_wait3A_123 : memref<8x512xf32, #tpu.memory_space<hbm>>) dst(%arg7 : memref<8x512xf32, #tpu.memory_space<vmem>>)
    %dma_wait3A_124 = arith.constant 1 : i32
    %dma_wait3A_125 = arith.constant 0 : i32
    %dma_wait3A_126 = tpu.memref_slice %arg2[%select_n3A, %dma_wait3A_124, %mul3A_32, %dma_wait3A_125] : memref<16x3x512x512xf32, #tpu.memory_space<hbm>> -> memref<1x1x8x512xf32, #tpu.memory_space<hbm>>
    %dma_wait3A_127 = tpu.memref_squeeze %dma_wait3A_126 : memref<1x1x8x512xf32, #tpu.memory_space<hbm>> -> memref<8x512xf32, #tpu.memory_space<hbm>>
    %dma_wait3A_128 = arith.constant 0 : i32
    %dma_wait3A_129 = tpu.memref_slice %arg2[%select_n3A, %dma_wait3A_124, %mul3A_32, %dma_wait3A_128] : memref<16x3x512x512xf32, #tpu.memory_space<hbm>> -> memref<1x1x8x512xf32, #tpu.memory_space<hbm>>
    %dma_wait3A_130 = tpu.memref_squeeze %dma_wait3A_129 : memref<1x1x8x512xf32, #tpu.memory_space<hbm>> -> memref<8x512xf32, #tpu.memory_space<hbm>>
    tpu.wait_dma2 semaphore(%arg12 : memref<!tpu.dma_semaphore, #tpu.memory_space<semaphore_mem>>) src(%dma_wait3A_130 : memref<8x512xf32, #tpu.memory_space<hbm>>) dst(%arg8 : memref<8x512xf32, #tpu.memory_space<vmem>>)
    %dma_wait3A_131 = arith.constant 2 : i32
    %dma_wait3A_132 = arith.constant 0 : i32
    %dma_wait3A_133 = tpu.memref_slice %arg2[%select_n3A, %dma_wait3A_131, %mul3A_32, %dma_wait3A_132] : memref<16x3x512x512xf32, #tpu.memory_space<hbm>> -> memref<1x1x8x512xf32, #tpu.memory_space<hbm>>
    %dma_wait3A_134 = tpu.memref_squeeze %dma_wait3A_133 : memref<1x1x8x512xf32, #tpu.memory_space<hbm>> -> memref<8x512xf32, #tpu.memory_space<hbm>>
    %dma_wait3A_135 = arith.constant 0 : i32
    %dma_wait3A_136 = tpu.memref_slice %arg2[%select_n3A, %dma_wait3A_131, %mul3A_32, %dma_wait3A_135] : memref<16x3x512x512xf32, #tpu.memory_space<hbm>> -> memref<1x1x8x512xf32, #tpu.memory_space<hbm>>
    %dma_wait3A_137 = tpu.memref_squeeze %dma_wait3A_136 : memref<1x1x8x512xf32, #tpu.memory_space<hbm>> -> memref<8x512xf32, #tpu.memory_space<hbm>>
    tpu.wait_dma2 semaphore(%arg12 : memref<!tpu.dma_semaphore, #tpu.memory_space<semaphore_mem>>) src(%dma_wait3A_137 : memref<8x512xf32, #tpu.memory_space<hbm>>) dst(%arg9 : memref<8x512xf32, #tpu.memory_space<vmem>>)
    "tpu.region"() ({
      %run_scoped3A = tpu.sem_alloc : memref<!tpu.dma_semaphore, #tpu.memory_space<semaphore_mem>>
      %dma_start3A_138 = arith.constant 0 : i32
      %dma_start3A_139 = tpu.memref_slice %arg3[%select_n3A_30, %select_n3A, %dma_start3A_138] : memref<2x16x4096xf32, #tpu.memory_space<hbm>> -> memref<1x1x4096xf32, #tpu.memory_space<hbm>>
      %dma_start3A_140 = tpu.memref_squeeze %dma_start3A_139 : memref<1x1x4096xf32, #tpu.memory_space<hbm>> -> memref<4096xf32, #tpu.memory_space<hbm>>
      %dma_start3A_141 = arith.constant 0 : i32
      %dma_start3A_142 = tpu.memref_slice %arg3[%select_n3A_30, %select_n3A, %dma_start3A_141] : memref<2x16x4096xf32, #tpu.memory_space<hbm>> -> memref<1x1x4096xf32, #tpu.memory_space<hbm>>
      %dma_start3A_143 = tpu.memref_squeeze %dma_start3A_142 : memref<1x1x4096xf32, #tpu.memory_space<hbm>> -> memref<4096xf32, #tpu.memory_space<hbm>>
      tpu.enqueue_dma source(%arg10 : memref<4096xf32, #tpu.memory_space<vmem>>) target(%dma_start3A_143 : memref<4096xf32, #tpu.memory_space<hbm>>) target_semaphore(%run_scoped3A : memref<!tpu.dma_semaphore, #tpu.memory_space<semaphore_mem>>)
      %dma_wait3A_144 = arith.constant 0 : i32
      %dma_wait3A_145 = tpu.memref_slice %arg3[%select_n3A_30, %select_n3A, %dma_wait3A_144] : memref<2x16x4096xf32, #tpu.memory_space<hbm>> -> memref<1x1x4096xf32, #tpu.memory_space<hbm>>
      %dma_wait3A_146 = tpu.memref_squeeze %dma_wait3A_145 : memref<1x1x4096xf32, #tpu.memory_space<hbm>> -> memref<4096xf32, #tpu.memory_space<hbm>>
      %dma_wait3A_147 = arith.constant 0 : i32
      %dma_wait3A_148 = tpu.memref_slice %arg3[%select_n3A_30, %select_n3A, %dma_wait3A_147] : memref<2x16x4096xf32, #tpu.memory_space<hbm>> -> memref<1x1x4096xf32, #tpu.memory_space<hbm>>
      %dma_wait3A_149 = tpu.memref_squeeze %dma_wait3A_148 : memref<1x1x4096xf32, #tpu.memory_space<hbm>> -> memref<4096xf32, #tpu.memory_space<hbm>>
      tpu.wait_dma2 semaphore(%run_scoped3A : memref<!tpu.dma_semaphore, #tpu.memory_space<semaphore_mem>>) src(%arg10 : memref<4096xf32, #tpu.memory_space<vmem>>) dst(%dma_wait3A_149 : memref<4096xf32, #tpu.memory_space<hbm>>)
      tpu.yield
    }) : () -> ()
    return
  }
}

module attributes {stable_mosaic.version = 14 : i64} {
  func.func @_loss_body(%arg0: memref<2x16x4096xf32, #tpu.memory_space<vmem>>, %arg1: memref<1x4096xf32, #tpu.memory_space<vmem>>, %arg2: memref<1x1xf32, #tpu.memory_space<vmem>>) attributes {dimension_semantics = [], scalar_prefetch = 0 : i64, scratch_operands = 0 : i64, tpu.core_type = #tpu.core_type<tc>} {
    %get3A = arith.constant 0 : index
    %get3A_0 = arith.constant 0 : index
    %get3A_1 = arith.constant 0 : index
    %get3A_2 = vector.load %arg0[%get3A, %get3A_0, %get3A_1] : memref<2x16x4096xf32, #tpu.memory_space<vmem>>, vector<1x16x4096xf32>
    %get3A_3 = vector.shape_cast %get3A_2 : vector<1x16x4096xf32> to vector<16x4096xf32>
    %get3A_4 = arith.constant 1 : index
    %get3A_5 = arith.constant 0 : index
    %get3A_6 = arith.constant 0 : index
    %get3A_7 = vector.load %arg0[%get3A_4, %get3A_5, %get3A_6] : memref<2x16x4096xf32, #tpu.memory_space<vmem>>, vector<1x16x4096xf32>
    %get3A_8 = vector.shape_cast %get3A_7 : vector<1x16x4096xf32> to vector<16x4096xf32>
    %add3A = arith.addf %get3A_3, %get3A_8 : vector<16x4096xf32>
    %mul3A = arith.constant 3.81469727E-6 : f32
    %mul3A_9 = vector.broadcast %mul3A : f32 to vector<16x4096xf32>
    %mul3A_10 = arith.mulf %add3A, %mul3A_9 : vector<16x4096xf32>
    %get3A_11 = arith.constant 0 : index
    %get3A_12 = arith.constant 0 : index
    %get3A_13 = vector.load %arg1[%get3A_11, %get3A_12] : memref<1x4096xf32, #tpu.memory_space<vmem>>, vector<1x4096xf32>
    %sub3A = vector.broadcast %get3A_13 : vector<1x4096xf32> to vector<16x4096xf32>
    %sub3A_14 = arith.subf %mul3A_10, %sub3A : vector<16x4096xf32>
    %abs3A = math.absf %sub3A_14 : vector<16x4096xf32>
    %reduce_sum3A = vector.shape_cast %abs3A : vector<16x4096xf32> to vector<1x16x4096xf32>
    %reduce_sum3A_15 = arith.constant dense<0.000000e+00> : vector<1xf32>
    %reduce_sum3A_16 = vector.multi_reduction <add>, %reduce_sum3A, %reduce_sum3A_15 [1, 2] : vector<1x16x4096xf32> to vector<1xf32>
    %reduce_sum3A_17 = vector.shape_cast %reduce_sum3A_16 : vector<1xf32> to vector<1x1x1xf32>
    %reduce_sum3A_18 = vector.extract %reduce_sum3A_17[0, 0, 0] : f32 from vector<1x1x1xf32>
    %reshape3A = vector.broadcast %reduce_sum3A_18 : f32 to vector<1x1xf32>
    %mul3A_19 = arith.constant 1.52587891E-5 : f32
    %mul3A_20 = vector.broadcast %mul3A_19 : f32 to vector<1x1xf32>
    %mul3A_21 = arith.mulf %reshape3A, %mul3A_20 : vector<1x1xf32>
    %swap3A = arith.constant 0 : index
    %swap3A_22 = arith.constant 0 : index
    %swap3A_23 = vector.load %arg2[%swap3A, %swap3A_22] : memref<1x1xf32, #tpu.memory_space<vmem>>, vector<1x1xf32>
    tpu.vector_store %arg2[%swap3A, %swap3A_22], %mul3A_21 {strides = array<i32>} : memref<1x1xf32, #tpu.memory_space<vmem>>, vector<1x1xf32>,
    return
  }
}

</mosaic_0001>

<sc_bundles>
// kernel: kernel.4.cloned.1.call-start
scs
__scs_entry_jumppad:
0x0: {  	(pc) =	sbr.rel $0x88, $3  }
0x1: {  	(tag) =	ssettag $0x0;
	lr =	simm.s32 $0x1  }
0x2: {  	[smem:$0x3F9F] =	sst lr;
	_ =	strace $0xD0000000  }
0x3: {  	_ = 	snop  }
0x4: {  	_ = 	snop  }
0x5: {  	_ = 	snop  }
0x6: {  	_ = 	snop  }
0x7: {  	_ = 	snop  }
__scs_overlays_trampoline_lowered:
0x8: {  	[smem:$0x3FAE] =	sst s0  }
0x9: {  	[smem:$0x3FAF] =	sst s1  }
0xa: {  	[smem:$0x3FB0] =	sst s2  }
0xb: {  	[smem:$0x3FB1] =	sst s3  }
0xc: {  	[smem:$0x3FB2] =	sst s4  }
0xd: {  	[smem:$0x3FB3] =	sst s5  }
0xe: {  	[smem:$0x3FB4] =	sst s6  }
0xf: {  	[smem:$0x3FB5] =	sst s7  }
0x10: {  	[smem:$0x3FB6] =	sst s8  }
0x11: {  	[smem:$0x3FB7] =	sst s9;
	s0 =	simm.s32 @!p0 $0x0  }
0x12: {  	s1 =	sld [smem:$0x3F9D];
	s0 =	simm.s32 @p0 $0x1  }
0x13: {  	[smem:$0x3FB8] =	sst s0;
	s0 =	simm.s32 @!p1 $0x0  }
0x14: {  	s2 =	sld [smem:$0x3F9C];
	s0 =	simm.s32 @p1 $0x1  }
0x15: {  	[smem:$0x3FB9] =	sst s0;
	s0 =	simm.s32 @!p2 $0x0  }
0x16: {  	s3 =	sld [smem:$0x3FDB];
	s0 =	simm.s32 @p2 $0x1  }
0x17: {  	s4 =	simm.s32 $0x1BF5;
	[smem:$0x3FBB] =	sst s0  }
0x18: {  	s0 =	sld [smem:$0x3F9E];
	_ =	swait.ge [sflag:s4], $0x0  }
0x19: {  	s7 =	sld [smem:$0x3F9F]  }
0x1a: {  	s8 =	sadd.s32 $0xFFFFE003, lr  }
0x1b: {  	s9 =	sadd.s32 $0xFFFFFEF7, lr;
	s5 =	simm.s32 $0xFFFFFFFF;
	p2 =	slt.u32 s8, $0xFFFFF086  }
0x1c: {  	p1 =	slt.u32 s9, $0xF7A;
	s5 =	simm.s32 @!p2 $0x0  }
0x1d: {  	s5 =	simm.s32 @p1 $0x1;
	p0 =	seq.s32 s7, s2  }
0x1e: {  	s7 =	smul.u32 @!p0 $0xF7A, s2;
	p2 =	seq.s32 @!p0 s5, $0x0  }
0x1f: {  	s9 =	smul.u32 $0xF7A, s1;
	s8 =	simm.s32 @!p0 $0x1BF5;
	p2 =	por !p2, p0  }
0x20: {  	[sflag:s8] =	ssyncset.s32 @!p0 $0xFFFFF086;
	s6 =	sadd.s32 @!p0 s3, s7;
	s7 =	simm.s32 @!p0 $0x108  }
0x21: {  	s3 =	sadd.s32 s3, s9;
	s6 =	sadd.s32 @!p0 $0x88, s6;
	s7 =	simm.s32 @p2 $0x1082  }
0x22: {  	[simem:s7], [sflag:s8] =	dma.local @!p0 [hbm:s6], $0xF7A  }
0x23: {  	s9 =	sor.u32 $0xD0000000, s2;
	s6 =	simm.s32 $0x108;
	_ =	swait.ge @!p0 [sflag:s8], $0x0  }
0x24: {  	s3 =	sadd.s32 $0x88, s3;
	s6 =	simm.s32 @!p1 $0x1082;
	[sflag:s4] =	ssyncset.s32 $0xFFFFF086  }
0x25: {  	[simem:s6], [sflag:s4] =	dma.local [hbm:s3], $0xF7A  }
0x26: {  	[smem:$0x3F9F] =	sst s1;
	(tag) =	ssettag s2;
	_ =	strace s9  }
0x27: {  	s1 =	sld [smem:$0x3FAF]  }
0x28: {  	s2 =	sld [smem:$0x3FB0]  }
0x29: {  	s4 =	sld [smem:$0x3FB2]  }
0x2a: {  	p0 =	seq.s32 s5, $0x0;
	s5 =	sld [smem:$0x3FB3]  }
0x2b: {  	s6 =	sld [smem:$0x3FB4]  }
0x2c: {  	s7 =	sld [smem:$0x3FB5]  }
0x2d: {  	s3 =	simm.s32 $0x108;
	s8 =	sld [smem:$0x3FB6]  }
0x2e: {  	s3 =	simm.s32 @!p0 $0x1082;
	s9 =	sld [smem:$0x3FB7]  }
0x2f: {  	lr =	sadd.s32 s0, s3;
	s0 =	sld [smem:$0x3FAE]  }
0x30: {  	s3 =	sld [smem:$0x3FB1]  }
0x31: {  	[smem:$0x3FBA] =	sst s10  }
0x32: {  	s10 =	sld [smem:$0x3FB8];
	_ =	sdelay $0x3  }
0x33: {  	p0 =	seq.s32 s10, $0x1;
	s10 =	sld [smem:$0x3FBA];
	_ =	sdelay $0x3  }
0x34: {  	[smem:$0x3FBA] =	sst s10  }
0x35: {  	s10 =	sld [smem:$0x3FB9];
	_ =	sdelay $0x3  }
0x36: {  	p1 =	seq.s32 s10, $0x1;
	s10 =	sld [smem:$0x3FBA];
	_ =	sdelay $0x3  }
0x37: {  	[smem:$0x3FBA] =	sst s10  }
0x38: {  	s10 =	sld [smem:$0x3FBB]  }
0x39: {  	_ = 	snop;
	(pc) =	sbr.ind lr, $3  }
0x3a: {  	_ = 	snop  }
0x3b: {  	_ = 	snop  }
0x3c: {  	p2 =	seq.s32 s10, $0x1;
	s10 =	sld [smem:$0x3FBA]  }
0x3d: {  	_ =	shalt  }
0x3e: {  	_ =	shalt  }
0x3f: {  	_ =	shalt  }
0x40: {  	_ =	shalt  }
0x41: {  	_ =	shalt  }
0x42: {  	_ =	shalt  }
0x43: {  	_ =	shalt  }
0x44: {  	_ =	shalt  }
0x45: {  	_ =	shalt  }
0x46: {  	_ =	shalt  }
0x47: {  	_ =	shalt  }
0x48: {  	_ =	shalt  }
0x49: {  	_ =	shalt  }
0x4a: {  	_ =	shalt  }
0x4b: {  	_ =	shalt  }
0x4c: {  	_ =	shalt  }
0x4d: {  	_ =	shalt  }
0x4e: {  	_ =	shalt  }
0x4f: {  	_ =	shalt  }
0x50: {  	_ =	shalt  }
0x51: {  	_ =	shalt  }
0x52: {  	_ =	shalt  }
0x53: {  	_ =	shalt  }
0x54: {  	_ =	shalt  }
0x55: {  	_ =	shalt  }
0x56: {  	_ =	shalt  }
0x57: {  	_ =	shalt  }
0x58: {  	_ =	shalt  }
0x59: {  	_ =	shalt  }
0x5a: {  	_ =	shalt  }
0x5b: {  	_ =	shalt  }
0x5c: {  	_ =	shalt  }
0x5d: {  	_ =	shalt  }
0x5e: {  	_ =	shalt  }
0x5f: {  	_ =	shalt  }
0x60: {  	_ =	shalt  }
0x61: {  	_ =	shalt  }
0x62: {  	_ =	shalt  }
0x63: {  	_ =	shalt  }
0x64: {  	_ =	shalt  }
0x65: {  	_ =	shalt  }
0x66: {  	_ =	shalt  }
0x67: {  	_ =	shalt  }
0x68: {  	_ =	shalt  }
0x69: {  	_ =	shalt  }
0x6a: {  	_ =	shalt  }
0x6b: {  	_ =	shalt  }
0x6c: {  	_ =	shalt  }
0x6d: {  	_ =	shalt  }
0x6e: {  	_ =	shalt  }
0x6f: {  	_ =	shalt  }
0x70: {  	_ =	shalt  }
0x71: {  	_ =	shalt  }
0x72: {  	_ =	shalt  }
0x73: {  	_ =	shalt  }
0x74: {  	_ =	shalt  }
0x75: {  	_ =	shalt  }
0x76: {  	_ =	shalt  }
0x77: {  	_ =	shalt  }
0x78: {  	_ =	shalt  }
0x79: {  	_ =	shalt  }
0x7a: {  	_ =	shalt  }
0x7b: {  	_ =	shalt  }
0x7c: {  	_ =	shalt  }
0x7d: {  	_ =	shalt  }
0x7e: {  	_ =	shalt  }
0x7f: {  	_ =	shalt  }
0x80: {  	_ =	shalt  }
0x81: {  	_ =	shalt  }
0x82: {  	_ =	shalt  }
0x83: {  	_ =	shalt  }
0x84: {  	_ =	shalt  }
0x85: {  	_ =	shalt  }
0x86: {  	_ =	shalt  }
0x87: {  	_ =	shalt  }
.Lfunc_end0:
.L_simem_size_0:
called_computation_lowered:
.L_overlay_start_0:
0x88: {  	s2 =	sld [smem:$0x3FD9]  }
0x89: {  	s3 =	sld [smem:$0x3FFE];
	_ =	sdelay $0x1  }
0x8a: {  	s1 =	srdreg.scid  }
0x8b: {  	s0 =	sand.u32 $0x1, s1  }
0x8c: {  	s17 =	sshll.u32 s0, $0xA;
	s2 =	sadd.s32 s3, s2  }
0x8d: {  	s2 =	sadd.s32 s2, s17  }
0x8e: {  	[smem:$0x3FC6] =	sst s2  }
0x8f: {  	_ = 	snop  }
0x90: {  	s2 =	sld [smem:$0x3FC9];
	(tm) =	ssettm $0x1  }
0x91: {  	s18 =	sld [smem:$0x3FFB];
	_ =	sdelay $0x3  }
0x92: {  	_ =	strace s18  }
0x93: {  	s3 =	sld [smem:$0x3FFC];
	_ =	sdelay $0x3  }
0x94: {  	_ =	strace s3  }
0x95: {  	s3 =	sld [smem:$0x3FFD];
	_ =	sdelay $0x3  }
0x96: {  	_ =	strace s3  }
0x97: {  	_ =	strace $0x8FFFFFFF  }
0x98: {  	s19 =	sld [smem:$0x3FDB];
	_ =	sdelay $0x1  }
0x99: {  	s4 =	simm.s32 $_scs_section_size  }
0x9a: {  	s5 =	simm.s32 $_size__tile_overlayer_lowered;
	s6 =	simm.s32 $_tile_overlayer_lowered  }
0x9b: {  	s22 =	simm.s32 $0x1BFF;
	s21 =	sshll.u32 s6, $0x1;
	s3 =	sadd.s32 s4, s19  }
0x9c: {  	s7 =	simm.s32 $0x0;
	s20 =	sshll.u32 s5, $0x1;
	s5 =	sadd.s32 s21, s3  }
0x9d: {  	[timem:s7], [sflag:s22] =	dma.local [hbm:s5], s20  }
0x9e: {  	_ =	swait.ge [sflag:s22], s20  }
0x9f: {  	s4 =	ssub.s32 $0x0, s20;
	[sflag:s22] =	ssyncset.done $0x0  }
0xa0: {  	[sflag:s22] =	ssyncadd.s32 s4;
	_ =	sdelay $0x1  }
0xa1: {  	s23 =	simm.s32 $0x1B8B  }
0xa2: {  	_ =	swait.ge [sflag:s23], $0x1  }
0xa3: {  	[sflag:s23] =	ssyncset.done $0x0  }
0xa4: {  	s25 =	simm.s32 $0x1B8E;
	s24 =	sld [smem:$0x3FFE];
	[sflag:s23] =	ssyncadd.s32 $0xFFFFFFFF  }
0xa5: {  	s26 =	simm.s32 $execute0_lowered;
	[smem:$0x3FD2] =	sst s25  }
0xa6: {  	s5 =	sshll.u32 s26, $0x1;
	_ =	strace $0x80000046;
	[dreg:$0x1] =	wrdreg $0xFFFFFFFF  }
0xa7: {  	s28 =	simm.s32 $_size_execute0_lowered;
	s3 =	sadd.s32 s3, s5;
	[dreg:$0x0] =	wrdreg $0x0  }
0xa8: {  	s5 =	sshll.u32 s28, $0x1;
	[dreg:$0x2] =	wrdreg s3  }
0xa9: {  	[dreg:$0x3] =	wrdreg s5  }
0xaa: {  	[dreg:$0x4] =	wrdreg $0xC0  }
0xab: {  	_ =	task [dreg:s7], $0x5FFFF  }
0xac: {  	[dreg:$0x1] =	wrdreg $0xFFFFFFFF  }
0xad: {  	[dreg:$0x0] =	wrdreg $0x60  }
0xae: {  	[dreg:$0x2] =	wrdreg s2  }
0xaf: {  	[dreg:$0x3] =	wrdreg s24  }
0xb0: {  	[dreg:$0x4] =	wrdreg $0x9  }
0xb1: {  	_ =	task.clear_ibuf [dreg:s7], $0x5FFFF;
	_ =	strace $0x90000046  }
0xb2: {  	s29 =	simm.s32 $0x9;
	_ =	strace $0x80000048  }
0xb3: {  	_ =	swait.ge [sflag:s29], $0x1  }
0xb4: {  	[sflag:s29] =	ssyncadd.s32 $0xFFFFFFFF  }
0xb5: {  	_ =	strace $0x90000048  }
0xb6: {  	_ =	sfence  }
0xb7: {  	s30 =	sld [smem:$0x0];
	_ =	sdelay $0x2  }
0xb8: {  	s31 =	sshll.u32 s1, $0xD;
	s1 =	sshrl.u32 s1, $0x2  }
0xb9: {  	s3 =	sand.u32 $0x4000, s31;
	s1 =	sadd.s32 s1, s30  }
0xba: {  	s0 =	sor.u32 s3, s0;
	s1 =	sshll.u32 s1, $0x11  }
0xbb: {  	s0 =	sor.u32 s1, s0  }
0xbc: {  	s0 =	sadd.s32 $0x8F2B, s0  }
0xbd: {  	[sflag:s0] =	ssyncadd.remote.s32 $0x1  }
0xbe: {  	_ =	sfence.sel $0xFFFF  }
0xbf: {  	[dreg:$0x0] =	wrdreg $0xFFFFFFFF;
	(pc) =	sbr.abs _section_cstart, $3  }
0xc0: {  	[dreg:$0x1] =	wrdreg $0xFFFFFFFF  }
0xc1: {  	_ =	task.clear_ibuf [dreg:s7], $0x2FFFF;
	_ =	strace $0x9FFFFFFF  }
0xc2: {  	(tm) =	ssettm $0x7FFFFFFF  }
0xc3: {  	_ =	shalt  }
tec
execute0_lowered:
.L_overlay_start_1:
0x0: {  	(tag) =	ssettag $0x1  }
0x1: {  	s0 =	srdreg.scid;
	s2 =	rddreg [dreg:$0x0]  }
0x2: {  	s5 =	stileid.u32;
	s21 =	rddreg [dreg:$0x1]  }
0x3: {  	s4 =	simm.s32 $0x1;
	s3 =	simm.s32 $0x0;
	s15 =	simm.s32 $0x1000  }
0x4: {  	s16 =	simm.s32 $0x2000;
	s17 =	simm.s32 $0x3000;
	s0 =	sand.u32 $0x1, s0  }
0x5: {  	s18 =	simm.s32 $0x4000;
	s19 =	simm.s32 $0x5000;
	s1 =	sor.u32 s0, s5  }
0x6: {  	s20 =	simm.s32 $0x6000;
	p1 =	seq.s32 s0, $0x1;
	p0 =	seq.s32 s1, $0x0  }
0x7: {  	[smem:$0x7FF] =	sst s3;
	s6 =	sshll.u32 s0, $0x10;
	p0 =	por !p0, !p1  }
0x8: {  	s24 =	sshll.u32 s0, $0x11;
	s0 =	ssub.s32 $0x2, s0;
	p0 =	por !p0, !p0  }
0x9: {  	_ =	strace $0x80000047;
	s25 =	sshrl.u32 s0, $0x1;
	s4 =	simm.s32 @!p0 $0x0  }
0xa: {  	s0 =	ssub.s32 s0, s25;
	s25 =	simm.s32 $0x0;
	s4 =	ssub.s32 s5, s4  }
0xb: {  	s14 =	smax.u32 s0, $0x1;
	s5 =	sshll.u32 s4, $0xC;
	s23 =	smul.u32 $0xC0000, s4  }
0xc: {  	s7 =	sshll.u32 s4, $0x7;
	s4 =	simm.s32 $0x1;
	s5 =	sand.u32 $0xFFFF8000, s5  }
0xd: {  	s22 =	sand.u32 $0x380, s7;
	s5 =	sadd.s32 s6, s5;
	s6 =	sor.u32 s24, s23  }
0xe: {  	s24 =	simm.s32 $0x3;
	s5 =	sor.u32 s22, s5;
	s7 =	sadd.s32 $0x40000, s6  }
0xf: {  	s26 =	sshrl.u32 s6, $0x3;
	s28 =	sadd.s32 $0x80000, s6;
	s8 =	sadd.s32 $0x41000, s6  }
0x10: {  	s9 =	sadd.s32 $0x81000, s6;
	s5 =	sshrl.u32 s5, $0x3;
	s7 =	sshrl.u32 s7, $0x3  }
0x11: {  	s10 =	sshrl.u32 s9, $0x3;
	s1 =	sadd.s32 s5, s21;
	s7 =	sadd.s32 s2, s7  }
0x12: {  	s5 =	sadd.s32 s2, s26;
	s31 =	sadd.s32 s2, s10;
	[dreg:$0x3] =	wrdreg s7  }
0x13: {  	s11 =	sor.u32 $0x2000, s6;
	s30 =	sadd.s32 $0x200, s5;
	[dreg:$0x7] =	wrdreg s31  }
0x14: {  	s7 =	sshrl.u32 s28, $0x3;
	s1 =	sadd.s32 $0x800, s1;
	[dreg:$0x5] =	wrdreg s30  }
0x15: {  	s29 =	sshrl.u32 s8, $0x3;
	s7 =	sadd.s32 s2, s7;
	[dreg:$0x8] =	wrdreg s1  }
0x16: {  	s12 =	sor.u32 $0x3000, s6;
	[dreg:$0x4] =	wrdreg s7;
	s7 =	sadd.s32 s2, s29  }
0x17: {  	v0 =	vimm.f32 $0.0e+00;
	v1 =	vimm.f32 $1.000000000e+00;
	s21 =	simm.s32 $0x2;
	s26 =	simm.s32 $0x0;
	[dreg:$0x6] =	wrdreg s7  }
.LBB2_1:
0x18: {  	[tilespmem:s3], [sflag:$0x1] =	stream.linear.gather [hbm4b:s5+s3], $0x1000, $0x38;
	[tilespmem:$0x7000] =	vst v63  }
0x19: {  	s0 =	rddreg [dreg:$0x3]  }
0x1a: {  	[tilespmem:s15], [sflag:$0x1] =	stream.linear.gather [hbm4b:s0+s3], $0x1000, $0x38;
	[tilespmem:$0x7000] =	vst v63  }
0x1b: {  	s28 =	rddreg [dreg:$0x4]  }
0x1c: {  	[tilespmem:s16], [sflag:$0x1] =	stream.linear.gather [hbm4b:s28+s3], $0x1000, $0x38;
	[tilespmem:$0x7000] =	vst v63  }
0x1d: {  	s29 =	rddreg [dreg:$0x5]  }
0x1e: {  	[tilespmem:s17], [sflag:$0x2] =	stream.linear.gather [hbm4b:s29+s3], $0x1000, $0x38;
	[tilespmem:$0x7000] =	vst v63  }
0x1f: {  	s30 =	rddreg [dreg:$0x6]  }
0x20: {  	[tilespmem:s18], [sflag:$0x2] =	stream.linear.gather [hbm4b:s30+s3], $0x1000, $0x38;
	[tilespmem:$0x7000] =	vst v63  }
0x21: {  	s31 =	rddreg [dreg:$0x7];
	s1 =	simm.s32 $0x0;
	s0 =	simm.s32 $0x40  }
0x22: {  	[tilespmem:s19], [sflag:$0x2] =	stream.linear.gather [hbm4b:s31+s3], $0x1000, $0x38;
	[tilespmem:$0x7000] =	vst v63  }
.LBB2_2:
0x23: {  	p0 =	sne.s32 s0, $0x3FC0;
	[tilespmem:s1+$0x6000] =	vst v0;
	s1 =	smov.u32 s0;
	s0 =	sadd.s32 $0x40, s0  }
.Ltmp0:
0x24: {  	(pc) =	sbr.rel @p0 .LBB2_2-.Ltmp0, $2  }
0x25: {  	_ =	sdelay $0x2  }
0x26: {  	s1 =	sshra.s32 s1, $0x2  }
0x27: {  	[tilespmem:s1+$0x6000] =	vst v0;
	s28 =	simm.s32 $0x0  }
.LBB2_4:
0x28: {  	_ =	swait.ge [sflag:s4], $0x1000  }
0x29: {  	[sflag:s4] =	ssyncset.done $0x0  }
0x2a: {  	[sflag:s4] =	ssyncadd.s32 $0xFFFFF000  }
0x2b: {  	_ =	swait.ge [sflag:s4], $0x1000  }
0x2c: {  	[sflag:s4] =	ssyncset.done $0x0  }
0x2d: {  	[sflag:s4] =	ssyncadd.s32 $0xFFFFF000  }
0x2e: {  	_ =	swait.ge [sflag:s4], $0x1000  }
0x2f: {  	s0 =	sand.u32 $0x800, s26;
	s1 =	sand.u32 $0x380, s26;
	[sflag:s4] =	ssyncset.done $0x0  }
0x30: {  	s0 =	sor.u32 s1, s0;
	[sflag:s4] =	ssyncadd.s32 $0xFFFFF000  }
0x31: {  	v2 =	vld [tilespmem:s0+$0x400]  }
0x32: {  	v3 =	vld [tilespmem:s0+$0x410]  }
0x33: {  	v4 =	vld [tilespmem:s0+$0x420]  }
0x34: {  	v5 =	vld [tilespmem:s0+$0x430]  }
0x35: {  	v6 =	vld [tilespmem:s0+$0x2400]  }
0x36: {  	v7 =	vld [tilespmem:s0+$0x2410]  }
0x37: {  	p0 =	por $0x0, $0x0;
	s1 =	simm.s32 $0x1;
	v8 =	vld [tilespmem:s0+$0x2420]  }
0x38: {  	s1 =	simm.s32 @!p0 $0x0;
	v9 =	vld [tilespmem:s0+$0x2430]  }
0x39: {  	s1 =	sshll.u32 s1, $0xB;
	v10 =	vld [tilespmem:s0+$0x1400]  }
0x3a: {  	s1 =	sadd.s32 $0x0, s1;
	v11 =	vld [tilespmem:s0+$0x1410]  }
0x3b: {  	s6 =	sadd.s32 $0x400, s1;
	v12 =	vld [tilespmem:s0+$0x1420]  }
0x3c: {  	s7 =	sor.u32 $0x40, s6;
	v13 =	vld [tilespmem:s0+$0x1430]  }
0x3d: {  	s22 =	sor.u32 $0x50, s6;
	v14 =	vld [tilespmem:s7+$0x0]  }
0x3e: {  	s23 =	sor.u32 $0x60, s6;
	v15 =	vld [tilespmem:s22+$0x0];
	v2 =	vmul.f32 $8.000000000e+00, v2;
	v3 =	vmul.f32 $8.000000000e+00, v3  }
0x3f: {  	s6 =	sor.u32 $0x70, s6;
	v16 =	vld [tilespmem:s23+$0x0];
	v4 =	vmul.f32 $8.000000000e+00, v4;
	v5 =	vmul.f32 $8.000000000e+00, v5  }
0x40: {  	v17 =	vld [tilespmem:s6+$0x0];
	v6 =	vmul.f32 $8.000000000e+00, v6;
	v7 =	vmul.f32 $8.000000000e+00, v7  }
0x41: {  	v18 =	vld [tilespmem:s7+$0x2000];
	v8 =	vmul.f32 $8.000000000e+00, v8;
	v10 =	vmul.f32 $8.000000000e+00, v10  }
0x42: {  	v19 =	vld [tilespmem:s22+$0x2000];
	v9 =	vmul.f32 $8.000000000e+00, v9;
	v11 =	vmul.f32 $8.000000000e+00, v11  }
0x43: {  	v20 =	vld [tilespmem:s23+$0x2000];
	v12 =	vmul.f32 $8.000000000e+00, v12;
	v13 =	vmul.f32 $8.000000000e+00, v13  }
0x44: {  	v21 =	vld [tilespmem:s6+$0x2000];
	v14 =	vmul.f32 $8.000000000e+00, v14;
	v15 =	vmul.f32 $8.000000000e+00, v15  }
0x45: {  	v22 =	vld [tilespmem:s7+$0x1000];
	v16 =	vmul.f32 $8.000000000e+00, v16;
	v17 =	vmul.f32 $8.000000000e+00, v17;
	v2 =	vadd.f32 $2.350000000e+01, v2  }
0x46: {  	v23 =	vld [tilespmem:s22+$0x1000];
	v18 =	vmul.f32 $8.000000000e+00, v18;
	v3 =	vadd.f32 $2.350000000e+01, v3;
	v4 =	vadd.f32 $2.350000000e+01, v4  }
0x47: {  	v24 =	vld [tilespmem:s23+$0x1000];
	v19 =	vmul.f32 $8.000000000e+00, v19;
	v5 =	vadd.f32 $2.350000000e+01, v5;
	v6 =	vadd.f32 $2.350000000e+01, v6  }
0x48: {  	s13 =	sor.u32 $0x40, s1;
	v25 =	vld [tilespmem:s6+$0x1000];
	v20 =	vmul.f32 $8.000000000e+00, v20;
	v7 =	vadd.f32 $2.350000000e+01, v7;
	v8 =	vadd.f32 $2.350000000e+01, v8  }
0x49: {  	v30 =	vld [tilespmem:s13+$0x2000];
	v21 =	vmul.f32 $8.000000000e+00, v21;
	v9 =	vadd.f32 $2.350000000e+01, v9;
	v10 =	vadd.f32 $2.350000000e+01, v10  }
0x4a: {  	v31 =	vld [tilespmem:s0+$0x2010];
	v22 =	vmul.f32 $8.000000000e+00, v22;
	v11 =	vadd.f32 $2.350000000e+01, v11;
	v12 =	vadd.f32 $2.350000000e+01, v12  }
0x4b: {  	v32 =	vld [tilespmem:s0+$0x2020];
	v23 =	vmul.f32 $8.000000000e+00, v23;
	v13 =	vadd.f32 $2.350000000e+01, v13;
	v14 =	vadd.f32 $2.350000000e+01, v14  }
0x4c: {  	v33 =	vld [tilespmem:s0+$0x2030];
	v24 =	vmul.f32 $8.000000000e+00, v24;
	v15 =	vadd.f32 $2.350000000e+01, v15;
	v16 =	vadd.f32 $2.350000000e+01, v16  }
0x4d: {  	v25 =	vmul.f32 $8.000000000e+00, v25;
	v17 =	vadd.f32 $2.350000000e+01, v17;
	v18 =	vadd.f32 $2.350000000e+01, v18  }
0x4e: {  	v30 =	vmul.f32 $8.000000000e+00, v30;
	v19 =	vadd.f32 $2.350000000e+01, v19;
	v20 =	vadd.f32 $2.350000000e+01, v20  }
0x4f: {  	v31 =	vmul.f32 $8.000000000e+00, v31;
	v21 =	vadd.f32 $2.350000000e+01, v21;
	v22 =	vadd.f32 $2.350000000e+01, v22  }
0x50: {  	v32 =	vmul.f32 $8.000000000e+00, v32;
	v23 =	vadd.f32 $2.350000000e+01, v23;
	v24 =	vadd.f32 $2.350000000e+01, v24  }
0x51: {  	v33 =	vmul.f32 $8.000000000e+00, v33;
	v25 =	vadd.f32 $2.350000000e+01, v25;
	v30 =	vadd.f32 $2.350000000e+01, v30  }
0x52: {  	v31 =	vadd.f32 $2.350000000e+01, v31;
	v32 =	vadd.f32 $2.350000000e+01, v32  }
0x53: {  	v33 =	vadd.f32 $2.350000000e+01, v33;
	v2 =	vmax.f32 v2, $1.600000000e+01;
	v3 =	vmax.f32 v3, $1.600000000e+01  }
0x54: {  	v4 =	vmax.f32 v4, $1.600000000e+01;
	v5 =	vmax.f32 v5, $1.600000000e+01;
	v6 =	vmax.f32 v6, $1.600000000e+01  }
0x55: {  	v7 =	vmax.f32 v7, $1.600000000e+01;
	v8 =	vmax.f32 v8, $1.600000000e+01;
	v10 =	vmax.f32 v10, $1.600000000e+01  }
0x56: {  	v11 =	vmax.f32 v11, $1.600000000e+01;
	v9 =	vmax.f32 v9, $1.600000000e+01;
	v12 =	vmax.f32 v12, $1.600000000e+01  }
0x57: {  	v13 =	vmax.f32 v13, $1.600000000e+01;
	v14 =	vmax.f32 v14, $1.600000000e+01;
	v15 =	vmax.f32 v15, $1.600000000e+01  }
0x58: {  	v16 =	vmax.f32 v16, $1.600000000e+01;
	v17 =	vmax.f32 v17, $1.600000000e+01;
	v18 =	vmax.f32 v18, $1.600000000e+01  }
0x59: {  	v19 =	vmax.f32 v19, $1.600000000e+01;
	v20 =	vmax.f32 v20, $1.600000000e+01;
	v22 =	vmax.f32 v22, $1.600000000e+01  }
0x5a: {  	v23 =	vmax.f32 v23, $1.600000000e+01;
	v21 =	vmax.f32 v21, $1.600000000e+01;
	v24 =	vmax.f32 v24, $1.600000000e+01  }
0x5b: {  	v25 =	vmax.f32 v25, $1.600000000e+01;
	v30 =	vmax.f32 v30, $1.600000000e+01;
	v31 =	vmax.f32 v31, $1.600000000e+01  }
0x5c: {  	v32 =	vmax.f32 v32, $1.600000000e+01;
	v33 =	vmax.f32 v33, $1.600000000e+01;
	v2 =	vmin.f32 v2, $3.100000000e+01  }
0x5d: {  	v3 =	vmin.f32 v3, $3.100000000e+01;
	v4 =	vmin.f32 v4, $3.100000000e+01;
	v5 =	vmin.f32 v5, $3.100000000e+01  }
0x5e: {  	v6 =	vmin.f32 v6, $3.100000000e+01;
	v7 =	vmin.f32 v7, $3.100000000e+01;
	v8 =	vmin.f32 v8, $3.100000000e+01  }
0x5f: {  	v9 =	vmin.f32 v9, $3.100000000e+01;
	v10 =	vmin.f32 v10, $3.100000000e+01;
	v11 =	vmin.f32 v11, $3.100000000e+01  }
0x60: {  	v12 =	vmin.f32 v12, $3.100000000e+01;
	v13 =	vmin.f32 v13, $3.100000000e+01;
	v14 =	vmin.f32 v14, $3.100000000e+01  }
0x61: {  	v15 =	vmin.f32 v15, $3.100000000e+01;
	v2 =	vadd.f32 $8.388608000e+06, v2;
	v3 =	vadd.f32 $8.388608000e+06, v3  }
0x62: {  	v16 =	vmin.f32 v16, $3.100000000e+01;
	v4 =	vadd.f32 $8.388608000e+06, v4;
	v5 =	vadd.f32 $8.388608000e+06, v5  }
0x63: {  	v17 =	vmin.f32 v17, $3.100000000e+01;
	v6 =	vadd.f32 $8.388608000e+06, v6;
	v7 =	vadd.f32 $8.388608000e+06, v7  }
0x64: {  	v18 =	vmin.f32 v18, $3.100000000e+01;
	v8 =	vadd.f32 $8.388608000e+06, v8;
	v9 =	vadd.f32 $8.388608000e+06, v9  }
0x65: {  	v19 =	vmin.f32 v19, $3.100000000e+01;
	v10 =	vadd.f32 $8.388608000e+06, v10;
	v11 =	vadd.f32 $8.388608000e+06, v11  }
0x66: {  	v20 =	vmin.f32 v20, $3.100000000e+01;
	v12 =	vadd.f32 $8.388608000e+06, v12;
	v13 =	vadd.f32 $8.388608000e+06, v13  }
0x67: {  	v21 =	vmin.f32 v21, $3.100000000e+01;
	v14 =	vadd.f32 $8.388608000e+06, v14;
	v15 =	vadd.f32 $8.388608000e+06, v15  }
0x68: {  	v22 =	vmin.f32 v22, $3.100000000e+01;
	v16 =	vadd.f32 $8.388608000e+06, v16;
	v17 =	vadd.f32 $8.388608000e+06, v17  }
0x69: {  	v23 =	vmin.f32 v23, $3.100000000e+01;
	v18 =	vadd.f32 $8.388608000e+06, v18;
	v19 =	vadd.f32 $8.388608000e+06, v19  }
0x6a: {  	v24 =	vmin.f32 v24, $3.100000000e+01;
	v20 =	vadd.f32 $8.388608000e+06, v20;
	v21 =	vadd.f32 $8.388608000e+06, v21  }
0x6b: {  	v25 =	vmin.f32 v25, $3.100000000e+01;
	v22 =	vadd.f32 $8.388608000e+06, v22;
	v23 =	vadd.f32 $8.388608000e+06, v23  }
0x6c: {  	v24 =	vadd.f32 $8.388608000e+06, v24;
	v25 =	vadd.f32 $8.388608000e+06, v25;
	v6 =	vshll.u32 v6, $0x8  }
0x6d: {  	v7 =	vshll.u32 v7, $0x8;
	v8 =	vshll.u32 v8, $0x8;
	v9 =	vshll.u32 v9, $0x8  }
0x6e: {  	v26 =	vld [tilespmem:s13+$0x1000];
	v10 =	vshll.u32 v10, $0x4;
	v11 =	vshll.u32 v11, $0x4;
	v12 =	vshll.u32 v12, $0x4  }
0x6f: {  	v62 =	vld [tilespmem:s0+$0x30];
	v13 =	vshll.u32 v13, $0x4;
	v22 =	vshll.u32 v22, $0x4;
	v20 =	vshll.u32 v20, $0x8  }
0x70: {  	s22 =	sor.u32 $0x50, s1;
	v63 =	vld [tilespmem:s0+$0x2000];
	v21 =	vshll.u32 v21, $0x8;
	v2 =	vadd.s32 v10, v2;
	v3 =	vadd.s32 v11, v3  }
0x71: {  	s23 =	sor.u32 $0x60, s1;
	v27 =	vld [tilespmem:s22+$0x1000];
	v4 =	vadd.s32 v12, v4;
	v5 =	vadd.s32 v13, v5;
	v14 =	vadd.s32 v22, v14  }
0x72: {  	s1 =	sor.u32 $0x70, s1;
	v28 =	vld [tilespmem:s23+$0x1000];
	v22 =	vshll.u32 v23, $0x4;
	v23 =	vshll.u32 v24, $0x4;
	v2 =	vadd.s32 v6, v2  }
0x73: {  	v29 =	vld [tilespmem:s1+$0x1000];
	v3 =	vadd.s32 v7, v3;
	v4 =	vadd.s32 v8, v4;
	v5 =	vadd.s32 v9, v5  }
0x74: {  	v10 =	vld [tilespmem:s0+$0x1000];
	v9 =	vshll.u32 v18, $0x8;
	v18 =	vshll.u32 v19, $0x8;
	v2 =	vadd.s32 $0x4FFEEF0, v2  }
0x75: {  	v11 =	vld [tilespmem:s0+$0x1010];
	v3 =	vadd.s32 $0x4FFEEF0, v3;
	v4 =	vadd.s32 $0x4FFEEF0, v4;
	v5 =	vadd.s32 $0x4FFEEF0, v5  }
0x76: {  	v12 =	vld [tilespmem:s0+$0x1020];
	v9 =	vadd.s32 v9, v14;
	v14 =	vadd.s32 v22, v15;
	v15 =	vshll.u32 v25, $0x4  }
0x77: {  	v13 =	vld [tilespmem:s0+$0x1030];
	v25 =	vadd.s32 $0x4FFEEF0, v9;
	v9 =	vadd.s32 v18, v14;
	v14 =	vadd.s32 v23, v16  }
0x78: {  	v24 =	vld [tilespmem:s22+$0x2000];
	v18 =	vmul.f32 $8.000000000e+00, v27;
	v23 =	vadd.s32 $0x4FFEEF0, v9;
	v9 =	vadd.s32 v20, v14  }
0x79: {  	v6 =	vld [tilespmem:s13+$0x0];
	v14 =	vadd.s32 v15, v17;
	v17 =	vmul.f32 $8.000000000e+00, v26;
	v20 =	vmul.f32 $8.000000000e+00, v28  }
0x7a: {  	v7 =	vld [tilespmem:s22+$0x0];
	v28 =	vmul.f32 $8.000000000e+00, v62;
	v26 =	vadd.s32 $0x4FFEEF0, v9;
	v10 =	vmul.f32 $8.000000000e+00, v10  }
0x7b: {  	v8 =	vld [tilespmem:s23+$0x0];
	v9 =	vadd.s32 v21, v14;
	v21 =	vmul.f32 $8.000000000e+00, v29;
	v11 =	vmul.f32 $8.000000000e+00, v11  }
0x7c: {  	v19 =	vld [tilespmem:s1+$0x0];
	v12 =	vmul.f32 $8.000000000e+00, v12;
	v18 =	vadd.f32 $2.350000000e+01, v18;
	v13 =	vmul.f32 $8.000000000e+00, v13  }
0x7d: {  	v22 =	vld [tilespmem:s23+$0x2000];
	v24 =	vmul.f32 $8.000000000e+00, v24;
	v29 =	vmul.f32 $8.000000000e+00, v63;
	v27 =	vadd.s32 $0x4FFEEF0, v9  }
0x7e: {  	v17 =	vadd.f32 $2.350000000e+01, v17;
	v6 =	vmul.f32 $8.000000000e+00, v6;
	v20 =	vadd.f32 $2.350000000e+01, v20  }
0x7f: {  	v16 =	vld [tilespmem:s1+$0x2000];
	v7 =	vmul.f32 $8.000000000e+00, v7;
	v28 =	vadd.f32 $2.350000000e+01, v28;
	v21 =	vadd.f32 $2.350000000e+01, v21  }
0x80: {  	v8 =	vmul.f32 $8.000000000e+00, v8;
	v10 =	vadd.f32 $2.350000000e+01, v10;
	v11 =	vadd.f32 $2.350000000e+01, v11  }
0x81: {  	v15 =	vld [tilespmem:s0+$0x0];
	v19 =	vmul.f32 $8.000000000e+00, v19;
	v12 =	vadd.f32 $2.350000000e+01, v12;
	v13 =	vadd.f32 $2.350000000e+01, v13  }
0x82: {  	v22 =	vmul.f32 $8.000000000e+00, v22;
	v24 =	vadd.f32 $2.350000000e+01, v24;
	v29 =	vadd.f32 $2.350000000e+01, v29  }
0x83: {  	v18 =	vmax.f32 v18, $1.600000000e+01;
	v6 =	vadd.f32 $2.350000000e+01, v6;
	v7 =	vadd.f32 $2.350000000e+01, v7  }
0x84: {  	v16 =	vmul.f32 $8.000000000e+00, v16;
	v8 =	vadd.f32 $2.350000000e+01, v8;
	v19 =	vadd.f32 $2.350000000e+01, v19  }
0x85: {  	v14 =	vld [tilespmem:s0+$0x10];
	v17 =	vmax.f32 v17, $1.600000000e+01;
	v20 =	vmax.f32 v20, $1.600000000e+01;
	v18 =	vmin.f32 v18, $3.100000000e+01  }
0x86: {  	v28 =	vmax.f32 v28, $1.600000000e+01;
	v15 =	vmul.f32 $8.000000000e+00, v15;
	v22 =	vadd.f32 $2.350000000e+01, v22  }
0x87: {  	v21 =	vmax.f32 v21, $1.600000000e+01;
	v10 =	vmax.f32 v10, $1.600000000e+01;
	v11 =	vmax.f32 v11, $1.600000000e+01  }
0x88: {  	v12 =	vmax.f32 v12, $1.600000000e+01;
	v13 =	vmax.f32 v13, $1.600000000e+01;
	v17 =	vmin.f32 v17, $3.100000000e+01  }
0x89: {  	v20 =	vmin.f32 v20, $3.100000000e+01;
	v24 =	vmax.f32 v24, $1.600000000e+01;
	v29 =	vmax.f32 v29, $1.600000000e+01  }
0x8a: {  	v9 =	vld [tilespmem:s0+$0x20];
	v14 =	vmul.f32 $8.000000000e+00, v14;
	v16 =	vadd.f32 $2.350000000e+01, v16;
	v21 =	vmin.f32 v21, $3.100000000e+01  }
0x8b: {  	v6 =	vmax.f32 v6, $1.600000000e+01;
	v7 =	vmax.f32 v7, $1.600000000e+01;
	v34 =	vmax.f32 v8, $1.600000000e+01  }
0x8c: {  	v19 =	vmax.f32 v19, $1.600000000e+01;
	v35 =	vmin.f32 v10, $3.100000000e+01;
	v11 =	vmin.f32 v11, $3.100000000e+01  }
0x8d: {  	v12 =	vmin.f32 v12, $3.100000000e+01;
	v36 =	vmin.f32 v13, $3.100000000e+01;
	v8 =	vadd.f32 $8.388608000e+06, v17  }
0x8e: {  	[tilespmem:v2+s20+$0x0] =	vst.idx.add.f32.msk $0xffff, v1;
	v2 =	vadd.f32 $8.388608000e+06, v20;
	v20 =	vmin.f32 v30, $3.100000000e+01;
	v13 =	vmin.f32 v24, $3.100000000e+01  }
0x8f: {  	v24 =	vmin.f32 v28, $3.100000000e+01;
	v9 =	vmul.f32 $8.000000000e+00, v9;
	v15 =	vadd.f32 $2.350000000e+01, v15  }
0x90: {  	[tilespmem:v3+s20+$0x0] =	vst.idx.add.f32.msk $0xffff, v1;
	v22 =	vmax.f32 v22, $1.600000000e+01;
	v39 =	vmin.f32 v6, $3.100000000e+01;
	v6 =	vadd.f32 $8.388608000e+06, v18  }
0x91: {  	[tilespmem:v4+s20+$0x0] =	vst.idx.add.f32.msk $0xffff, v1;
	v17 =	vmin.f32 v7, $3.100000000e+01;
	v18 =	vmin.f32 v34, $3.100000000e+01;
	v3 =	vadd.f32 $8.388608000e+06, v21  }
0x92: {  	[tilespmem:v5+s20+$0x0] =	vst.idx.add.f32.msk $0xffff, v1;
	v19 =	vmin.f32 v19, $3.100000000e+01;
	v7 =	vadd.f32 $8.388608000e+06, v11;
	v4 =	vadd.f32 $8.388608000e+06, v12  }
0x93: {  	[tilespmem:v25+s20+$0x0] =	vst.idx.add.f32.msk $0xffff, v1;
	v5 =	vadd.f32 $8.388608000e+06, v36;
	v25 =	vmin.f32 v29, $3.100000000e+01;
	v12 =	vmin.f32 v33, $3.100000000e+01  }
0x94: {  	v14 =	vadd.f32 $2.350000000e+01, v14;
	v16 =	vmax.f32 v16, $1.600000000e+01;
	v11 =	vadd.f32 $8.388608000e+06, v39  }
0x95: {  	v9 =	vadd.f32 $2.350000000e+01, v9;
	v37 =	vmax.f32 v15, $1.600000000e+01;
	v15 =	vmin.f32 v22, $3.100000000e+01  }
0x96: {  	[tilespmem:v23+s20+$0x0] =	vst.idx.add.f32.msk $0xffff, v1;
	v10 =	vmin.f32 v16, $3.100000000e+01;
	v16 =	vmin.f32 v32, $3.100000000e+01;
	v14 =	vmax.f32 v14, $1.600000000e+01  }
0x97: {  	[tilespmem:v26+s20+$0x0] =	vst.idx.add.f32.msk $0xffff, v1;
	v21 =	vmin.f32 v37, $3.100000000e+01;
	v38 =	vmax.f32 v9, $1.600000000e+01;
	v9 =	vadd.f32 $8.388608000e+06, v35  }
0x98: {  	s29 =	simm.s32 $0x0;
	s30 =	simm.s32 $0x800;
	s31 =	simm.s32 $0x40;
	[tilespmem:v27+s20+$0x0] =	vst.idx.add.f32.msk $0xffff, v1;
	v22 =	vmin.f32 v14, $3.100000000e+01;
	v14 =	vmin.f32 v31, $3.100000000e+01;
	v23 =	vmin.f32 v38, $3.100000000e+01  }
.LBB2_5:
0x99: {  	s0 =	sand.u32 $0x800, s30;
	s1 =	sand.u32 $0x380, s31;
	v17 =	vadd.f32 $8.388608000e+06, v17;
	v18 =	vadd.f32 $8.388608000e+06, v18;
	v8 =	vshll.u32 v8, $0x4  }
0x9a: {  	v19 =	vadd.f32 $8.388608000e+06, v19;
	v20 =	vadd.f32 $8.388608000e+06, v20;
	v6 =	vshll.u32 v6, $0x4;
	s1 =	sor.u32 s1, s0  }
0x9b: {  	v13 =	vadd.f32 $8.388608000e+06, v13;
	v15 =	vadd.f32 $8.388608000e+06, v15;
	v2 =	vshll.u32 v2, $0x4;
	v26 =	vld [tilespmem:s1+$0x400]  }
0x9c: {  	v21 =	vadd.f32 $8.388608000e+06, v21;
	v10 =	vadd.f32 $8.388608000e+06, v10;
	v3 =	vshll.u32 v3, $0x4;
	v27 =	vld [tilespmem:s1+$0x410]  }
0x9d: {  	v22 =	vadd.f32 $8.388608000e+06, v22;
	v23 =	vadd.f32 $8.388608000e+06, v23;
	v9 =	vshll.u32 v9, $0x4;
	v28 =	vld [tilespmem:s1+$0x420]  }
0x9e: {  	v24 =	vadd.f32 $8.388608000e+06, v24;
	v25 =	vadd.f32 $8.388608000e+06, v25;
	v7 =	vshll.u32 v7, $0x4;
	v30 =	vld [tilespmem:s1+$0x430]  }
0x9f: {  	v14 =	vadd.f32 $8.388608000e+06, v14;
	v16 =	vadd.f32 $8.388608000e+06, v16;
	v4 =	vshll.u32 v4, $0x4;
	v31 =	vld [tilespmem:s1+$0x2400]  }
0xa0: {  	v12 =	vadd.f32 $8.388608000e+06, v12;
	v5 =	vshll.u32 v5, $0x4;
	v8 =	vadd.s32 v8, v11;
	v32 =	vld [tilespmem:s1+$0x2410]  }
0xa1: {  	p0 =	por !p0, !p0;
	s0 =	simm.s32 $0x1;
	v6 =	vadd.s32 v6, v17;
	v2 =	vadd.s32 v2, v18;
	v3 =	vadd.s32 v3, v19;
	v11 =	vld [tilespmem:s1+$0x2420]  }
0xa2: {  	s0 =	simm.s32 @!p0 $0x0;
	v18 =	vshll.u32 v20, $0x8;
	v13 =	vshll.u32 v13, $0x8;
	v15 =	vshll.u32 v15, $0x8;
	v17 =	vld [tilespmem:s1+$0x2430]  }
0xa3: {  	v9 =	vadd.s32 v9, v21;
	v7 =	vadd.s32 v7, v22;
	v10 =	vshll.u32 v10, $0x8;
	s0 =	sshll.u32 s0, $0xB;
	v19 =	vld [tilespmem:s1+$0x1400]  }
0xa4: {  	v21 =	vshll.u32 v25, $0x8;
	v4 =	vadd.s32 v4, v23;
	v5 =	vadd.s32 v5, v24;
	s0 =	sadd.s32 s0, s31;
	v20 =	vld [tilespmem:s1+$0x1410]  }
0xa5: {  	v14 =	vshll.u32 v14, $0x8;
	v16 =	vshll.u32 v16, $0x8;
	v12 =	vshll.u32 v12, $0x8;
	s6 =	sor.u32 $0x40, s0;
	s22 =	sor.u32 $0x50, s0;
	s7 =	sadd.s32 $0x400, s0;
	v22 =	vld [tilespmem:s1+$0x1420]  }
0xa6: {  	v8 =	vadd.s32 v18, v8;
	v6 =	vadd.s32 v13, v6;
	v2 =	vadd.s32 v15, v2;
	s23 =	sor.u32 $0x60, s0;
	s0 =	sor.u32 $0x70, s0;
	s8 =	sor.u32 $0x40, s7;
	v23 =	vld [tilespmem:s1+$0x1430]  }
0xa7: {  	v18 =	vadd.s32 v21, v9;
	v7 =	vadd.s32 v14, v7;
	v3 =	vadd.s32 v10, v3;
	s9 =	sor.u32 $0x50, s7;
	v15 =	vld [tilespmem:s8+$0x0]  }
0xa8: {  	v4 =	vadd.s32 v16, v4;
	v5 =	vadd.s32 v12, v5;
	v13 =	vadd.s32 $0x4FFEEF0, v8;
	s10 =	sor.u32 $0x60, s7;
	v10 =	vld [tilespmem:s9+$0x0]  }
0xa9: {  	v12 =	vadd.s32 $0x4FFEEF0, v6;
	v9 =	vadd.s32 $0x4FFEEF0, v2;
	v6 =	vadd.s32 $0x4FFEEF0, v3;
	s7 =	sor.u32 $0x70, s7;
	v8 =	vld [tilespmem:s10+$0x0]  }
0xaa: {  	v29 =	vadd.s32 $0x4FFEEF0, v18;
	v2 =	vmul.f32 $8.000000000e+00, v26;
	v26 =	vadd.s32 $0x4FFEEF0, v7;
	v3 =	vld [tilespmem:s7+$0x0]  }
0xab: {  	v24 =	vadd.s32 $0x4FFEEF0, v4;
	v14 =	vmul.f32 $8.000000000e+00, v27;
	v16 =	vmul.f32 $8.000000000e+00, v28;
	v7 =	vld [tilespmem:s8+$0x2000]  }
0xac: {  	v25 =	vadd.s32 $0x4FFEEF0, v5;
	v18 =	vmul.f32 $8.000000000e+00, v30;
	v21 =	vmul.f32 $8.000000000e+00, v31;
	v4 =	vld [tilespmem:s9+$0x2000]  }
0xad: {  	v27 =	vmul.f32 $8.000000000e+00, v32;
	v11 =	vmul.f32 $8.000000000e+00, v11;
	v5 =	vld [tilespmem:s10+$0x2000]  }
0xae: {  	v30 =	vadd.f32 $2.350000000e+01, v2;
	v17 =	vmul.f32 $8.000000000e+00, v17;
	v19 =	vmul.f32 $8.000000000e+00, v19;
	v28 =	vld [tilespmem:s7+$0x2000]  }
0xaf: {  	v14 =	vadd.f32 $2.350000000e+01, v14;
	v16 =	vadd.f32 $2.350000000e+01, v16;
	v20 =	vmul.f32 $8.000000000e+00, v20;
	v31 =	vld [tilespmem:s8+$0x1000]  }
0xb0: {  	v18 =	vadd.f32 $2.350000000e+01, v18;
	v21 =	vadd.f32 $2.350000000e+01, v21;
	v22 =	vmul.f32 $8.000000000e+00, v22;
	v32 =	vld [tilespmem:s9+$0x1000]  }
0xb1: {  	v27 =	vadd.f32 $2.350000000e+01, v27;
	v11 =	vadd.f32 $2.350000000e+01, v11;
	v23 =	vmul.f32 $8.000000000e+00, v23;
	v33 =	vld [tilespmem:s10+$0x1000]  }
0xb2: {  	v35 =	vmul.f32 $8.000000000e+00, v15;
	v15 =	vadd.f32 $2.350000000e+01, v17;
	v36 =	vmul.f32 $8.000000000e+00, v10;
	v34 =	vld [tilespmem:s7+$0x1000]  }
0xb3: {  	v19 =	vadd.f32 $2.350000000e+01, v19;
	v17 =	vmul.f32 $8.000000000e+00, v8;
	v37 =	vmul.f32 $8.000000000e+00, v3;
	v2 =	vld [tilespmem:s6+$0x1000]  }
0xb4: {  	v20 =	vadd.f32 $2.350000000e+01, v20;
	v38 =	vmul.f32 $8.000000000e+00, v7;
	v39 =	vmul.f32 $8.000000000e+00, v4;
	v3 =	vld [tilespmem:s22+$0x1000]  }
0xb5: {  	v22 =	vadd.f32 $2.350000000e+01, v22;
	v40 =	vmul.f32 $8.000000000e+00, v5;
	v28 =	vmul.f32 $8.000000000e+00, v28;
	v4 =	vld [tilespmem:s23+$0x1000]  }
0xb6: {  	v23 =	vadd.f32 $2.350000000e+01, v23;
	v31 =	vmul.f32 $8.000000000e+00, v31;
	v32 =	vmul.f32 $8.000000000e+00, v32;
	v5 =	vld [tilespmem:s0+$0x1000]  }
0xb7: {  	v30 =	vmax.f32 v30, $1.600000000e+01;
	v33 =	vmul.f32 $8.000000000e+00, v33;
	v7 =	vld [tilespmem:s1+$0x1000];
	v34 =	vmul.f32 $8.000000000e+00, v34  }
0xb8: {  	v41 =	vmax.f32 v14, $1.600000000e+01;
	v42 =	vmax.f32 v16, $1.600000000e+01;
	v18 =	vmax.f32 v18, $1.600000000e+01;
	v8 =	vld [tilespmem:s1+$0x1010]  }
0xb9: {  	v21 =	vmax.f32 v21, $1.600000000e+01;
	v27 =	vmax.f32 v27, $1.600000000e+01;
	v43 =	vmax.f32 v11, $1.600000000e+01;
	v10 =	vld [tilespmem:s1+$0x1020]  }
0xba: {  	v44 =	vmax.f32 v19, $1.600000000e+01;
	v45 =	vmax.f32 v20, $1.600000000e+01;
	v46 =	vmax.f32 v15, $1.600000000e+01;
	v11 =	vld [tilespmem:s1+$0x1030]  }
0xbb: {  	v47 =	vmax.f32 v22, $1.600000000e+01;
	v22 =	vmin.f32 v30, $3.100000000e+01;
	v48 =	vmax.f32 v23, $1.600000000e+01;
	v14 =	vld [tilespmem:s6+$0x0]  }
0xbc: {  	v35 =	vadd.f32 $2.350000000e+01, v35;
	v36 =	vadd.f32 $2.350000000e+01, v36;
	v23 =	vmin.f32 v41, $3.100000000e+01;
	v15 =	vld [tilespmem:s22+$0x0]  }
0xbd: {  	v30 =	vmin.f32 v42, $3.100000000e+01;
	v41 =	vadd.f32 $2.350000000e+01, v17;
	v37 =	vadd.f32 $2.350000000e+01, v37;
	v16 =	vld [tilespmem:s23+$0x0]  }
0xbe: {  	v42 =	vmin.f32 v18, $3.100000000e+01;
	v38 =	vadd.f32 $2.350000000e+01, v38;
	v39 =	vadd.f32 $2.350000000e+01, v39;
	v17 =	vld [tilespmem:s0+$0x0]  }
0xbf: {  	v40 =	vadd.f32 $2.350000000e+01, v40;
	v49 =	vadd.f32 $2.350000000e+01, v28;
	v28 =	vmin.f32 v21, $3.100000000e+01;
	v18 =	vld [tilespmem:s6+$0x2000]  }
0xc0: {  	v27 =	vmin.f32 v27, $3.100000000e+01;
	v50 =	vadd.f32 $2.350000000e+01, v31;
	v51 =	vadd.f32 $2.350000000e+01, v32;
	v19 =	vld [tilespmem:s22+$0x2000]  }
0xc1: {  	v31 =	vmin.f32 v43, $3.100000000e+01;
	v52 =	vadd.f32 $2.350000000e+01, v33;
	v34 =	vadd.f32 $2.350000000e+01, v34;
	v20 =	vld [tilespmem:s23+$0x2000]  }
0xc2: {  	v43 =	vadd.f32 $8.388608000e+06, v22;
	v32 =	vmin.f32 v46, $3.100000000e+01;
	v46 =	vadd.f32 $8.388608000e+06, v23;
	v21 =	vld [tilespmem:s0+$0x2000]  }
0xc3: {  	v42 =	vadd.f32 $8.388608000e+06, v42;
	v33 =	vmin.f32 v44, $3.100000000e+01;
	v44 =	vadd.f32 $8.388608000e+06, v30;
	v22 =	vld [tilespmem:s1+$0x0]  }
0xc4: {  	v53 =	vadd.f32 $8.388608000e+06, v27;
	v30 =	vmin.f32 v45, $3.100000000e+01;
	v45 =	vadd.f32 $8.388608000e+06, v28;
	v23 =	vld [tilespmem:s1+$0x10]  }
0xc5: {  	v47 =	vmin.f32 v47, $3.100000000e+01;
	v54 =	vadd.f32 $8.388608000e+06, v31;
	v55 =	vadd.f32 $8.388608000e+06, v32;
	v27 =	vld [tilespmem:s1+$0x20]  }
0xc6: {  	v31 =	vmin.f32 v48, $3.100000000e+01;
	v48 =	vadd.f32 $8.388608000e+06, v33;
	v56 =	vadd.f32 $8.388608000e+06, v30;
	v28 =	vld [tilespmem:s1+$0x30]  }
0xc7: {  	v35 =	vmax.f32 v35, $1.600000000e+01;
	v47 =	vadd.f32 $8.388608000e+06, v47;
	v57 =	vadd.f32 $8.388608000e+06, v31;
	v30 =	vld [tilespmem:s1+$0x2000]  }
0xc8: {  	v36 =	vmax.f32 v36, $1.600000000e+01;
	v41 =	vmax.f32 v41, $1.600000000e+01;
	v37 =	vmax.f32 v37, $1.600000000e+01;
	v31 =	vld [tilespmem:s1+$0x2010]  }
0xc9: {  	v38 =	vmax.f32 v38, $1.600000000e+01;
	v39 =	vmax.f32 v39, $1.600000000e+01;
	v40 =	vmax.f32 v40, $1.600000000e+01;
	v32 =	vld [tilespmem:s1+$0x2020]  }
0xca: {  	v49 =	vmax.f32 v49, $1.600000000e+01;
	v50 =	vmax.f32 v50, $1.600000000e+01;
	v51 =	vmax.f32 v51, $1.600000000e+01;
	v33 =	vld [tilespmem:s1+$0x2030]  }
0xcb: {  	v52 =	vmax.f32 v52, $1.600000000e+01;
	v45 =	vshll.u32 v45, $0x8;
	v34 =	vmax.f32 v34, $1.600000000e+01;
	[tilespmem:v29+s20+$0x0] =	vst.idx.add.f32.msk $0xffff, v1  }
0xcc: {  	s29 =	sadd.s32 $0x2, s29;
	v29 =	vshll.u32 v53, $0x8;
	v53 =	vshll.u32 v54, $0x8;
	v54 =	vshll.u32 v55, $0x8;
	[tilespmem:v26+s20+$0x0] =	vst.idx.add.f32.msk $0xffff, v1  }
0xcd: {  	p1 =	slt.u32 s29, $0x1E;
	v47 =	vshll.u32 v47, $0x4;
	v26 =	vshll.u32 v48, $0x4;
	v48 =	vshll.u32 v56, $0x4;
	[tilespmem:v24+s20+$0x0] =	vst.idx.add.f32.msk $0xffff, v1  }
0xce: {  	v24 =	vmin.f32 v35, $3.100000000e+01;
	v35 =	vmin.f32 v36, $3.100000000e+01;
	v36 =	vshll.u32 v57, $0x4;
	[tilespmem:v25+s20+$0x0] =	vst.idx.add.f32.msk $0xffff, v1  }
0xcf: {  	v37 =	vmin.f32 v37, $3.100000000e+01;
	v38 =	vmin.f32 v38, $3.100000000e+01;
	v25 =	vmin.f32 v41, $3.100000000e+01;
	[tilespmem:v13+s20+$0x0] =	vst.idx.add.f32.msk $0xffff, v1  }
0xd0: {  	v13 =	vmin.f32 v39, $3.100000000e+01;
	v39 =	vmin.f32 v40, $3.100000000e+01;
	v40 =	vmin.f32 v49, $3.100000000e+01;
	[tilespmem:v12+s20+$0x0] =	vst.idx.add.f32.msk $0xffff, v1  }
0xd1: {  	v41 =	vmin.f32 v51, $3.100000000e+01;
	v49 =	vmin.f32 v52, $3.100000000e+01;
	v12 =	vmin.f32 v50, $3.100000000e+01;
	[tilespmem:v9+s20+$0x0] =	vst.idx.add.f32.msk $0xffff, v1  }
0xd2: {  	v24 =	vadd.f32 $8.388608000e+06, v24;
	v9 =	vmin.f32 v34, $3.100000000e+01;
	v34 =	vadd.f32 $8.388608000e+06, v35;
	[tilespmem:v6+s20+$0x0] =	vst.idx.add.f32.msk $0xffff, v1  }
0xd3: {  	v26 =	vadd.s32 v26, v43;
	v6 =	vadd.f32 $8.388608000e+06, v25;
	v25 =	vadd.f32 $8.388608000e+06, v37  }
0xd4: {  	v13 =	vadd.f32 $8.388608000e+06, v13;
	v35 =	vadd.f32 $8.388608000e+06, v38;
	v37 =	vadd.s32 v48, v46  }
0xd5: {  	v38 =	vadd.f32 $8.388608000e+06, v39;
	v39 =	vadd.f32 $8.388608000e+06, v40;
	v40 =	vadd.s32 v47, v44  }
0xd6: {  	v36 =	vadd.s32 v36, v42;
	v41 =	vadd.f32 $8.388608000e+06, v41;
	v12 =	vadd.f32 $8.388608000e+06, v12  }
0xd7: {  	v26 =	vadd.s32 v45, v26;
	v42 =	vadd.f32 $8.388608000e+06, v49;
	v9 =	vadd.f32 $8.388608000e+06, v9  }
0xd8: {  	v36 =	vadd.s32 v54, v36;
	v29 =	vadd.s32 v29, v37;
	v37 =	vadd.s32 v53, v40  }
0xd9: {  	v26 =	vadd.s32 $0x4FFEEF0, v26;
	v29 =	vadd.s32 $0x4FFEEF0, v29;
	v37 =	vadd.s32 $0x4FFEEF0, v37  }
0xda: {  	v36 =	vadd.s32 $0x4FFEEF0, v36;
	v13 =	vshll.u32 v13, $0x8;
	v35 =	vshll.u32 v35, $0x8  }
0xdb: {  	v12 =	vshll.u32 v12, $0x4;
	v38 =	vshll.u32 v38, $0x8;
	v39 =	vshll.u32 v39, $0x8  }
0xdc: {  	v40 =	vshll.u32 v42, $0x4;
	v12 =	vadd.s32 v12, v24;
	v24 =	vshll.u32 v41, $0x4  }
0xdd: {  	v9 =	vshll.u32 v9, $0x4;
	v12 =	vadd.s32 v35, v12;
	v24 =	vadd.s32 v24, v34  }
0xde: {  	v6 =	vadd.s32 v40, v6;
	v12 =	vadd.s32 $0x4FFEEF0, v12;
	v13 =	vadd.s32 v13, v24  }
0xdf: {  	v6 =	vadd.s32 v38, v6;
	v9 =	vadd.s32 v9, v25;
	v13 =	vadd.s32 $0x4FFEEF0, v13;
	[tilespmem:v26+s20+$0x0] =	vst.idx.add.f32.msk $0xffff, v1  }
0xe0: {  	v2 =	vmul.f32 $8.000000000e+00, v2;
	v6 =	vadd.s32 $0x4FFEEF0, v6;
	v9 =	vadd.s32 v39, v9;
	[tilespmem:v29+s20+$0x0] =	vst.idx.add.f32.msk $0xffff, v1  }
0xe1: {  	v3 =	vmul.f32 $8.000000000e+00, v3;
	v4 =	vmul.f32 $8.000000000e+00, v4;
	v9 =	vadd.s32 $0x4FFEEF0, v9;
	[tilespmem:v37+s20+$0x0] =	vst.idx.add.f32.msk $0xffff, v1  }
0xe2: {  	v2 =	vadd.f32 $2.350000000e+01, v2;
	v5 =	vmul.f32 $8.000000000e+00, v5;
	v7 =	vmul.f32 $8.000000000e+00, v7;
	[tilespmem:v36+s20+$0x0] =	vst.idx.add.f32.msk $0xffff, v1  }
0xe3: {  	v3 =	vadd.f32 $2.350000000e+01, v3;
	v8 =	vmul.f32 $8.000000000e+00, v8;
	v10 =	vmul.f32 $8.000000000e+00, v10;
	[tilespmem:v12+s20+$0x0] =	vst.idx.add.f32.msk $0xffff, v1  }
0xe4: {  	v4 =	vadd.f32 $2.350000000e+01, v4;
	v11 =	vmul.f32 $8.000000000e+00, v11;
	v12 =	vmul.f32 $8.000000000e+00, v14;
	[tilespmem:v13+s20+$0x0] =	vst.idx.add.f32.msk $0xffff, v1  }
0xe5: {  	v5 =	vadd.f32 $2.350000000e+01, v5;
	v14 =	vmul.f32 $8.000000000e+00, v16;
	v13 =	vmul.f32 $8.000000000e+00, v15;
	[tilespmem:v6+s20+$0x0] =	vst.idx.add.f32.msk $0xffff, v1  }
0xe6: {  	v7 =	vadd.f32 $2.350000000e+01, v7;
	v15 =	vmul.f32 $8.000000000e+00, v18;
	v6 =	vmul.f32 $8.000000000e+00, v17;
	[tilespmem:v9+s20+$0x0] =	vst.idx.add.f32.msk $0xffff, v1  }
0xe7: {  	v8 =	vadd.f32 $2.350000000e+01, v8;
	v16 =	vmul.f32 $8.000000000e+00, v20;
	v9 =	vmul.f32 $8.000000000e+00, v19  }
0xe8: {  	v10 =	vadd.f32 $2.350000000e+01, v10;
	v18 =	vmul.f32 $8.000000000e+00, v21;
	v17 =	vmul.f32 $8.000000000e+00, v22  }
0xe9: {  	v11 =	vadd.f32 $2.350000000e+01, v11;
	v20 =	vmul.f32 $8.000000000e+00, v27;
	v19 =	vmul.f32 $8.000000000e+00, v23  }
0xea: {  	v21 =	vmul.f32 $8.000000000e+00, v28;
	v22 =	vmul.f32 $8.000000000e+00, v30;
	v12 =	vadd.f32 $2.350000000e+01, v12  }
0xeb: {  	v24 =	vmul.f32 $8.000000000e+00, v32;
	v23 =	vmul.f32 $8.000000000e+00, v31;
	v13 =	vadd.f32 $2.350000000e+01, v13  }
0xec: {  	v25 =	vmul.f32 $8.000000000e+00, v33;
	v14 =	vadd.f32 $2.350000000e+01, v14;
	v6 =	vadd.f32 $2.350000000e+01, v6  }
0xed: {  	v2 =	vmax.f32 v2, $1.600000000e+01;
	v15 =	vadd.f32 $2.350000000e+01, v15;
	v9 =	vadd.f32 $2.350000000e+01, v9  }
0xee: {  	v3 =	vmax.f32 v3, $1.600000000e+01;
	v16 =	vadd.f32 $2.350000000e+01, v16;
	v18 =	vadd.f32 $2.350000000e+01, v18  }
0xef: {  	v4 =	vmax.f32 v4, $1.600000000e+01;
	v17 =	vadd.f32 $2.350000000e+01, v17;
	v19 =	vadd.f32 $2.350000000e+01, v19  }
0xf0: {  	v5 =	vmax.f32 v5, $1.600000000e+01;
	v20 =	vadd.f32 $2.350000000e+01, v20;
	v21 =	vadd.f32 $2.350000000e+01, v21  }
0xf1: {  	v7 =	vmax.f32 v7, $1.600000000e+01;
	v22 =	vadd.f32 $2.350000000e+01, v22;
	v23 =	vadd.f32 $2.350000000e+01, v23  }
0xf2: {  	v8 =	vmax.f32 v8, $1.600000000e+01;
	v25 =	vadd.f32 $2.350000000e+01, v25;
	v24 =	vadd.f32 $2.350000000e+01, v24  }
0xf3: {  	v2 =	vmin.f32 v2, $3.100000000e+01;
	v10 =	vmax.f32 v10, $1.600000000e+01;
	v11 =	vmax.f32 v11, $1.600000000e+01  }
0xf4: {  	v3 =	vmin.f32 v3, $3.100000000e+01;
	v4 =	vmin.f32 v4, $3.100000000e+01;
	v5 =	vmin.f32 v5, $3.100000000e+01  }
0xf5: {  	v12 =	vmax.f32 v12, $1.600000000e+01;
	v14 =	vmax.f32 v14, $1.600000000e+01;
	v13 =	vmax.f32 v13, $1.600000000e+01  }
0xf6: {  	v15 =	vmax.f32 v15, $1.600000000e+01;
	v26 =	vmax.f32 v6, $1.600000000e+01;
	v9 =	vmax.f32 v9, $1.600000000e+01  }
0xf7: {  	v7 =	vmin.f32 v7, $3.100000000e+01;
	v16 =	vmax.f32 v16, $1.600000000e+01;
	v27 =	vmax.f32 v18, $1.600000000e+01  }
0xf8: {  	v11 =	vmin.f32 v11, $3.100000000e+01;
	v29 =	vmin.f32 v10, $3.100000000e+01;
	v28 =	vmin.f32 v8, $3.100000000e+01  }
0xf9: {  	v32 =	vmax.f32 v20, $1.600000000e+01;
	v30 =	vmax.f32 v17, $1.600000000e+01;
	v31 =	vmax.f32 v19, $1.600000000e+01  }
0xfa: {  	v33 =	vmax.f32 v21, $1.600000000e+01;
	v34 =	vmax.f32 v22, $1.600000000e+01;
	v35 =	vmax.f32 v23, $1.600000000e+01  }
0xfb: {  	v37 =	vmax.f32 v25, $1.600000000e+01;
	v36 =	vmax.f32 v24, $1.600000000e+01;
	v8 =	vadd.f32 $8.388608000e+06, v2  }
0xfc: {  	v2 =	vadd.f32 $8.388608000e+06, v4;
	v38 =	vmin.f32 v12, $3.100000000e+01;
	v6 =	vadd.f32 $8.388608000e+06, v3  }
0xfd: {  	v18 =	vmin.f32 v14, $3.100000000e+01;
	v17 =	vmin.f32 v13, $3.100000000e+01;
	v3 =	vadd.f32 $8.388608000e+06, v5  }
0xfe: {  	v20 =	vmin.f32 v15, $3.100000000e+01;
	v19 =	vmin.f32 v26, $3.100000000e+01;
	v13 =	vmin.f32 v9, $3.100000000e+01  }
.Ltmp1:
0xff: {  	v15 =	vmin.f32 v16, $3.100000000e+01;
	v10 =	vmin.f32 v27, $3.100000000e+01;
	v9 =	vadd.f32 $8.388608000e+06, v7;
	(pc) =	sbr.rel @p1 .LBB2_5-.Ltmp1, $4  }
0x100: {  	v4 =	vadd.f32 $8.388608000e+06, v29;
	v21 =	vmin.f32 v30, $3.100000000e+01;
	v7 =	vadd.f32 $8.388608000e+06, v28  }
0x101: {  	v5 =	vadd.f32 $8.388608000e+06, v11;
	v23 =	vmin.f32 v32, $3.100000000e+01;
	v22 =	vmin.f32 v31, $3.100000000e+01  }
0x102: {  	v24 =	vmin.f32 v33, $3.100000000e+01;
	v25 =	vmin.f32 v34, $3.100000000e+01;
	v14 =	vmin.f32 v35, $3.100000000e+01  }
0x103: {  	s30 =	sadd.s32 $0x800, s30;
	s31 =	sadd.s32 $0x40, s31;
	v12 =	vmin.f32 v37, $3.100000000e+01;
	v16 =	vmin.f32 v36, $3.100000000e+01;
	v11 =	vadd.f32 $8.388608000e+06, v38  }
0x104: {  	v17 =	vadd.f32 $8.388608000e+06, v17  }
0x105: {  	v18 =	vadd.f32 $8.388608000e+06, v18;
	v8 =	vshll.u32 v8, $0x4;
	v19 =	vadd.f32 $8.388608000e+06, v19  }
0x106: {  	v20 =	vadd.f32 $8.388608000e+06, v20;
	v6 =	vshll.u32 v6, $0x4;
	v13 =	vadd.f32 $8.388608000e+06, v13  }
0x107: {  	v15 =	vadd.f32 $8.388608000e+06, v15;
	v2 =	vshll.u32 v2, $0x4;
	v21 =	vadd.f32 $8.388608000e+06, v21  }
0x108: {  	v10 =	vadd.f32 $8.388608000e+06, v10;
	v3 =	vshll.u32 v3, $0x4;
	v22 =	vadd.f32 $8.388608000e+06, v22  }
0x109: {  	v23 =	vadd.f32 $8.388608000e+06, v23;
	v9 =	vshll.u32 v9, $0x4;
	v24 =	vadd.f32 $8.388608000e+06, v24  }
0x10a: {  	v25 =	vadd.f32 $8.388608000e+06, v25;
	v7 =	vshll.u32 v7, $0x4;
	v14 =	vadd.f32 $8.388608000e+06, v14  }
0x10b: {  	v16 =	vadd.f32 $8.388608000e+06, v16;
	v4 =	vshll.u32 v4, $0x4;
	v12 =	vadd.f32 $8.388608000e+06, v12  }
0x10c: {  	v5 =	vshll.u32 v5, $0x4;
	v8 =	vadd.s32 v8, v11;
	v6 =	vadd.s32 v6, v17  }
0x10d: {  	v2 =	vadd.s32 v2, v18;
	v3 =	vadd.s32 v3, v19;
	v9 =	vadd.s32 v9, v21  }
0x10e: {  	v7 =	vadd.s32 v7, v22;
	v11 =	vshll.u32 v25, $0x8;
	v4 =	vadd.s32 v4, v23  }
0x10f: {  	v5 =	vadd.s32 v5, v24;
	v14 =	vshll.u32 v14, $0x8;
	v9 =	vadd.s32 v11, v9  }
0x110: {  	v11 =	vshll.u32 v16, $0x8;
	v7 =	vadd.s32 v14, v7;
	v9 =	vadd.s32 $0x4FFEEF0, v9  }
0x111: {  	v12 =	vshll.u32 v12, $0x8;
	v4 =	vadd.s32 v11, v4;
	v7 =	vadd.s32 $0x4FFEEF0, v7  }
0x112: {  	v5 =	vadd.s32 v12, v5;
	v11 =	vshll.u32 v20, $0x8;
	v4 =	vadd.s32 $0x4FFEEF0, v4  }
0x113: {  	v12 =	vshll.u32 v13, $0x8;
	v5 =	vadd.s32 $0x4FFEEF0, v5;
	v8 =	vadd.s32 v11, v8  }
0x114: {  	v6 =	vadd.s32 v12, v6;
	v11 =	vshll.u32 v15, $0x8;
	v8 =	vadd.s32 $0x4FFEEF0, v8  }
0x115: {  	v10 =	vshll.u32 v10, $0x8;
	v6 =	vadd.s32 $0x4FFEEF0, v6;
	v2 =	vadd.s32 v11, v2;
	[tilespmem:v9+s20+$0x0] =	vst.idx.add.f32.msk $0xffff, v1  }
0x116: {  	v3 =	vadd.s32 v10, v3;
	v2 =	vadd.s32 $0x4FFEEF0, v2;
	[tilespmem:v7+s20+$0x0] =	vst.idx.add.f32.msk $0xffff, v1  }
0x117: {  	s29 =	sshll.u32 s28, $0x1;
	v3 =	vadd.s32 $0x4FFEEF0, v3;
	[tilespmem:v4+s20+$0x0] =	vst.idx.add.f32.msk $0xffff, v1  }
0x118: {  	s0 =	smin.u32 s29, $0x1D;
	[tilespmem:v5+s20+$0x0] =	vst.idx.add.f32.msk $0xffff, v1  }
0x119: {  	s0 =	sshll.u32 s0, $0xC;
	[tilespmem:v8+s20+$0x0] =	vst.idx.add.f32.msk $0xffff, v1  }
0x11a: {  	s0 =	sadd.s32 s0, s11;
	[tilespmem:v6+s20+$0x0] =	vst.idx.add.f32.msk $0xffff, v1  }
0x11b: {  	s1 =	sshrl.u32 s0, $0x3;
	[tilespmem:v2+s20+$0x0] =	vst.idx.add.f32.msk $0xffff, v1  }
0x11c: {  	s6 =	simm.s32 $0x0;
	s7 =	sadd.s32 $0x40000, s0;
	s1 =	sadd.s32 s2, s1;
	[tilespmem:v3+s20+$0x0] =	vst.idx.add.f32.msk $0xffff, v1  }
0x11d: {  	[tilespmem:s6], [sflag:$0x1] =	stream.linear.gather [hbm4b:s1+s6], $0x1000, $0x38;
	[tilespmem:$0x7000] =	vst v63  }
0x11e: {  	s0 =	sadd.s32 $0x80000, s0;
	s1 =	sshrl.u32 s7, $0x3  }
0x11f: {  	s0 =	sshrl.u32 s0, $0x3;
	s1 =	sadd.s32 s2, s1  }
0x120: {  	[tilespmem:s15], [sflag:$0x1] =	stream.linear.gather [hbm4b:s1+s6], $0x1000, $0x38;
	[tilespmem:$0x7000] =	vst v63  }
0x121: {  	s0 =	sadd.s32 s2, s0  }
0x122: {  	[tilespmem:s16], [sflag:$0x1] =	stream.linear.gather [hbm4b:s0+s6], $0x1000, $0x38;
	[tilespmem:$0x7000] =	vst v63  }
0x123: {  	_ =	swait.ge [sflag:s21], $0x1000  }
0x124: {  	[sflag:s21] =	ssyncset.done $0x0  }
0x125: {  	[sflag:s21] =	ssyncadd.s32 $0xFFFFF000  }
0x126: {  	_ =	swait.ge [sflag:s21], $0x1000  }
0x127: {  	[sflag:s21] =	ssyncset.done $0x0  }
0x128: {  	[sflag:s21] =	ssyncadd.s32 $0xFFFFF000  }
0x129: {  	_ =	swait.ge [sflag:s21], $0x1000  }
0x12a: {  	s8 =	sand.u32 $0x800, s6;
	s9 =	sand.u32 $0x380, s6;
	[sflag:s21] =	ssyncset.done $0x0  }
0x12b: {  	s0 =	sor.u32 s9, s8;
	[sflag:s21] =	ssyncadd.s32 $0xFFFFF000  }
0x12c: {  	v2 =	vld [tilespmem:s0+$0x3400]  }
0x12d: {  	v3 =	vld [tilespmem:s0+$0x3410]  }
0x12e: {  	v4 =	vld [tilespmem:s0+$0x3420]  }
0x12f: {  	v5 =	vld [tilespmem:s0+$0x3430]  }
0x130: {  	v6 =	vld [tilespmem:s0+$0x5400]  }
0x131: {  	v7 =	vld [tilespmem:s0+$0x5410]  }
0x132: {  	p0 =	por $0x0, $0x0;
	s1 =	simm.s32 $0x1;
	v8 =	vld [tilespmem:s0+$0x5420]  }
0x133: {  	s1 =	simm.s32 @!p0 $0x0;
	v9 =	vld [tilespmem:s0+$0x5430]  }
0x134: {  	s1 =	sshll.u32 s1, $0xB;
	v10 =	vld [tilespmem:s0+$0x4400]  }
0x135: {  	s1 =	sadd.s32 $0x0, s1;
	v11 =	vld [tilespmem:s0+$0x4410]  }
0x136: {  	s10 =	sadd.s32 $0x400, s1;
	v12 =	vld [tilespmem:s0+$0x4420]  }
0x137: {  	s7 =	sor.u32 $0x40, s10;
	v13 =	vld [tilespmem:s0+$0x4430]  }
0x138: {  	s8 =	sor.u32 $0x50, s10;
	v14 =	vld [tilespmem:s7+$0x3000]  }
0x139: {  	s9 =	sor.u32 $0x60, s10;
	v15 =	vld [tilespmem:s8+$0x3000];
	v2 =	vmul.f32 $8.000000000e+00, v2;
	v3 =	vmul.f32 $8.000000000e+00, v3  }
0x13a: {  	s6 =	sor.u32 $0x70, s10;
	v16 =	vld [tilespmem:s9+$0x3000];
	v4 =	vmul.f32 $8.000000000e+00, v4;
	v5 =	vmul.f32 $8.000000000e+00, v5  }
0x13b: {  	v17 =	vld [tilespmem:s6+$0x3000];
	v6 =	vmul.f32 $8.000000000e+00, v6;
	v7 =	vmul.f32 $8.000000000e+00, v7  }
0x13c: {  	v18 =	vld [tilespmem:s7+$0x5000];
	v8 =	vmul.f32 $8.000000000e+00, v8;
	v10 =	vmul.f32 $8.000000000e+00, v10  }
0x13d: {  	v19 =	vld [tilespmem:s8+$0x5000];
	v9 =	vmul.f32 $8.000000000e+00, v9;
	v11 =	vmul.f32 $8.000000000e+00, v11  }
0x13e: {  	v20 =	vld [tilespmem:s9+$0x5000];
	v12 =	vmul.f32 $8.000000000e+00, v12;
	v13 =	vmul.f32 $8.000000000e+00, v13  }
0x13f: {  	v21 =	vld [tilespmem:s6+$0x5000];
	v14 =	vmul.f32 $8.000000000e+00, v14;
	v15 =	vmul.f32 $8.000000000e+00, v15  }
0x140: {  	v22 =	vld [tilespmem:s7+$0x4000];
	v16 =	vmul.f32 $8.000000000e+00, v16;
	v17 =	vmul.f32 $8.000000000e+00, v17;
	v2 =	vadd.f32 $2.350000000e+01, v2  }
0x141: {  	v23 =	vld [tilespmem:s8+$0x4000];
	v18 =	vmul.f32 $8.000000000e+00, v18;
	v3 =	vadd.f32 $2.350000000e+01, v3;
	v4 =	vadd.f32 $2.350000000e+01, v4  }
0x142: {  	v24 =	vld [tilespmem:s9+$0x4000];
	v19 =	vmul.f32 $8.000000000e+00, v19;
	v5 =	vadd.f32 $2.350000000e+01, v5;
	v6 =	vadd.f32 $2.350000000e+01, v6  }
0x143: {  	s13 =	sor.u32 $0x40, s1;
	v25 =	vld [tilespmem:s6+$0x4000];
	v20 =	vmul.f32 $8.000000000e+00, v20;
	v7 =	vadd.f32 $2.350000000e+01, v7;
	v8 =	vadd.f32 $2.350000000e+01, v8  }
0x144: {  	v30 =	vld [tilespmem:s13+$0x5000];
	v21 =	vmul.f32 $8.000000000e+00, v21;
	v9 =	vadd.f32 $2.350000000e+01, v9;
	v10 =	vadd.f32 $2.350000000e+01, v10  }
0x145: {  	v31 =	vld [tilespmem:s0+$0x5010];
	v22 =	vmul.f32 $8.000000000e+00, v22;
	v11 =	vadd.f32 $2.350000000e+01, v11;
	v12 =	vadd.f32 $2.350000000e+01, v12  }
0x146: {  	v32 =	vld [tilespmem:s0+$0x5020];
	v23 =	vmul.f32 $8.000000000e+00, v23;
	v13 =	vadd.f32 $2.350000000e+01, v13;
	v14 =	vadd.f32 $2.350000000e+01, v14  }
0x147: {  	v33 =	vld [tilespmem:s0+$0x5030];
	v24 =	vmul.f32 $8.000000000e+00, v24;
	v15 =	vadd.f32 $2.350000000e+01, v15;
	v16 =	vadd.f32 $2.350000000e+01, v16  }
0x148: {  	v25 =	vmul.f32 $8.000000000e+00, v25;
	v17 =	vadd.f32 $2.350000000e+01, v17;
	v18 =	vadd.f32 $2.350000000e+01, v18  }
0x149: {  	v30 =	vmul.f32 $8.000000000e+00, v30;
	v19 =	vadd.f32 $2.350000000e+01, v19;
	v20 =	vadd.f32 $2.350000000e+01, v20  }
0x14a: {  	v31 =	vmul.f32 $8.000000000e+00, v31;
	v21 =	vadd.f32 $2.350000000e+01, v21;
	v22 =	vadd.f32 $2.350000000e+01, v22  }
0x14b: {  	v32 =	vmul.f32 $8.000000000e+00, v32;
	v23 =	vadd.f32 $2.350000000e+01, v23;
	v24 =	vadd.f32 $2.350000000e+01, v24  }
0x14c: {  	v33 =	vmul.f32 $8.000000000e+00, v33;
	v25 =	vadd.f32 $2.350000000e+01, v25;
	v30 =	vadd.f32 $2.350000000e+01, v30  }
0x14d: {  	v31 =	vadd.f32 $2.350000000e+01, v31;
	v32 =	vadd.f32 $2.350000000e+01, v32  }
0x14e: {  	v33 =	vadd.f32 $2.350000000e+01, v33;
	v2 =	vmax.f32 v2, $1.600000000e+01;
	v3 =	vmax.f32 v3, $1.600000000e+01  }
0x14f: {  	v4 =	vmax.f32 v4, $1.600000000e+01;
	v5 =	vmax.f32 v5, $1.600000000e+01;
	v6 =	vmax.f32 v6, $1.600000000e+01  }
0x150: {  	v7 =	vmax.f32 v7, $1.600000000e+01;
	v8 =	vmax.f32 v8, $1.600000000e+01;
	v10 =	vmax.f32 v10, $1.600000000e+01  }
0x151: {  	v11 =	vmax.f32 v11, $1.600000000e+01;
	v9 =	vmax.f32 v9, $1.600000000e+01;
	v12 =	vmax.f32 v12, $1.600000000e+01  }
0x152: {  	v13 =	vmax.f32 v13, $1.600000000e+01;
	v14 =	vmax.f32 v14, $1.600000000e+01;
	v15 =	vmax.f32 v15, $1.600000000e+01  }
0x153: {  	v16 =	vmax.f32 v16, $1.600000000e+01;
	v17 =	vmax.f32 v17, $1.600000000e+01;
	v18 =	vmax.f32 v18, $1.600000000e+01  }
0x154: {  	v19 =	vmax.f32 v19, $1.600000000e+01;
	v20 =	vmax.f32 v20, $1.600000000e+01;
	v22 =	vmax.f32 v22, $1.600000000e+01  }
0x155: {  	v23 =	vmax.f32 v23, $1.600000000e+01;
	v21 =	vmax.f32 v21, $1.600000000e+01;
	v24 =	vmax.f32 v24, $1.600000000e+01  }
0x156: {  	v25 =	vmax.f32 v25, $1.600000000e+01;
	v30 =	vmax.f32 v30, $1.600000000e+01;
	v31 =	vmax.f32 v31, $1.600000000e+01  }
0x157: {  	v32 =	vmax.f32 v32, $1.600000000e+01;
	v33 =	vmax.f32 v33, $1.600000000e+01;
	v2 =	vmin.f32 v2, $3.100000000e+01  }
0x158: {  	v3 =	vmin.f32 v3, $3.100000000e+01;
	v4 =	vmin.f32 v4, $3.100000000e+01;
	v5 =	vmin.f32 v5, $3.100000000e+01  }
0x159: {  	v6 =	vmin.f32 v6, $3.100000000e+01;
	v7 =	vmin.f32 v7, $3.100000000e+01;
	v8 =	vmin.f32 v8, $3.100000000e+01  }
0x15a: {  	v9 =	vmin.f32 v9, $3.100000000e+01;
	v10 =	vmin.f32 v10, $3.100000000e+01;
	v11 =	vmin.f32 v11, $3.100000000e+01  }
0x15b: {  	v12 =	vmin.f32 v12, $3.100000000e+01;
	v13 =	vmin.f32 v13, $3.100000000e+01;
	v14 =	vmin.f32 v14, $3.100000000e+01  }
0x15c: {  	v15 =	vmin.f32 v15, $3.100000000e+01;
	v2 =	vadd.f32 $8.388608000e+06, v2;
	v3 =	vadd.f32 $8.388608000e+06, v3  }
0x15d: {  	v16 =	vmin.f32 v16, $3.100000000e+01;
	v4 =	vadd.f32 $8.388608000e+06, v4;
	v5 =	vadd.f32 $8.388608000e+06, v5  }
0x15e: {  	v17 =	vmin.f32 v17, $3.100000000e+01;
	v6 =	vadd.f32 $8.388608000e+06, v6;
	v7 =	vadd.f32 $8.388608000e+06, v7  }
0x15f: {  	v18 =	vmin.f32 v18, $3.100000000e+01;
	v8 =	vadd.f32 $8.388608000e+06, v8;
	v9 =	vadd.f32 $8.388608000e+06, v9  }
0x160: {  	v19 =	vmin.f32 v19, $3.100000000e+01;
	v10 =	vadd.f32 $8.388608000e+06, v10;
	v11 =	vadd.f32 $8.388608000e+06, v11  }
0x161: {  	v20 =	vmin.f32 v20, $3.100000000e+01;
	v12 =	vadd.f32 $8.388608000e+06, v12;
	v13 =	vadd.f32 $8.388608000e+06, v13  }
0x162: {  	v21 =	vmin.f32 v21, $3.100000000e+01;
	v14 =	vadd.f32 $8.388608000e+06, v14;
	v15 =	vadd.f32 $8.388608000e+06, v15  }
0x163: {  	v22 =	vmin.f32 v22, $3.100000000e+01;
	v16 =	vadd.f32 $8.388608000e+06, v16;
	v17 =	vadd.f32 $8.388608000e+06, v17  }
0x164: {  	v23 =	vmin.f32 v23, $3.100000000e+01;
	v18 =	vadd.f32 $8.388608000e+06, v18;
	v19 =	vadd.f32 $8.388608000e+06, v19  }
0x165: {  	v24 =	vmin.f32 v24, $3.100000000e+01;
	v20 =	vadd.f32 $8.388608000e+06, v20;
	v21 =	vadd.f32 $8.388608000e+06, v21  }
0x166: {  	v25 =	vmin.f32 v25, $3.100000000e+01;
	v22 =	vadd.f32 $8.388608000e+06, v22;
	v23 =	vadd.f32 $8.388608000e+06, v23  }
0x167: {  	v24 =	vadd.f32 $8.388608000e+06, v24;
	v25 =	vadd.f32 $8.388608000e+06, v25;
	v6 =	vshll.u32 v6, $0x8  }
0x168: {  	v7 =	vshll.u32 v7, $0x8;
	v8 =	vshll.u32 v8, $0x8;
	v9 =	vshll.u32 v9, $0x8  }
0x169: {  	s22 =	sor.u32 $0x50, s1;
	v26 =	vld [tilespmem:s13+$0x4000];
	v10 =	vshll.u32 v10, $0x4;
	v11 =	vshll.u32 v11, $0x4;
	v12 =	vshll.u32 v12, $0x4  }
0x16a: {  	s23 =	sor.u32 $0x60, s1;
	v27 =	vld [tilespmem:s22+$0x4000];
	v13 =	vshll.u32 v13, $0x4;
	v22 =	vshll.u32 v22, $0x4;
	v20 =	vshll.u32 v20, $0x8  }
0x16b: {  	s1 =	sor.u32 $0x70, s1;
	v28 =	vld [tilespmem:s23+$0x4000];
	v21 =	vshll.u32 v21, $0x8;
	v2 =	vadd.s32 v10, v2;
	v3 =	vadd.s32 v11, v3  }
0x16c: {  	v29 =	vld [tilespmem:s1+$0x4000];
	v4 =	vadd.s32 v12, v4;
	v5 =	vadd.s32 v13, v5;
	v14 =	vadd.s32 v22, v14  }
0x16d: {  	v62 =	vld [tilespmem:s0+$0x3030];
	v22 =	vshll.u32 v23, $0x4;
	v23 =	vshll.u32 v24, $0x4;
	v2 =	vadd.s32 v6, v2  }
0x16e: {  	v63 =	vld [tilespmem:s0+$0x5000];
	v3 =	vadd.s32 v7, v3;
	v4 =	vadd.s32 v8, v4;
	v5 =	vadd.s32 v9, v5  }
0x16f: {  	v10 =	vld [tilespmem:s0+$0x4000];
	v9 =	vshll.u32 v18, $0x8;
	v18 =	vshll.u32 v19, $0x8;
	v2 =	vadd.s32 $0x4FFEEF0, v2  }
0x170: {  	v11 =	vld [tilespmem:s0+$0x4010];
	v3 =	vadd.s32 $0x4FFEEF0, v3;
	v4 =	vadd.s32 $0x4FFEEF0, v4;
	v5 =	vadd.s32 $0x4FFEEF0, v5  }
0x171: {  	v12 =	vld [tilespmem:s0+$0x4020];
	v9 =	vadd.s32 v9, v14;
	v14 =	vadd.s32 v22, v15;
	v15 =	vshll.u32 v25, $0x4  }
0x172: {  	v13 =	vld [tilespmem:s0+$0x4030];
	v25 =	vadd.s32 $0x4FFEEF0, v9;
	v9 =	vadd.s32 v18, v14;
	v14 =	vadd.s32 v23, v16  }
0x173: {  	v24 =	vld [tilespmem:s22+$0x5000];
	v18 =	vmul.f32 $8.000000000e+00, v27;
	v23 =	vadd.s32 $0x4FFEEF0, v9;
	v9 =	vadd.s32 v20, v14  }
0x174: {  	v6 =	vld [tilespmem:s13+$0x3000];
	v14 =	vadd.s32 v15, v17;
	v17 =	vmul.f32 $8.000000000e+00, v26;
	v20 =	vmul.f32 $8.000000000e+00, v28  }
0x175: {  	v7 =	vld [tilespmem:s22+$0x3000];
	v28 =	vmul.f32 $8.000000000e+00, v62;
	v26 =	vadd.s32 $0x4FFEEF0, v9;
	v10 =	vmul.f32 $8.000000000e+00, v10  }
0x176: {  	v8 =	vld [tilespmem:s23+$0x3000];
	v9 =	vadd.s32 v21, v14;
	v21 =	vmul.f32 $8.000000000e+00, v29;
	v11 =	vmul.f32 $8.000000000e+00, v11  }
0x177: {  	v19 =	vld [tilespmem:s1+$0x3000];
	v12 =	vmul.f32 $8.000000000e+00, v12;
	v18 =	vadd.f32 $2.350000000e+01, v18;
	v13 =	vmul.f32 $8.000000000e+00, v13  }
0x178: {  	v22 =	vld [tilespmem:s23+$0x5000];
	v24 =	vmul.f32 $8.000000000e+00, v24;
	v29 =	vmul.f32 $8.000000000e+00, v63;
	v27 =	vadd.s32 $0x4FFEEF0, v9  }
0x179: {  	v17 =	vadd.f32 $2.350000000e+01, v17;
	v6 =	vmul.f32 $8.000000000e+00, v6;
	v20 =	vadd.f32 $2.350000000e+01, v20  }
0x17a: {  	v16 =	vld [tilespmem:s1+$0x5000];
	v7 =	vmul.f32 $8.000000000e+00, v7;
	v28 =	vadd.f32 $2.350000000e+01, v28;
	v21 =	vadd.f32 $2.350000000e+01, v21  }
0x17b: {  	v8 =	vmul.f32 $8.000000000e+00, v8;
	v10 =	vadd.f32 $2.350000000e+01, v10;
	v11 =	vadd.f32 $2.350000000e+01, v11  }
0x17c: {  	v15 =	vld [tilespmem:s0+$0x3000];
	v19 =	vmul.f32 $8.000000000e+00, v19;
	v12 =	vadd.f32 $2.350000000e+01, v12;
	v13 =	vadd.f32 $2.350000000e+01, v13  }
0x17d: {  	v22 =	vmul.f32 $8.000000000e+00, v22;
	v24 =	vadd.f32 $2.350000000e+01, v24;
	v29 =	vadd.f32 $2.350000000e+01, v29  }
0x17e: {  	v18 =	vmax.f32 v18, $1.600000000e+01;
	v6 =	vadd.f32 $2.350000000e+01, v6;
	v7 =	vadd.f32 $2.350000000e+01, v7  }
0x17f: {  	v16 =	vmul.f32 $8.000000000e+00, v16;
	v8 =	vadd.f32 $2.350000000e+01, v8;
	v19 =	vadd.f32 $2.350000000e+01, v19  }
0x180: {  	v14 =	vld [tilespmem:s0+$0x3010];
	v17 =	vmax.f32 v17, $1.600000000e+01;
	v20 =	vmax.f32 v20, $1.600000000e+01;
	v18 =	vmin.f32 v18, $3.100000000e+01  }
0x181: {  	v28 =	vmax.f32 v28, $1.600000000e+01;
	v15 =	vmul.f32 $8.000000000e+00, v15;
	v22 =	vadd.f32 $2.350000000e+01, v22  }
0x182: {  	v21 =	vmax.f32 v21, $1.600000000e+01;
	v10 =	vmax.f32 v10, $1.600000000e+01;
	v11 =	vmax.f32 v11, $1.600000000e+01  }
0x183: {  	v12 =	vmax.f32 v12, $1.600000000e+01;
	v13 =	vmax.f32 v13, $1.600000000e+01;
	v17 =	vmin.f32 v17, $3.100000000e+01  }
0x184: {  	v20 =	vmin.f32 v20, $3.100000000e+01;
	v24 =	vmax.f32 v24, $1.600000000e+01;
	v29 =	vmax.f32 v29, $1.600000000e+01  }
0x185: {  	v9 =	vld [tilespmem:s0+$0x3020];
	v14 =	vmul.f32 $8.000000000e+00, v14;
	v16 =	vadd.f32 $2.350000000e+01, v16;
	v21 =	vmin.f32 v21, $3.100000000e+01  }
0x186: {  	v6 =	vmax.f32 v6, $1.600000000e+01;
	v7 =	vmax.f32 v7, $1.600000000e+01;
	v34 =	vmax.f32 v8, $1.600000000e+01  }
0x187: {  	v19 =	vmax.f32 v19, $1.600000000e+01;
	v35 =	vmin.f32 v10, $3.100000000e+01;
	v11 =	vmin.f32 v11, $3.100000000e+01  }
0x188: {  	v12 =	vmin.f32 v12, $3.100000000e+01;
	v36 =	vmin.f32 v13, $3.100000000e+01;
	v8 =	vadd.f32 $8.388608000e+06, v17  }
0x189: {  	[tilespmem:v2+s20+$0x0] =	vst.idx.add.f32.msk $0xffff, v1;
	v2 =	vadd.f32 $8.388608000e+06, v20;
	v20 =	vmin.f32 v30, $3.100000000e+01;
	v13 =	vmin.f32 v24, $3.100000000e+01  }
0x18a: {  	v24 =	vmin.f32 v28, $3.100000000e+01;
	v9 =	vmul.f32 $8.000000000e+00, v9;
	v15 =	vadd.f32 $2.350000000e+01, v15  }
0x18b: {  	[tilespmem:v3+s20+$0x0] =	vst.idx.add.f32.msk $0xffff, v1;
	v22 =	vmax.f32 v22, $1.600000000e+01;
	v39 =	vmin.f32 v6, $3.100000000e+01;
	v6 =	vadd.f32 $8.388608000e+06, v18  }
0x18c: {  	[tilespmem:v4+s20+$0x0] =	vst.idx.add.f32.msk $0xffff, v1;
	v17 =	vmin.f32 v7, $3.100000000e+01;
	v18 =	vmin.f32 v34, $3.100000000e+01;
	v3 =	vadd.f32 $8.388608000e+06, v21  }
0x18d: {  	[tilespmem:v5+s20+$0x0] =	vst.idx.add.f32.msk $0xffff, v1;
	v19 =	vmin.f32 v19, $3.100000000e+01;
	v7 =	vadd.f32 $8.388608000e+06, v11;
	v4 =	vadd.f32 $8.388608000e+06, v12  }
0x18e: {  	[tilespmem:v25+s20+$0x0] =	vst.idx.add.f32.msk $0xffff, v1;
	v5 =	vadd.f32 $8.388608000e+06, v36;
	v25 =	vmin.f32 v29, $3.100000000e+01;
	v12 =	vmin.f32 v33, $3.100000000e+01  }
0x18f: {  	v14 =	vadd.f32 $2.350000000e+01, v14;
	v16 =	vmax.f32 v16, $1.600000000e+01;
	v11 =	vadd.f32 $8.388608000e+06, v39  }
0x190: {  	v9 =	vadd.f32 $2.350000000e+01, v9;
	v37 =	vmax.f32 v15, $1.600000000e+01;
	v15 =	vmin.f32 v22, $3.100000000e+01  }
0x191: {  	[tilespmem:v23+s20+$0x0] =	vst.idx.add.f32.msk $0xffff, v1;
	v10 =	vmin.f32 v16, $3.100000000e+01;
	v16 =	vmin.f32 v32, $3.100000000e+01;
	v14 =	vmax.f32 v14, $1.600000000e+01  }
0x192: {  	[tilespmem:v26+s20+$0x0] =	vst.idx.add.f32.msk $0xffff, v1;
	v21 =	vmin.f32 v37, $3.100000000e+01;
	v38 =	vmax.f32 v9, $1.600000000e+01;
	v9 =	vadd.f32 $8.388608000e+06, v35  }
0x193: {  	s30 =	simm.s32 $0x0;
	s31 =	simm.s32 $0x800;
	s1 =	simm.s32 $0x40;
	[tilespmem:v27+s20+$0x0] =	vst.idx.add.f32.msk $0xffff, v1;
	v22 =	vmin.f32 v14, $3.100000000e+01;
	v14 =	vmin.f32 v31, $3.100000000e+01;
	v23 =	vmin.f32 v38, $3.100000000e+01  }
.LBB2_7:
0x194: {  	s0 =	sand.u32 $0x800, s31;
	s6 =	sand.u32 $0x380, s1;
	v17 =	vadd.f32 $8.388608000e+06, v17;
	v18 =	vadd.f32 $8.388608000e+06, v18;
	v8 =	vshll.u32 v8, $0x4  }
0x195: {  	v19 =	vadd.f32 $8.388608000e+06, v19;
	v20 =	vadd.f32 $8.388608000e+06, v20;
	v6 =	vshll.u32 v6, $0x4;
	s0 =	sor.u32 s6, s0  }
0x196: {  	v13 =	vadd.f32 $8.388608000e+06, v13;
	v15 =	vadd.f32 $8.388608000e+06, v15;
	v2 =	vshll.u32 v2, $0x4;
	v26 =	vld [tilespmem:s0+$0x3400]  }
0x197: {  	v21 =	vadd.f32 $8.388608000e+06, v21;
	v10 =	vadd.f32 $8.388608000e+06, v10;
	v3 =	vshll.u32 v3, $0x4;
	v27 =	vld [tilespmem:s0+$0x3410]  }
0x198: {  	v22 =	vadd.f32 $8.388608000e+06, v22;
	v23 =	vadd.f32 $8.388608000e+06, v23;
	v9 =	vshll.u32 v9, $0x4;
	v28 =	vld [tilespmem:s0+$0x3420]  }
0x199: {  	v24 =	vadd.f32 $8.388608000e+06, v24;
	v25 =	vadd.f32 $8.388608000e+06, v25;
	v7 =	vshll.u32 v7, $0x4;
	v30 =	vld [tilespmem:s0+$0x3430]  }
0x19a: {  	v14 =	vadd.f32 $8.388608000e+06, v14;
	v16 =	vadd.f32 $8.388608000e+06, v16;
	v4 =	vshll.u32 v4, $0x4;
	v31 =	vld [tilespmem:s0+$0x5400]  }
0x19b: {  	v12 =	vadd.f32 $8.388608000e+06, v12;
	v5 =	vshll.u32 v5, $0x4;
	v8 =	vadd.s32 v8, v11;
	v32 =	vld [tilespmem:s0+$0x5410]  }
0x19c: {  	p0 =	por !p0, !p0;
	s6 =	simm.s32 $0x1;
	v6 =	vadd.s32 v6, v17;
	v2 =	vadd.s32 v2, v18;
	v3 =	vadd.s32 v3, v19;
	v11 =	vld [tilespmem:s0+$0x5420]  }
0x19d: {  	s6 =	simm.s32 @!p0 $0x0;
	v18 =	vshll.u32 v20, $0x8;
	v13 =	vshll.u32 v13, $0x8;
	v15 =	vshll.u32 v15, $0x8;
	v17 =	vld [tilespmem:s0+$0x5430]  }
0x19e: {  	v9 =	vadd.s32 v9, v21;
	v7 =	vadd.s32 v7, v22;
	v10 =	vshll.u32 v10, $0x8;
	s6 =	sshll.u32 s6, $0xB;
	v19 =	vld [tilespmem:s0+$0x4400]  }
0x19f: {  	v21 =	vshll.u32 v25, $0x8;
	v4 =	vadd.s32 v4, v23;
	v5 =	vadd.s32 v5, v24;
	s8 =	sadd.s32 s6, s1;
	v20 =	vld [tilespmem:s0+$0x4410]  }
0x1a0: {  	v14 =	vshll.u32 v14, $0x8;
	v16 =	vshll.u32 v16, $0x8;
	v12 =	vshll.u32 v12, $0x8;
	s7 =	sor.u32 $0x40, s8;
	s23 =	sor.u32 $0x50, s8;
	s9 =	sadd.s32 $0x400, s8;
	v22 =	vld [tilespmem:s0+$0x4420]  }
0x1a1: {  	v8 =	vadd.s32 v18, v8;
	v6 =	vadd.s32 v13, v6;
	v2 =	vadd.s32 v15, v2;
	s6 =	sor.u32 $0x60, s8;
	s22 =	sor.u32 $0x70, s8;
	s8 =	sor.u32 $0x40, s9;
	v23 =	vld [tilespmem:s0+$0x4430]  }
0x1a2: {  	v18 =	vadd.s32 v21, v9;
	v7 =	vadd.s32 v14, v7;
	v3 =	vadd.s32 v10, v3;
	s10 =	sor.u32 $0x50, s9;
	v15 =	vld [tilespmem:s8+$0x3000]  }
0x1a3: {  	v4 =	vadd.s32 v16, v4;
	v5 =	vadd.s32 v12, v5;
	v13 =	vadd.s32 $0x4FFEEF0, v8;
	s13 =	sor.u32 $0x60, s9;
	v10 =	vld [tilespmem:s10+$0x3000]  }
0x1a4: {  	v12 =	vadd.s32 $0x4FFEEF0, v6;
	v9 =	vadd.s32 $0x4FFEEF0, v2;
	v6 =	vadd.s32 $0x4FFEEF0, v3;
	s9 =	sor.u32 $0x70, s9;
	v8 =	vld [tilespmem:s13+$0x3000]  }
0x1a5: {  	v29 =	vadd.s32 $0x4FFEEF0, v18;
	v2 =	vmul.f32 $8.000000000e+00, v26;
	v26 =	vadd.s32 $0x4FFEEF0, v7;
	v3 =	vld [tilespmem:s9+$0x3000]  }
0x1a6: {  	v24 =	vadd.s32 $0x4FFEEF0, v4;
	v14 =	vmul.f32 $8.000000000e+00, v27;
	v16 =	vmul.f32 $8.000000000e+00, v28;
	v7 =	vld [tilespmem:s8+$0x5000]  }
0x1a7: {  	v25 =	vadd.s32 $0x4FFEEF0, v5;
	v18 =	vmul.f32 $8.000000000e+00, v30;
	v21 =	vmul.f32 $8.000000000e+00, v31;
	v4 =	vld [tilespmem:s10+$0x5000]  }
0x1a8: {  	v27 =	vmul.f32 $8.000000000e+00, v32;
	v11 =	vmul.f32 $8.000000000e+00, v11;
	v5 =	vld [tilespmem:s13+$0x5000]  }
0x1a9: {  	v30 =	vadd.f32 $2.350000000e+01, v2;
	v17 =	vmul.f32 $8.000000000e+00, v17;
	v19 =	vmul.f32 $8.000000000e+00, v19;
	v28 =	vld [tilespmem:s9+$0x5000]  }
0x1aa: {  	v14 =	vadd.f32 $2.350000000e+01, v14;
	v16 =	vadd.f32 $2.350000000e+01, v16;
	v20 =	vmul.f32 $8.000000000e+00, v20;
	v31 =	vld [tilespmem:s8+$0x4000]  }
0x1ab: {  	v18 =	vadd.f32 $2.350000000e+01, v18;
	v21 =	vadd.f32 $2.350000000e+01, v21;
	v22 =	vmul.f32 $8.000000000e+00, v22;
	v32 =	vld [tilespmem:s10+$0x4000]  }
0x1ac: {  	v27 =	vadd.f32 $2.350000000e+01, v27;
	v11 =	vadd.f32 $2.350000000e+01, v11;
	v23 =	vmul.f32 $8.000000000e+00, v23;
	v33 =	vld [tilespmem:s13+$0x4000]  }
0x1ad: {  	v35 =	vmul.f32 $8.000000000e+00, v15;
	v15 =	vadd.f32 $2.350000000e+01, v17;
	v36 =	vmul.f32 $8.000000000e+00, v10;
	v34 =	vld [tilespmem:s9+$0x4000]  }
0x1ae: {  	v19 =	vadd.f32 $2.350000000e+01, v19;
	v17 =	vmul.f32 $8.000000000e+00, v8;
	v37 =	vmul.f32 $8.000000000e+00, v3;
	v2 =	vld [tilespmem:s7+$0x4000]  }
0x1af: {  	v20 =	vadd.f32 $2.350000000e+01, v20;
	v38 =	vmul.f32 $8.000000000e+00, v7;
	v39 =	vmul.f32 $8.000000000e+00, v4;
	v3 =	vld [tilespmem:s23+$0x4000]  }
0x1b0: {  	v22 =	vadd.f32 $2.350000000e+01, v22;
	v40 =	vmul.f32 $8.000000000e+00, v5;
	v28 =	vmul.f32 $8.000000000e+00, v28;
	v4 =	vld [tilespmem:s6+$0x4000]  }
0x1b1: {  	v23 =	vadd.f32 $2.350000000e+01, v23;
	v31 =	vmul.f32 $8.000000000e+00, v31;
	v32 =	vmul.f32 $8.000000000e+00, v32;
	v5 =	vld [tilespmem:s22+$0x4000]  }
0x1b2: {  	v30 =	vmax.f32 v30, $1.600000000e+01;
	v33 =	vmul.f32 $8.000000000e+00, v33;
	v7 =	vld [tilespmem:s0+$0x4000];
	v34 =	vmul.f32 $8.000000000e+00, v34  }
0x1b3: {  	v41 =	vmax.f32 v14, $1.600000000e+01;
	v42 =	vmax.f32 v16, $1.600000000e+01;
	v18 =	vmax.f32 v18, $1.600000000e+01;
	v8 =	vld [tilespmem:s0+$0x4010]  }
0x1b4: {  	v21 =	vmax.f32 v21, $1.600000000e+01;
	v27 =	vmax.f32 v27, $1.600000000e+01;
	v43 =	vmax.f32 v11, $1.600000000e+01;
	v10 =	vld [tilespmem:s0+$0x4020]  }
0x1b5: {  	v44 =	vmax.f32 v19, $1.600000000e+01;
	v45 =	vmax.f32 v20, $1.600000000e+01;
	v46 =	vmax.f32 v15, $1.600000000e+01;
	v11 =	vld [tilespmem:s0+$0x4030]  }
0x1b6: {  	v47 =	vmax.f32 v22, $1.600000000e+01;
	v22 =	vmin.f32 v30, $3.100000000e+01;
	v48 =	vmax.f32 v23, $1.600000000e+01;
	v14 =	vld [tilespmem:s7+$0x3000]  }
0x1b7: {  	v35 =	vadd.f32 $2.350000000e+01, v35;
	v36 =	vadd.f32 $2.350000000e+01, v36;
	v23 =	vmin.f32 v41, $3.100000000e+01;
	v15 =	vld [tilespmem:s23+$0x3000]  }
0x1b8: {  	v30 =	vmin.f32 v42, $3.100000000e+01;
	v41 =	vadd.f32 $2.350000000e+01, v17;
	v37 =	vadd.f32 $2.350000000e+01, v37;
	v16 =	vld [tilespmem:s6+$0x3000]  }
0x1b9: {  	v42 =	vmin.f32 v18, $3.100000000e+01;
	v38 =	vadd.f32 $2.350000000e+01, v38;
	v39 =	vadd.f32 $2.350000000e+01, v39;
	v17 =	vld [tilespmem:s22+$0x3000]  }
0x1ba: {  	v40 =	vadd.f32 $2.350000000e+01, v40;
	v49 =	vadd.f32 $2.350000000e+01, v28;
	v28 =	vmin.f32 v21, $3.100000000e+01;
	v18 =	vld [tilespmem:s7+$0x5000]  }
0x1bb: {  	v27 =	vmin.f32 v27, $3.100000000e+01;
	v50 =	vadd.f32 $2.350000000e+01, v31;
	v51 =	vadd.f32 $2.350000000e+01, v32;
	v19 =	vld [tilespmem:s23+$0x5000]  }
0x1bc: {  	v31 =	vmin.f32 v43, $3.100000000e+01;
	v52 =	vadd.f32 $2.350000000e+01, v33;
	v34 =	vadd.f32 $2.350000000e+01, v34;
	v20 =	vld [tilespmem:s6+$0x5000]  }
0x1bd: {  	v43 =	vadd.f32 $8.388608000e+06, v22;
	v32 =	vmin.f32 v46, $3.100000000e+01;
	v46 =	vadd.f32 $8.388608000e+06, v23;
	v21 =	vld [tilespmem:s22+$0x5000]  }
0x1be: {  	v42 =	vadd.f32 $8.388608000e+06, v42;
	v33 =	vmin.f32 v44, $3.100000000e+01;
	v44 =	vadd.f32 $8.388608000e+06, v30;
	v22 =	vld [tilespmem:s0+$0x3000]  }
0x1bf: {  	v53 =	vadd.f32 $8.388608000e+06, v27;
	v30 =	vmin.f32 v45, $3.100000000e+01;
	v45 =	vadd.f32 $8.388608000e+06, v28;
	v23 =	vld [tilespmem:s0+$0x3010]  }
0x1c0: {  	v47 =	vmin.f32 v47, $3.100000000e+01;
	v54 =	vadd.f32 $8.388608000e+06, v31;
	v55 =	vadd.f32 $8.388608000e+06, v32;
	v27 =	vld [tilespmem:s0+$0x3020]  }
0x1c1: {  	v31 =	vmin.f32 v48, $3.100000000e+01;
	v48 =	vadd.f32 $8.388608000e+06, v33;
	v56 =	vadd.f32 $8.388608000e+06, v30;
	v28 =	vld [tilespmem:s0+$0x3030]  }
0x1c2: {  	v35 =	vmax.f32 v35, $1.600000000e+01;
	v47 =	vadd.f32 $8.388608000e+06, v47;
	v57 =	vadd.f32 $8.388608000e+06, v31;
	v30 =	vld [tilespmem:s0+$0x5000]  }
0x1c3: {  	v36 =	vmax.f32 v36, $1.600000000e+01;
	v41 =	vmax.f32 v41, $1.600000000e+01;
	v37 =	vmax.f32 v37, $1.600000000e+01;
	v31 =	vld [tilespmem:s0+$0x5010]  }
0x1c4: {  	v38 =	vmax.f32 v38, $1.600000000e+01;
	v39 =	vmax.f32 v39, $1.600000000e+01;
	v40 =	vmax.f32 v40, $1.600000000e+01;
	v32 =	vld [tilespmem:s0+$0x5020]  }
0x1c5: {  	v49 =	vmax.f32 v49, $1.600000000e+01;
	v50 =	vmax.f32 v50, $1.600000000e+01;
	v51 =	vmax.f32 v51, $1.600000000e+01;
	v33 =	vld [tilespmem:s0+$0x5030]  }
0x1c6: {  	v52 =	vmax.f32 v52, $1.600000000e+01;
	v45 =	vshll.u32 v45, $0x8;
	v34 =	vmax.f32 v34, $1.600000000e+01;
	[tilespmem:v29+s20+$0x0] =	vst.idx.add.f32.msk $0xffff, v1  }
0x1c7: {  	s30 =	sadd.s32 $0x2, s30;
	v29 =	vshll.u32 v53, $0x8;
	v53 =	vshll.u32 v54, $0x8;
	v54 =	vshll.u32 v55, $0x8;
	[tilespmem:v26+s20+$0x0] =	vst.idx.add.f32.msk $0xffff, v1  }
0x1c8: {  	p1 =	slt.u32 s30, $0x1E;
	v47 =	vshll.u32 v47, $0x4;
	v26 =	vshll.u32 v48, $0x4;
	v48 =	vshll.u32 v56, $0x4;
	[tilespmem:v24+s20+$0x0] =	vst.idx.add.f32.msk $0xffff, v1  }
0x1c9: {  	v24 =	vmin.f32 v35, $3.100000000e+01;
	v35 =	vmin.f32 v36, $3.100000000e+01;
	v36 =	vshll.u32 v57, $0x4;
	[tilespmem:v25+s20+$0x0] =	vst.idx.add.f32.msk $0xffff, v1  }
0x1ca: {  	v37 =	vmin.f32 v37, $3.100000000e+01;
	v38 =	vmin.f32 v38, $3.100000000e+01;
	v25 =	vmin.f32 v41, $3.100000000e+01;
	[tilespmem:v13+s20+$0x0] =	vst.idx.add.f32.msk $0xffff, v1  }
0x1cb: {  	v13 =	vmin.f32 v39, $3.100000000e+01;
	v39 =	vmin.f32 v40, $3.100000000e+01;
	v40 =	vmin.f32 v49, $3.100000000e+01;
	[tilespmem:v12+s20+$0x0] =	vst.idx.add.f32.msk $0xffff, v1  }
0x1cc: {  	v41 =	vmin.f32 v51, $3.100000000e+01;
	v49 =	vmin.f32 v52, $3.100000000e+01;
	v12 =	vmin.f32 v50, $3.100000000e+01;
	[tilespmem:v9+s20+$0x0] =	vst.idx.add.f32.msk $0xffff, v1  }
0x1cd: {  	v24 =	vadd.f32 $8.388608000e+06, v24;
	v9 =	vmin.f32 v34, $3.100000000e+01;
	v34 =	vadd.f32 $8.388608000e+06, v35;
	[tilespmem:v6+s20+$0x0] =	vst.idx.add.f32.msk $0xffff, v1  }
0x1ce: {  	v26 =	vadd.s32 v26, v43;
	v6 =	vadd.f32 $8.388608000e+06, v25;
	v25 =	vadd.f32 $8.388608000e+06, v37  }
0x1cf: {  	v13 =	vadd.f32 $8.388608000e+06, v13;
	v35 =	vadd.f32 $8.388608000e+06, v38;
	v37 =	vadd.s32 v48, v46  }
0x1d0: {  	v38 =	vadd.f32 $8.388608000e+06, v39;
	v39 =	vadd.f32 $8.388608000e+06, v40;
	v40 =	vadd.s32 v47, v44  }
0x1d1: {  	v36 =	vadd.s32 v36, v42;
	v41 =	vadd.f32 $8.388608000e+06, v41;
	v12 =	vadd.f32 $8.388608000e+06, v12  }
0x1d2: {  	v26 =	vadd.s32 v45, v26;
	v42 =	vadd.f32 $8.388608000e+06, v49;
	v9 =	vadd.f32 $8.388608000e+06, v9  }
0x1d3: {  	v36 =	vadd.s32 v54, v36;
	v29 =	vadd.s32 v29, v37;
	v37 =	vadd.s32 v53, v40  }
0x1d4: {  	v26 =	vadd.s32 $0x4FFEEF0, v26;
	v29 =	vadd.s32 $0x4FFEEF0, v29;
	v37 =	vadd.s32 $0x4FFEEF0, v37  }
0x1d5: {  	v36 =	vadd.s32 $0x4FFEEF0, v36;
	v13 =	vshll.u32 v13, $0x8;
	v35 =	vshll.u32 v35, $0x8  }
0x1d6: {  	v12 =	vshll.u32 v12, $0x4;
	v38 =	vshll.u32 v38, $0x8;
	v39 =	vshll.u32 v39, $0x8  }
0x1d7: {  	v40 =	vshll.u32 v42, $0x4;
	v12 =	vadd.s32 v12, v24;
	v24 =	vshll.u32 v41, $0x4  }
0x1d8: {  	v9 =	vshll.u32 v9, $0x4;
	v12 =	vadd.s32 v35, v12;
	v24 =	vadd.s32 v24, v34  }
0x1d9: {  	v6 =	vadd.s32 v40, v6;
	v12 =	vadd.s32 $0x4FFEEF0, v12;
	v13 =	vadd.s32 v13, v24  }
0x1da: {  	v6 =	vadd.s32 v38, v6;
	v9 =	vadd.s32 v9, v25;
	v13 =	vadd.s32 $0x4FFEEF0, v13;
	[tilespmem:v26+s20+$0x0] =	vst.idx.add.f32.msk $0xffff, v1  }
0x1db: {  	v2 =	vmul.f32 $8.000000000e+00, v2;
	v6 =	vadd.s32 $0x4FFEEF0, v6;
	v9 =	vadd.s32 v39, v9;
	[tilespmem:v29+s20+$0x0] =	vst.idx.add.f32.msk $0xffff, v1  }
0x1dc: {  	v3 =	vmul.f32 $8.000000000e+00, v3;
	v4 =	vmul.f32 $8.000000000e+00, v4;
	v9 =	vadd.s32 $0x4FFEEF0, v9;
	[tilespmem:v37+s20+$0x0] =	vst.idx.add.f32.msk $0xffff, v1  }
0x1dd: {  	v2 =	vadd.f32 $2.350000000e+01, v2;
	v5 =	vmul.f32 $8.000000000e+00, v5;
	v7 =	vmul.f32 $8.000000000e+00, v7;
	[tilespmem:v36+s20+$0x0] =	vst.idx.add.f32.msk $0xffff, v1  }
0x1de: {  	v3 =	vadd.f32 $2.350000000e+01, v3;
	v8 =	vmul.f32 $8.000000000e+00, v8;
	v10 =	vmul.f32 $8.000000000e+00, v10;
	[tilespmem:v12+s20+$0x0] =	vst.idx.add.f32.msk $0xffff, v1  }
0x1df: {  	v4 =	vadd.f32 $2.350000000e+01, v4;
	v11 =	vmul.f32 $8.000000000e+00, v11;
	v12 =	vmul.f32 $8.000000000e+00, v14;
	[tilespmem:v13+s20+$0x0] =	vst.idx.add.f32.msk $0xffff, v1  }
0x1e0: {  	v5 =	vadd.f32 $2.350000000e+01, v5;
	v14 =	vmul.f32 $8.000000000e+00, v16;
	v13 =	vmul.f32 $8.000000000e+00, v15;
	[tilespmem:v6+s20+$0x0] =	vst.idx.add.f32.msk $0xffff, v1  }
0x1e1: {  	v7 =	vadd.f32 $2.350000000e+01, v7;
	v15 =	vmul.f32 $8.000000000e+00, v18;
	v6 =	vmul.f32 $8.000000000e+00, v17;
	[tilespmem:v9+s20+$0x0] =	vst.idx.add.f32.msk $0xffff, v1  }
0x1e2: {  	v8 =	vadd.f32 $2.350000000e+01, v8;
	v16 =	vmul.f32 $8.000000000e+00, v20;
	v9 =	vmul.f32 $8.000000000e+00, v19  }
0x1e3: {  	v10 =	vadd.f32 $2.350000000e+01, v10;
	v18 =	vmul.f32 $8.000000000e+00, v21;
	v17 =	vmul.f32 $8.000000000e+00, v22  }
0x1e4: {  	v11 =	vadd.f32 $2.350000000e+01, v11;
	v20 =	vmul.f32 $8.000000000e+00, v27;
	v19 =	vmul.f32 $8.000000000e+00, v23  }
0x1e5: {  	v21 =	vmul.f32 $8.000000000e+00, v28;
	v22 =	vmul.f32 $8.000000000e+00, v30;
	v12 =	vadd.f32 $2.350000000e+01, v12  }
0x1e6: {  	v24 =	vmul.f32 $8.000000000e+00, v32;
	v23 =	vmul.f32 $8.000000000e+00, v31;
	v13 =	vadd.f32 $2.350000000e+01, v13  }
0x1e7: {  	v25 =	vmul.f32 $8.000000000e+00, v33;
	v14 =	vadd.f32 $2.350000000e+01, v14;
	v6 =	vadd.f32 $2.350000000e+01, v6  }
0x1e8: {  	v2 =	vmax.f32 v2, $1.600000000e+01;
	v15 =	vadd.f32 $2.350000000e+01, v15;
	v9 =	vadd.f32 $2.350000000e+01, v9  }
0x1e9: {  	v3 =	vmax.f32 v3, $1.600000000e+01;
	v16 =	vadd.f32 $2.350000000e+01, v16;
	v18 =	vadd.f32 $2.350000000e+01, v18  }
0x1ea: {  	v4 =	vmax.f32 v4, $1.600000000e+01;
	v17 =	vadd.f32 $2.350000000e+01, v17;
	v19 =	vadd.f32 $2.350000000e+01, v19  }
0x1eb: {  	v5 =	vmax.f32 v5, $1.600000000e+01;
	v20 =	vadd.f32 $2.350000000e+01, v20;
	v21 =	vadd.f32 $2.350000000e+01, v21  }
0x1ec: {  	v7 =	vmax.f32 v7, $1.600000000e+01;
	v22 =	vadd.f32 $2.350000000e+01, v22;
	v23 =	vadd.f32 $2.350000000e+01, v23  }
0x1ed: {  	v8 =	vmax.f32 v8, $1.600000000e+01;
	v25 =	vadd.f32 $2.350000000e+01, v25;
	v24 =	vadd.f32 $2.350000000e+01, v24  }
0x1ee: {  	v2 =	vmin.f32 v2, $3.100000000e+01;
	v10 =	vmax.f32 v10, $1.600000000e+01;
	v11 =	vmax.f32 v11, $1.600000000e+01  }
0x1ef: {  	v3 =	vmin.f32 v3, $3.100000000e+01;
	v4 =	vmin.f32 v4, $3.100000000e+01;
	v5 =	vmin.f32 v5, $3.100000000e+01  }
0x1f0: {  	v12 =	vmax.f32 v12, $1.600000000e+01;
	v14 =	vmax.f32 v14, $1.600000000e+01;
	v13 =	vmax.f32 v13, $1.600000000e+01  }
0x1f1: {  	v15 =	vmax.f32 v15, $1.600000000e+01;
	v26 =	vmax.f32 v6, $1.600000000e+01;
	v9 =	vmax.f32 v9, $1.600000000e+01  }
0x1f2: {  	v7 =	vmin.f32 v7, $3.100000000e+01;
	v16 =	vmax.f32 v16, $1.600000000e+01;
	v27 =	vmax.f32 v18, $1.600000000e+01  }
0x1f3: {  	v11 =	vmin.f32 v11, $3.100000000e+01;
	v29 =	vmin.f32 v10, $3.100000000e+01;
	v28 =	vmin.f32 v8, $3.100000000e+01  }
0x1f4: {  	v32 =	vmax.f32 v20, $1.600000000e+01;
	v30 =	vmax.f32 v17, $1.600000000e+01;
	v31 =	vmax.f32 v19, $1.600000000e+01  }
0x1f5: {  	v33 =	vmax.f32 v21, $1.600000000e+01;
	v34 =	vmax.f32 v22, $1.600000000e+01;
	v35 =	vmax.f32 v23, $1.600000000e+01  }
0x1f6: {  	v37 =	vmax.f32 v25, $1.600000000e+01;
	v36 =	vmax.f32 v24, $1.600000000e+01;
	v8 =	vadd.f32 $8.388608000e+06, v2  }
0x1f7: {  	v2 =	vadd.f32 $8.388608000e+06, v4;
	v38 =	vmin.f32 v12, $3.100000000e+01;
	v6 =	vadd.f32 $8.388608000e+06, v3  }
0x1f8: {  	v18 =	vmin.f32 v14, $3.100000000e+01;
	v17 =	vmin.f32 v13, $3.100000000e+01;
	v3 =	vadd.f32 $8.388608000e+06, v5  }
0x1f9: {  	v20 =	vmin.f32 v15, $3.100000000e+01;
	v19 =	vmin.f32 v26, $3.100000000e+01;
	v13 =	vmin.f32 v9, $3.100000000e+01  }
.Ltmp2:
0x1fa: {  	v15 =	vmin.f32 v16, $3.100000000e+01;
	v10 =	vmin.f32 v27, $3.100000000e+01;
	v9 =	vadd.f32 $8.388608000e+06, v7;
	(pc) =	sbr.rel @p1 .LBB2_7-.Ltmp2, $4  }
0x1fb: {  	v4 =	vadd.f32 $8.388608000e+06, v29;
	v21 =	vmin.f32 v30, $3.100000000e+01;
	v7 =	vadd.f32 $8.388608000e+06, v28  }
0x1fc: {  	v5 =	vadd.f32 $8.388608000e+06, v11;
	v23 =	vmin.f32 v32, $3.100000000e+01;
	v22 =	vmin.f32 v31, $3.100000000e+01  }
0x1fd: {  	v24 =	vmin.f32 v33, $3.100000000e+01;
	v25 =	vmin.f32 v34, $3.100000000e+01;
	v14 =	vmin.f32 v35, $3.100000000e+01  }
0x1fe: {  	s31 =	sadd.s32 $0x800, s31;
	s1 =	sadd.s32 $0x40, s1;
	v12 =	vmin.f32 v37, $3.100000000e+01;
	v16 =	vmin.f32 v36, $3.100000000e+01;
	v11 =	vadd.f32 $8.388608000e+06, v38  }
0x1ff: {  	v17 =	vadd.f32 $8.388608000e+06, v17  }
0x200: {  	v18 =	vadd.f32 $8.388608000e+06, v18;
	v8 =	vshll.u32 v8, $0x4;
	v19 =	vadd.f32 $8.388608000e+06, v19  }
0x201: {  	v20 =	vadd.f32 $8.388608000e+06, v20;
	v6 =	vshll.u32 v6, $0x4;
	v13 =	vadd.f32 $8.388608000e+06, v13  }
0x202: {  	v15 =	vadd.f32 $8.388608000e+06, v15;
	v2 =	vshll.u32 v2, $0x4;
	v21 =	vadd.f32 $8.388608000e+06, v21  }
0x203: {  	v10 =	vadd.f32 $8.388608000e+06, v10;
	v3 =	vshll.u32 v3, $0x4;
	v22 =	vadd.f32 $8.388608000e+06, v22  }
0x204: {  	v23 =	vadd.f32 $8.388608000e+06, v23;
	v9 =	vshll.u32 v9, $0x4;
	v24 =	vadd.f32 $8.388608000e+06, v24  }
0x205: {  	v25 =	vadd.f32 $8.388608000e+06, v25;
	v7 =	vshll.u32 v7, $0x4;
	v14 =	vadd.f32 $8.388608000e+06, v14  }
0x206: {  	v16 =	vadd.f32 $8.388608000e+06, v16;
	v4 =	vshll.u32 v4, $0x4;
	v12 =	vadd.f32 $8.388608000e+06, v12  }
0x207: {  	v5 =	vshll.u32 v5, $0x4;
	v8 =	vadd.s32 v8, v11;
	v6 =	vadd.s32 v6, v17  }
0x208: {  	v2 =	vadd.s32 v2, v18;
	v3 =	vadd.s32 v3, v19;
	v9 =	vadd.s32 v9, v21  }
0x209: {  	v7 =	vadd.s32 v7, v22;
	v59 =	vshll.u32 v25, $0x8;
	v4 =	vadd.s32 v4, v23  }
0x20a: {  	v5 =	vadd.s32 v5, v24;
	v14 =	vshll.u32 v14, $0x8;
	v9 =	vadd.s32 v59, v9  }
0x20b: {  	v60 =	vshll.u32 v16, $0x8;
	v7 =	vadd.s32 v14, v7;
	v9 =	vadd.s32 $0x4FFEEF0, v9  }
0x20c: {  	v12 =	vshll.u32 v12, $0x8;
	v4 =	vadd.s32 v60, v4;
	v7 =	vadd.s32 $0x4FFEEF0, v7  }
0x20d: {  	v61 =	vshll.u32 v20, $0x8;
	v5 =	vadd.s32 v12, v5;
	v4 =	vadd.s32 $0x4FFEEF0, v4  }
0x20e: {  	v62 =	vshll.u32 v13, $0x8;
	v8 =	vadd.s32 v61, v8;
	v5 =	vadd.s32 $0x4FFEEF0, v5  }
0x20f: {  	v63 =	vshll.u32 v15, $0x8;
	v6 =	vadd.s32 v62, v6;
	v8 =	vadd.s32 $0x4FFEEF0, v8  }
0x210: {  	v10 =	vshll.u32 v10, $0x8;
	v2 =	vadd.s32 v63, v2;
	v6 =	vadd.s32 $0x4FFEEF0, v6;
	[tilespmem:v9+s20+$0x0] =	vst.idx.add.f32.msk $0xffff, v1  }
0x211: {  	v3 =	vadd.s32 v10, v3;
	v2 =	vadd.s32 $0x4FFEEF0, v2;
	[tilespmem:v7+s20+$0x0] =	vst.idx.add.f32.msk $0xffff, v1  }
0x212: {  	v3 =	vadd.s32 $0x4FFEEF0, v3;
	[tilespmem:v4+s20+$0x0] =	vst.idx.add.f32.msk $0xffff, v1  }
0x213: {  	s0 =	smin.u32 s29, $0x1C;
	[tilespmem:v5+s20+$0x0] =	vst.idx.add.f32.msk $0xffff, v1  }
0x214: {  	s0 =	sshll.u32 s0, $0xC;
	[tilespmem:v8+s20+$0x0] =	vst.idx.add.f32.msk $0xffff, v1  }
0x215: {  	s0 =	sadd.s32 s0, s12;
	[tilespmem:v6+s20+$0x0] =	vst.idx.add.f32.msk $0xffff, v1  }
0x216: {  	s28 =	sadd.s32 $0x1, s28;
	s1 =	sshrl.u32 s0, $0x3;
	[tilespmem:v2+s20+$0x0] =	vst.idx.add.f32.msk $0xffff, v1  }
0x217: {  	p0 =	sne.s32 s28, $0x10;
	s31 =	sadd.s32 $0x40000, s0;
	s1 =	sadd.s32 s2, s1;
	[tilespmem:v3+s20+$0x0] =	vst.idx.add.f32.msk $0xffff, v1  }
0x218: {  	[tilespmem:s17], [sflag:$0x2] =	stream.linear.gather [hbm4b:s1+s3], $0x1000, $0x38;
	[tilespmem:$0x7000] =	vst v63  }
.Ltmp3:
0x219: {  	s0 =	sadd.s32 $0x80000, s0;
	s1 =	sshrl.u32 s31, $0x3;
	(pc) =	sbr.rel @p0 .LBB2_4-.Ltmp3, $4  }
0x21a: {  	s0 =	sshrl.u32 s0, $0x3;
	s1 =	sadd.s32 s2, s1  }
0x21b: {  	[tilespmem:s18], [sflag:$0x2] =	stream.linear.gather [hbm4b:s1+s3], $0x1000, $0x38;
	[tilespmem:$0x7000] =	vst v63  }
0x21c: {  	s0 =	sadd.s32 s2, s0  }
0x21d: {  	[tilespmem:s19], [sflag:$0x2] =	stream.linear.gather [hbm4b:s0+s3], $0x1000, $0x38;
	[tilespmem:$0x7000] =	vst v63  }
0x21e: {  	_ =	swait.ge [sflag:s4], $0x1000  }
0x21f: {  	[sflag:s4] =	ssyncset.done $0x0  }
0x220: {  	[sflag:s4] =	ssyncadd.s32 $0xFFFFF000  }
0x221: {  	_ =	swait.ge [sflag:s4], $0x1000  }
0x222: {  	[sflag:s4] =	ssyncset.done $0x0  }
0x223: {  	[sflag:s4] =	ssyncadd.s32 $0xFFFFF000  }
0x224: {  	_ =	swait.ge [sflag:s4], $0x1000  }
0x225: {  	[sflag:s4] =	ssyncset.done $0x0  }
0x226: {  	[sflag:s4] =	ssyncadd.s32 $0xFFFFF000  }
0x227: {  	_ =	swait.ge [sflag:s21], $0x1000  }
0x228: {  	[sflag:s21] =	ssyncset.done $0x0  }
0x229: {  	[sflag:s21] =	ssyncadd.s32 $0xFFFFF000  }
0x22a: {  	_ =	swait.ge [sflag:s21], $0x1000  }
0x22b: {  	[sflag:s21] =	ssyncset.done $0x0  }
0x22c: {  	[sflag:s21] =	ssyncadd.s32 $0xFFFFF000  }
0x22d: {  	s1 =	simm.s32 $0x80;
	s25 =	sadd.s32 $0x1, s25;
	_ =	swait.ge [sflag:s21], $0x1000  }
0x22e: {  	s6 =	simm.s32 $0x400;
	p0 =	sne.s32 s25, s14;
	[sflag:s21] =	ssyncset.done $0x0  }
.Ltmp4:
0x22f: {  	s0 =	rddreg [dreg:$0x8];
	[sflag:s21] =	ssyncadd.s32 $0xFFFFF000;
	(pc) =	sbr.rel @p0 .LBB2_1-.Ltmp4, $4  }
0x230: {  	[hbm4b:s0+s1] =	stream.strided.scatter [tilespmem:s20], [sflag:$0x3], $0x1000, s6, s1, $0x38;
	[tilespmem:$0x7000] =	vst v63  }
0x231: {  	_ =	swait.ge [sflag:s24], $0x1000  }
0x232: {  	[sflag:s24] =	ssyncset.done $0x0  }
0x233: {  	[sflag:s24] =	ssyncadd.s32 $0xFFFFF000  }
0x234: {  	_ =	sfence.sel $0x180000  }
0x235: {  	[bflag:$0x0] =	sbarrier.arrive $0xFFFF  }
0x236: {  	_ =	strace $0x90000047  }
0x237: {  	s0 =	stileid.u32;
	[bflag:$0x2] =	sbarrier.arrive $0xFFFF  }
0x238: {  	p0 =	sne.s32 s0, $0x0;
	s0 =	rddreg [dreg:$0x2]  }
0x239: {  	s0 =	sadd.s32 @!p0 $0x100000, s0  }
0x23a: {  	[sflag:s0] =	ssyncadd.tile.s32 @!p0 $0x1;
	_ =	shalt  }
.Lfunc_end2:
_tile_overlayer_lowered:
.L_overlay_start_2:
0x23b: {  	(tag) =	ssettag $0x2  }
0x23c: {  	s0 =	rddreg [dreg:$0x0];
	s2 =	stileid.u32  }
0x23d: {  	s1 =	rddreg [dreg:$0x1];
	p0 =	sne.s32 s2, $0x0  }
0x23e: {  	s3 =	rddreg [dreg:$0x2];
	[bflag:$0x3] =	sbarrier.arrive $0xFFFF;
	s2 =	simm.s32 @!p0 $0x1C03  }
0x23f: {  	[timem:s3], [sflag:s2] =	dma.local @!p0 [hbm:s0], s1  }
0x240: {  	s0 =	simm.s32 @!p0 $0x3  }
0x241: {  	_ =	swait.ge @!p0 [sflag:s0], s1  }
0x242: {  	s1 =	ssub.s32 @!p0 $0x0, s1;
	[sflag:s0] =	ssyncset.done @!p0 $0x0  }
0x243: {  	[sflag:s0] =	ssyncadd.s32 @!p0 s1  }
0x244: {  	[bflag:$0x3] =	sbarrier.arrive $0xFFFF  }
0x245: {  	_ =	shalt  }

</sc_bundles>
